<compile_context>
chip_gen: v7x
topology: tpu7x:2x2x1
jax: 0.10.2.dev20260603
libtpu: 0.0.44.dev20260713+nightly
codegen_flags: <defaults>
</compile_context>

<pallas_src>
import functools

import jax
import jax.numpy as jnp
from jax import lax
from jax.experimental import pallas as pl
from jax.experimental.pallas import tpu as pltpu
from jax.experimental.pallas import tpu_sc as plsc

V = 8192
NTOK = 20480
LANES = 16
NW = 32
PER_W = NTOK // NW
K = 2
NB = PER_W // K
NBUF = 4
UNROLL = 8
PICK_CH = 128


def _sc_body(idx2_hbm, tgtf_hbm, table_hbm,
             out_hbm, se_hbm, pk_hbm,
             idx_v, tgtf_v, fidx_v, pk_v,
             buf0, buf1, buf2, buf3, se_v,
             g0, g1, g2, g3, s0, s1, s2, s3, psem):
    cid = lax.axis_index("c")
    sid = lax.axis_index("s")
    w = sid * 2 + cid
    rb = w * NB
    tb = w * PER_W

    pltpu.sync_copy(idx2_hbm.at[pl.ds(rb, NB)], idx_v)
    pltpu.sync_copy(tgtf_hbm.at[pl.ds(tb, PER_W)], tgtf_v)

    bufs = (buf0, buf1, buf2, buf3)
    gsems = (g0, g1, g2, g3)
    ssems = (s0, s1, s2, s3)

    def start_gather(g, b):
        pltpu.async_copy(table_hbm.at[idx_v.at[g]], bufs[b], gsems[b])

    def start_store(g, b):
        for r in range(K):
            pltpu.async_copy(bufs[b].at[r],
                             out_hbm.at[pl.ds((tb + g * K + r) * V, V)],
                             ssems[b])

    def wait_store(g, b):
        for r in range(K):
            pltpu.make_async_copy(bufs[b].at[r],
                                  out_hbm.at[pl.ds((tb + g * K + r) * V, V)],
                                  ssems[b]).wait()

    start_gather(0, 0)
    start_gather(1, 1)

    def do_batch(g, b, bn):
        buf = bufs[b]
        @pl.when(jnp.logical_and(g >= 2, g + 2 < NB))
        def _():
            wait_store(g - 2, bn)

        @pl.when(g + 2 < NB)
        def _():
            start_gather(g + 2, bn)

        pltpu.make_async_copy(table_hbm.at[idx_v.at[g]], buf, gsems[b]).wait()
        for r in range(K):
            tok = g * K + r

            def body(c, acc, _r=r, _buf=buf):
                a = list(acc)
                base = c * (UNROLL * LANES)
                for j in range(UNROLL):
                    a[j % 4] = a[j % 4] + jnp.exp(
                        _buf[_r, pl.ds(base + j * LANES, LANES)])
                return tuple(a)

            z = jnp.zeros((LANES,), jnp.float32)
            a0, a1, a2, a3 = lax.fori_loop(
                0, V // (UNROLL * LANES), body, (z, z, z, z))
            se_v[pl.ds(tok * LANES, LANES)] = (a0 + a1) + (a2 + a3)
        start_store(g, b)

    def outer(it, carry):
        base_g = it * NBUF
        for j in range(NBUF):
            do_batch(base_g + j, j, (j + 2) % NBUF)
        return carry

    lax.fori_loop(0, NB // NBUF, outer, 0)
    for j in range(NBUF):
        wait_store(NB - NBUF + j, j)

    pltpu.sync_copy(se_v, se_hbm.at[pl.ds(tb * LANES, PER_W * LANES)])

    lane = lax.iota(jnp.int32, 16)

    def fidx_body(j, carry):
        t16 = tgtf_v[pl.ds(j * LANES, LANES)]
        tok16 = (tb + j * LANES) + lane
        fidx_v[pl.ds(j * LANES, LANES)] = tok16 * V + t16
        return carry

    lax.fori_loop(0, PER_W // LANES, fidx_body, 0)
    for q in range(PER_W // PICK_CH):
        pltpu.async_copy(
            out_hbm.at[fidx_v.at[pl.ds(q * PICK_CH, PICK_CH)]],
            pk_v.at[pl.ds(q * PICK_CH, PICK_CH)], psem)
    for q in range(PER_W // PICK_CH):
        pltpu.make_async_copy(
            out_hbm.at[fidx_v.at[pl.ds(q * PICK_CH, PICK_CH)]],
            pk_v.at[pl.ds(q * PICK_CH, PICK_CH)], psem).wait()
    pltpu.sync_copy(pk_v, pk_hbm.at[pl.ds(tb, PER_W)])


_sc_gather_lse = functools.partial(
    pl.kernel,
    mesh=plsc.VectorSubcoreMesh(core_axis_name="c", subcore_axis_name="s"),
    out_type=[
        jax.ShapeDtypeStruct((NTOK * V,), jnp.float32),
        jax.ShapeDtypeStruct((NTOK * LANES,), jnp.float32),
        jax.ShapeDtypeStruct((NTOK,), jnp.float32),
    ],
    scratch_types=[
        pltpu.VMEM((NB, K), jnp.int32),
        pltpu.VMEM((PER_W,), jnp.int32),
        pltpu.VMEM((PER_W,), jnp.int32),
        pltpu.VMEM((PER_W,), jnp.float32),
        pltpu.VMEM((K, V), jnp.float32),
        pltpu.VMEM((K, V), jnp.float32),
        pltpu.VMEM((K, V), jnp.float32),
        pltpu.VMEM((K, V), jnp.float32),
        pltpu.VMEM((PER_W * LANES,), jnp.float32),
        pltpu.SemaphoreType.DMA,
        pltpu.SemaphoreType.DMA,
        pltpu.SemaphoreType.DMA,
        pltpu.SemaphoreType.DMA,
        pltpu.SemaphoreType.DMA,
        pltpu.SemaphoreType.DMA,
        pltpu.SemaphoreType.DMA,
        pltpu.SemaphoreType.DMA,
        pltpu.SemaphoreType.DMA,
    ],
)(_sc_body)


BATCH = 1024
TSEQ = 20
RPB = TSEQ * V // 128


def _asm_body(in_ref, out_ref):
    out_ref[...] = in_ref[...].reshape(1, TSEQ, V)


_assemble = pl.pallas_call(
    _asm_body,
    grid=(BATCH,),
    in_specs=[pl.BlockSpec((RPB, 128), lambda b: (b, 0))],
    out_specs=pl.BlockSpec((1, TSEQ, V), lambda b: (b, 0, 0)),
    out_shape=jax.ShapeDtypeStruct((BATCH, TSEQ, V), jnp.float32),
)


def _epi_body(se_ref, pk_ref, out_ref):
    se = se_ref[...]
    s = jnp.sum(se, axis=-1, keepdims=True)
    lse = jnp.log(s)
    pk = pk_ref[...]
    out_ref[...] = (jnp.sum(lse - pk) * (1.0 / NTOK)).reshape(1, 1)


_epilogue = pl.pallas_call(
    _epi_body,
    out_shape=jax.ShapeDtypeStruct((1, 1), jnp.float32),
)


def kernel(idx, targets, table):
    idxf = idx.reshape(NTOK).astype(jnp.int32)
    idx2 = idxf.reshape(NTOK // K, K)
    tgtf = targets.reshape(NTOK).astype(jnp.int32)
    logits_flat, se, pk = _sc_gather_lse(idx2, tgtf, table)
    loss2d = _epilogue(se.reshape(NTOK, LANES), pk.reshape(NTOK, 1))
    logits = _assemble(logits_flat.reshape(NTOK * V // 128, 128))
    return logits, loss2d[0, 0]

# --- scband reference (transcript-rebuilt; emitter-appended) ---
"""Pipeline reference for scband-bigram-lm-4647154614563 (READ-ONLY COPY).

The authoritative reference and input builder live on the scoring server;
editing this copy changes nothing except your own understanding.
"""

import jax, jax.numpy as jnp
import numpy as np

VOCAB = 8192
B = 1024
T = 20

def setup_inputs(seed: int = 0) -> dict:
    key = jax.random.key(seed)
    k1, k2, k3 = jax.random.split(key, 3)
    idx = jax.random.randint(k1, (B, T), 0, VOCAB, dtype=jnp.int64 if jax.config.jax_enable_x64 else jnp.int32)
    targets = jax.random.randint(k2, (B, T), 0, VOCAB, dtype=jnp.int64 if jax.config.jax_enable_x64 else jnp.int32)
    table = jax.random.normal(k3, (VOCAB, VOCAB), dtype=jnp.float32)
    return {"idx": idx, "targets": targets, "table": table}

def reference(idx, targets, table):
    # logits = token_embedding_table(idx)  -> gather rows
    logits = jnp.take(table, idx, axis=0)  # [B, T, V]
    Bn, Tn, C = logits.shape
    logits_flat = logits.reshape(Bn * Tn, C)
    targets_flat = targets.reshape(Bn * Tn)
    # F.cross_entropy: mean over tokens of (logsumexp(logits) - logits[target])
    lse = jax.nn.logsumexp(logits_flat, axis=-1)
    picked = jnp.take_along_axis(logits_flat, targets_flat[:, None], axis=1)[:, 0]
    loss = jnp.mean(lse - picked)
    return logits, loss

if __name__ == "__main__":
    import jax
    _d = setup_inputs()
    print(jax.jit(kernel)(*tuple(_d.values())))

</pallas_src>

<mosaic_0001>
#map = affine_map<(d0, d1) -> (0, 0)>
#map1 = affine_map<(d0, d1) -> (0)>
module attributes {stable_mosaic.version = 14 : i64} {
  func.func @_sc_body(%arg0: i32, %arg1: i32, %arg2: memref<10240x2xi32, #tpu.memory_space<hbm>>, %arg3: memref<20480xi32, #tpu.memory_space<hbm>>, %arg4: memref<8192x8192xf32, #tpu.memory_space<hbm>>, %arg5: memref<167772160xf32, #tpu.memory_space<hbm>>, %arg6: memref<327680xf32, #tpu.memory_space<hbm>>, %arg7: memref<20480xf32, #tpu.memory_space<hbm>>, %arg8: memref<320x2xi32, #tpu.memory_space<vmem>>, %arg9: memref<640xi32, #tpu.memory_space<vmem>>, %arg10: memref<640xi32, #tpu.memory_space<vmem>>, %arg11: memref<640xf32, #tpu.memory_space<vmem>>, %arg12: memref<2x8192xf32, #tpu.memory_space<vmem>>, %arg13: memref<2x8192xf32, #tpu.memory_space<vmem>>, %arg14: memref<2x8192xf32, #tpu.memory_space<vmem>>, %arg15: memref<2x8192xf32, #tpu.memory_space<vmem>>, %arg16: memref<10240xf32, #tpu.memory_space<vmem>>, %arg17: memref<!tpu.dma_semaphore, #tpu.memory_space<semaphore_mem>>, %arg18: memref<!tpu.dma_semaphore, #tpu.memory_space<semaphore_mem>>, %arg19: memref<!tpu.dma_semaphore, #tpu.memory_space<semaphore_mem>>, %arg20: memref<!tpu.dma_semaphore, #tpu.memory_space<semaphore_mem>>, %arg21: memref<!tpu.dma_semaphore, #tpu.memory_space<semaphore_mem>>, %arg22: memref<!tpu.dma_semaphore, #tpu.memory_space<semaphore_mem>>, %arg23: memref<!tpu.dma_semaphore, #tpu.memory_space<semaphore_mem>>, %arg24: memref<!tpu.dma_semaphore, #tpu.memory_space<semaphore_mem>>, %arg25: memref<!tpu.dma_semaphore, #tpu.memory_space<semaphore_mem>>) attributes {dimension_semantics = [#tpu.dimension_semantics<core_parallel>, #tpu.dimension_semantics<subcore_parallel>], iteration_bounds = array<i64: 2, 16>, scalar_prefetch = 0 : i64, scratch_operands = 18 : i64, tpu.core_type = #tpu.core_type<sc_vector_subcore>, window_params = [{transform_indices = #map}, {transform_indices = #map1}, {transform_indices = #map}, {transform_indices = #map1}, {transform_indices = #map1}, {transform_indices = #map1}]} {
    %mul3A = arith.constant 2 : i32
    %mul3A_0 = arith.muli %arg1, %mul3A : i32
    %add3A = arith.addi %mul3A_0, %arg0 : i32
    %mul3A_1 = arith.constant 320 : i32
    %mul3A_2 = arith.muli %add3A, %mul3A_1 : i32
    %mul3A_3 = arith.constant 640 : i32
    %mul3A_4 = arith.muli %add3A, %mul3A_3 : i32
    "tpu.region"() ({
      %run_scoped3A = tpu.sem_alloc : memref<!tpu.dma_semaphore, #tpu.memory_space<semaphore_mem>>
      %dma_start3A_210 = arith.constant 0 : i32
      %dma_start3A_211 = tpu.memref_slice %arg2[%mul3A_2, %dma_start3A_210] : memref<10240x2xi32, #tpu.memory_space<hbm>> -> memref<320x2xi32, #tpu.memory_space<hbm>>
      %dma_start3A_212 = arith.constant 0 : i32
      %dma_start3A_213 = tpu.memref_slice %arg2[%mul3A_2, %dma_start3A_212] : memref<10240x2xi32, #tpu.memory_space<hbm>> -> memref<320x2xi32, #tpu.memory_space<hbm>>
      tpu.enqueue_dma source(%dma_start3A_213 : memref<320x2xi32, #tpu.memory_space<hbm>>) target(%arg8 : memref<320x2xi32, #tpu.memory_space<vmem>>) target_semaphore(%run_scoped3A : memref<!tpu.dma_semaphore, #tpu.memory_space<semaphore_mem>>)
      %dma_wait3A_214 = arith.constant 0 : i32
      %dma_wait3A_215 = tpu.memref_slice %arg2[%mul3A_2, %dma_wait3A_214] : memref<10240x2xi32, #tpu.memory_space<hbm>> -> memref<320x2xi32, #tpu.memory_space<hbm>>
      %dma_wait3A_216 = arith.constant 0 : i32
      %dma_wait3A_217 = tpu.memref_slice %arg2[%mul3A_2, %dma_wait3A_216] : memref<10240x2xi32, #tpu.memory_space<hbm>> -> memref<320x2xi32, #tpu.memory_space<hbm>>
      tpu.wait_dma2 semaphore(%run_scoped3A : memref<!tpu.dma_semaphore, #tpu.memory_space<semaphore_mem>>) src(%dma_wait3A_217 : memref<320x2xi32, #tpu.memory_space<hbm>>) dst(%arg8 : memref<320x2xi32, #tpu.memory_space<vmem>>)
      tpu.yield
    }) : () -> ()
    "tpu.region"() ({
      %run_scoped3A = tpu.sem_alloc : memref<!tpu.dma_semaphore, #tpu.memory_space<semaphore_mem>>
      %dma_start3A_210 = tpu.memref_slice %arg3[%mul3A_4] : memref<20480xi32, #tpu.memory_space<hbm>> -> memref<640xi32, #tpu.memory_space<hbm>>
      %dma_start3A_211 = tpu.memref_slice %arg3[%mul3A_4] : memref<20480xi32, #tpu.memory_space<hbm>> -> memref<640xi32, #tpu.memory_space<hbm>>
      tpu.enqueue_dma source(%dma_start3A_211 : memref<640xi32, #tpu.memory_space<hbm>>) target(%arg9 : memref<640xi32, #tpu.memory_space<vmem>>) target_semaphore(%run_scoped3A : memref<!tpu.dma_semaphore, #tpu.memory_space<semaphore_mem>>)
      %dma_wait3A_212 = tpu.memref_slice %arg3[%mul3A_4] : memref<20480xi32, #tpu.memory_space<hbm>> -> memref<640xi32, #tpu.memory_space<hbm>>
      %dma_wait3A_213 = tpu.memref_slice %arg3[%mul3A_4] : memref<20480xi32, #tpu.memory_space<hbm>> -> memref<640xi32, #tpu.memory_space<hbm>>
      tpu.wait_dma2 semaphore(%run_scoped3A : memref<!tpu.dma_semaphore, #tpu.memory_space<semaphore_mem>>) src(%dma_wait3A_213 : memref<640xi32, #tpu.memory_space<hbm>>) dst(%arg9 : memref<640xi32, #tpu.memory_space<vmem>>)
      tpu.yield
    }) : () -> ()
    %dma_start3A = arith.constant 0 : i32
    %dma_start3A_5 = arith.constant 0 : i32
    %dma_start3A_6 = tpu.memref_slice %arg8[%dma_start3A, %dma_start3A_5] : memref<320x2xi32, #tpu.memory_space<vmem>> -> memref<1x2xi32, #tpu.memory_space<vmem>>
    %dma_start3A_7 = tpu.memref_squeeze %dma_start3A_6 : memref<1x2xi32, #tpu.memory_space<vmem>> -> memref<2xi32, #tpu.memory_space<vmem>>
    %dma_start3A_8 = arith.constant 0 : i32
    %dma_start3A_9 = arith.constant 0 : i32
    %dma_start3A_10 = tpu.memref_slice %arg4[%dma_start3A_8, %dma_start3A_9] : memref<8192x8192xf32, #tpu.memory_space<hbm>> -> memref<8192x8192xf32, #tpu.memory_space<hbm>>
    tpu.enqueue_indirect_dma source(%dma_start3A_10 : memref<8192x8192xf32, #tpu.memory_space<hbm>>) target(%arg12 : memref<2x8192xf32, #tpu.memory_space<vmem>>) offsets(%dma_start3A_7 : memref<2xi32, #tpu.memory_space<vmem>>) semaphore(%arg17 : memref<!tpu.dma_semaphore, #tpu.memory_space<semaphore_mem>>)
    %dma_start3A_11 = arith.constant 1 : i32
    %dma_start3A_12 = arith.constant 0 : i32
    %dma_start3A_13 = tpu.memref_slice %arg8[%dma_start3A_11, %dma_start3A_12] : memref<320x2xi32, #tpu.memory_space<vmem>> -> memref<1x2xi32, #tpu.memory_space<vmem>>
    %dma_start3A_14 = tpu.memref_squeeze %dma_start3A_13 : memref<1x2xi32, #tpu.memory_space<vmem>> -> memref<2xi32, #tpu.memory_space<vmem>>
    %dma_start3A_15 = arith.constant 0 : i32
    %dma_start3A_16 = arith.constant 0 : i32
    %dma_start3A_17 = tpu.memref_slice %arg4[%dma_start3A_15, %dma_start3A_16] : memref<8192x8192xf32, #tpu.memory_space<hbm>> -> memref<8192x8192xf32, #tpu.memory_space<hbm>>
    tpu.enqueue_indirect_dma source(%dma_start3A_17 : memref<8192x8192xf32, #tpu.memory_space<hbm>>) target(%arg13 : memref<2x8192xf32, #tpu.memory_space<vmem>>) offsets(%dma_start3A_14 : memref<2xi32, #tpu.memory_space<vmem>>) semaphore(%arg18 : memref<!tpu.dma_semaphore, #tpu.memory_space<semaphore_mem>>)
    %scan3A = arith.constant 0 : i32
    %scan3A_18 = arith.constant 0 : i32
    %scan3A_19 = arith.constant 80 : i32
    %scan3A_20 = arith.addi %scan3A_18, %scan3A_19 : i32
    %scan3A_21 = arith.constant 1 : i32
    scf.for %scan3A_210 = %scan3A_18 to %scan3A_20 step %scan3A_21  : i32 {
      %mul3A_211 = arith.constant 4 : i32
      %mul3A_212 = arith.muli %scan3A_210, %mul3A_211 : i32
      %add3A_213 = arith.constant 0 : i32
      %add3A_214 = arith.addi %mul3A_212, %add3A_213 : i32
      %ge3A = arith.constant 2 : i32
      %ge3A_215 = arith.cmpi sge, %add3A_214, %ge3A : i32
      %add3A_216 = arith.constant 2 : i32
      %add3A_217 = arith.addi %add3A_214, %add3A_216 : i32
      %lt3A = arith.constant 320 : i32
      %lt3A_218 = arith.cmpi slt, %add3A_217, %lt3A : i32
      %and3A = arith.andi %ge3A_215, %lt3A_218 : i1
      %convert_element_type3A = arith.extui %and3A : i1 to i32
      %cond3A = arith.constant 0 : i32
      %cond3A_219 = arith.cmpi ne, %convert_element_type3A, %cond3A : i32
      scf.if %cond3A_219 {
        %sub3A = arith.constant 2 : i32
        %sub3A_602 = arith.subi %add3A_214, %sub3A : i32
        %mul3A_603 = arith.constant 2 : i32
        %mul3A_604 = arith.muli %sub3A_602, %mul3A_603 : i32
        %add3A_605 = arith.addi %mul3A_4, %mul3A_604 : i32
        %add3A_606 = arith.constant 0 : i32
        %add3A_607 = arith.addi %add3A_605, %add3A_606 : i32
        %mul3A_608 = arith.constant 8192 : i32
        %mul3A_609 = arith.muli %add3A_607, %mul3A_608 : i32
        %dma_wait3A_610 = arith.constant 0 : i32
        %dma_wait3A_611 = arith.constant 0 : i32
        %dma_wait3A_612 = tpu.memref_slice %arg14[%dma_wait3A_610, %dma_wait3A_611] : memref<2x8192xf32, #tpu.memory_space<vmem>> -> memref<1x8192xf32, #tpu.memory_space<vmem>>
        %dma_wait3A_613 = tpu.memref_squeeze %dma_wait3A_612 : memref<1x8192xf32, #tpu.memory_space<vmem>> -> memref<8192xf32, #tpu.memory_space<vmem>>
        %dma_wait3A_614 = tpu.memref_slice %arg5[%mul3A_609] : memref<167772160xf32, #tpu.memory_space<hbm>> -> memref<8192xf32, #tpu.memory_space<hbm>>
        %dma_wait3A_615 = tpu.memref_slice %arg5[%mul3A_609] : memref<167772160xf32, #tpu.memory_space<hbm>> -> memref<8192xf32, #tpu.memory_space<hbm>>
        %dma_wait3A_616 = arith.constant 0 : i32
        %dma_wait3A_617 = tpu.memref_slice %arg14[%dma_wait3A_610, %dma_wait3A_616] : memref<2x8192xf32, #tpu.memory_space<vmem>> -> memref<1x8192xf32, #tpu.memory_space<vmem>>
        %dma_wait3A_618 = tpu.memref_squeeze %dma_wait3A_617 : memref<1x8192xf32, #tpu.memory_space<vmem>> -> memref<8192xf32, #tpu.memory_space<vmem>>
        tpu.wait_dma2 semaphore(%arg23 : memref<!tpu.dma_semaphore, #tpu.memory_space<semaphore_mem>>) src(%dma_wait3A_618 : memref<8192xf32, #tpu.memory_space<vmem>>) dst(%dma_wait3A_615 : memref<8192xf32, #tpu.memory_space<hbm>>)
        %mul3A_619 = arith.constant 2 : i32
        %mul3A_620 = arith.muli %sub3A_602, %mul3A_619 : i32
        %add3A_621 = arith.addi %mul3A_4, %mul3A_620 : i32
        %add3A_622 = arith.constant 1 : i32
        %add3A_623 = arith.addi %add3A_621, %add3A_622 : i32
        %mul3A_624 = arith.constant 8192 : i32
        %mul3A_625 = arith.muli %add3A_623, %mul3A_624 : i32
        %dma_wait3A_626 = arith.constant 1 : i32
        %dma_wait3A_627 = arith.constant 0 : i32
        %dma_wait3A_628 = tpu.memref_slice %arg14[%dma_wait3A_626, %dma_wait3A_627] : memref<2x8192xf32, #tpu.memory_space<vmem>> -> memref<1x8192xf32, #tpu.memory_space<vmem>>
        %dma_wait3A_629 = tpu.memref_squeeze %dma_wait3A_628 : memref<1x8192xf32, #tpu.memory_space<vmem>> -> memref<8192xf32, #tpu.memory_space<vmem>>
        %dma_wait3A_630 = tpu.memref_slice %arg5[%mul3A_625] : memref<167772160xf32, #tpu.memory_space<hbm>> -> memref<8192xf32, #tpu.memory_space<hbm>>
        %dma_wait3A_631 = tpu.memref_slice %arg5[%mul3A_625] : memref<167772160xf32, #tpu.memory_space<hbm>> -> memref<8192xf32, #tpu.memory_space<hbm>>
        %dma_wait3A_632 = arith.constant 0 : i32
        %dma_wait3A_633 = tpu.memref_slice %arg14[%dma_wait3A_626, %dma_wait3A_632] : memref<2x8192xf32, #tpu.memory_space<vmem>> -> memref<1x8192xf32, #tpu.memory_space<vmem>>
        %dma_wait3A_634 = tpu.memref_squeeze %dma_wait3A_633 : memref<1x8192xf32, #tpu.memory_space<vmem>> -> memref<8192xf32, #tpu.memory_space<vmem>>
        tpu.wait_dma2 semaphore(%arg23 : memref<!tpu.dma_semaphore, #tpu.memory_space<semaphore_mem>>) src(%dma_wait3A_634 : memref<8192xf32, #tpu.memory_space<vmem>>) dst(%dma_wait3A_631 : memref<8192xf32, #tpu.memory_space<hbm>>)
      } else {
      }
      %add3A_220 = arith.constant 2 : i32
      %add3A_221 = arith.addi %add3A_214, %add3A_220 : i32
      %lt3A_222 = arith.constant 320 : i32
      %lt3A_223 = arith.cmpi slt, %add3A_221, %lt3A_222 : i32
      %convert_element_type3A_224 = arith.extui %lt3A_223 : i1 to i32
      %cond3A_225 = arith.constant 0 : i32
      %cond3A_226 = arith.cmpi ne, %convert_element_type3A_224, %cond3A_225 : i32
      scf.if %cond3A_226 {
        %add3A_602 = arith.constant 2 : i32
        %add3A_603 = arith.addi %add3A_214, %add3A_602 : i32
        %dma_start3A_604 = arith.constant 0 : i32
        %dma_start3A_605 = tpu.memref_slice %arg8[%add3A_603, %dma_start3A_604] : memref<320x2xi32, #tpu.memory_space<vmem>> -> memref<1x2xi32, #tpu.memory_space<vmem>>
        %dma_start3A_606 = tpu.memref_squeeze %dma_start3A_605 : memref<1x2xi32, #tpu.memory_space<vmem>> -> memref<2xi32, #tpu.memory_space<vmem>>
        %dma_start3A_607 = arith.constant 0 : i32
        %dma_start3A_608 = arith.constant 0 : i32
        %dma_start3A_609 = tpu.memref_slice %arg4[%dma_start3A_607, %dma_start3A_608] : memref<8192x8192xf32, #tpu.memory_space<hbm>> -> memref<8192x8192xf32, #tpu.memory_space<hbm>>
        tpu.enqueue_indirect_dma source(%dma_start3A_609 : memref<8192x8192xf32, #tpu.memory_space<hbm>>) target(%arg14 : memref<2x8192xf32, #tpu.memory_space<vmem>>) offsets(%dma_start3A_606 : memref<2xi32, #tpu.memory_space<vmem>>) semaphore(%arg19 : memref<!tpu.dma_semaphore, #tpu.memory_space<semaphore_mem>>)
      } else {
      }
      %dma_wait3A_227 = arith.constant 0 : i32
      %dma_wait3A_228 = tpu.memref_slice %arg8[%add3A_214, %dma_wait3A_227] : memref<320x2xi32, #tpu.memory_space<vmem>> -> memref<1x2xi32, #tpu.memory_space<vmem>>
      %dma_wait3A_229 = tpu.memref_squeeze %dma_wait3A_228 : memref<1x2xi32, #tpu.memory_space<vmem>> -> memref<2xi32, #tpu.memory_space<vmem>>
      %dma_wait3A_230 = arith.constant 0 : i32
      %dma_wait3A_231 = arith.constant 0 : i32
      %dma_wait3A_232 = tpu.memref_slice %arg4[%dma_wait3A_230, %dma_wait3A_231] : memref<8192x8192xf32, #tpu.memory_space<hbm>> -> memref<8192x8192xf32, #tpu.memory_space<hbm>>
      tpu.wait_indirect_dma semaphore(%arg17 : memref<!tpu.dma_semaphore, #tpu.memory_space<semaphore_mem>>) src(%dma_wait3A_232 : memref<8192x8192xf32, #tpu.memory_space<hbm>>) dst(%arg12 : memref<2x8192xf32, #tpu.memory_space<vmem>>)
      %mul3A_233 = arith.constant 2 : i32
      %mul3A_234 = arith.muli %add3A_214, %mul3A_233 : i32
      %add3A_235 = arith.constant 0 : i32
      %add3A_236 = arith.addi %mul3A_234, %add3A_235 : i32
      %broadcast_in_dim3A = arith.constant 0.000000e+00 : f32
      %broadcast_in_dim3A_237 = vector.broadcast %broadcast_in_dim3A : f32 to vector<16xf32>
      %scan3A_238 = arith.constant 0 : i32
      %scan3A_239 = arith.constant 64 : i32
      %scan3A_240 = arith.addi %scan3A_238, %scan3A_239 : i32
      %scan3A_241 = arith.constant 1 : i32
      %scan3A_242:4 = scf.for %scan3A_602 = %scan3A_238 to %scan3A_240 step %scan3A_241 iter_args(%scan3A_603 = %broadcast_in_dim3A_237, %scan3A_604 = %broadcast_in_dim3A_237, %scan3A_605 = %broadcast_in_dim3A_237, %scan3A_606 = %broadcast_in_dim3A_237) -> (vector<16xf32>, vector<16xf32>, vector<16xf32>, vector<16xf32>)  : i32 {
        %mul3A_607 = arith.constant 128 : i32
        %mul3A_608 = arith.muli %scan3A_602, %mul3A_607 : i32
        %add3A_609 = arith.constant 0 : i32
        %add3A_610 = arith.addi %mul3A_608, %add3A_609 : i32
        %get3A = arith.constant 0 : i32
        %get3A_611 = arith.index_cast %get3A : i32 to index
        %get3A_612 = arith.index_cast %add3A_610 : i32 to index
        %get3A_613 = tpu.vector_load %arg12[%get3A_611, %get3A_612] {strides = array<i32>} : memref<2x8192xf32, #tpu.memory_space<vmem>>, vector<1x16xf32>,
        %get3A_614 = vector.shape_cast %get3A_613 : vector<1x16xf32> to vector<16xf32>
        %exp3A = math.exp %get3A_614 : vector<16xf32>
        %add3A_615 = arith.addf %scan3A_603, %exp3A : vector<16xf32>
        %add3A_616 = arith.constant 16 : i32
        %add3A_617 = arith.addi %mul3A_608, %add3A_616 : i32
        %get3A_618 = arith.constant 0 : i32
        %get3A_619 = arith.index_cast %get3A_618 : i32 to index
        %get3A_620 = arith.index_cast %add3A_617 : i32 to index
        %get3A_621 = tpu.vector_load %arg12[%get3A_619, %get3A_620] {strides = array<i32>} : memref<2x8192xf32, #tpu.memory_space<vmem>>, vector<1x16xf32>,
        %get3A_622 = vector.shape_cast %get3A_621 : vector<1x16xf32> to vector<16xf32>
        %exp3A_623 = math.exp %get3A_622 : vector<16xf32>
        %add3A_624 = arith.addf %scan3A_604, %exp3A_623 : vector<16xf32>
        %add3A_625 = arith.constant 32 : i32
        %add3A_626 = arith.addi %mul3A_608, %add3A_625 : i32
        %get3A_627 = arith.constant 0 : i32
        %get3A_628 = arith.index_cast %get3A_627 : i32 to index
        %get3A_629 = arith.index_cast %add3A_626 : i32 to index
        %get3A_630 = tpu.vector_load %arg12[%get3A_628, %get3A_629] {strides = array<i32>} : memref<2x8192xf32, #tpu.memory_space<vmem>>, vector<1x16xf32>,
        %get3A_631 = vector.shape_cast %get3A_630 : vector<1x16xf32> to vector<16xf32>
        %exp3A_632 = math.exp %get3A_631 : vector<16xf32>
        %add3A_633 = arith.addf %scan3A_605, %exp3A_632 : vector<16xf32>
        %add3A_634 = arith.constant 48 : i32
        %add3A_635 = arith.addi %mul3A_608, %add3A_634 : i32
        %get3A_636 = arith.constant 0 : i32
        %get3A_637 = arith.index_cast %get3A_636 : i32 to index
        %get3A_638 = arith.index_cast %add3A_635 : i32 to index
        %get3A_639 = tpu.vector_load %arg12[%get3A_637, %get3A_638] {strides = array<i32>} : memref<2x8192xf32, #tpu.memory_space<vmem>>, vector<1x16xf32>,
        %get3A_640 = vector.shape_cast %get3A_639 : vector<1x16xf32> to vector<16xf32>
        %exp3A_641 = math.exp %get3A_640 : vector<16xf32>
        %add3A_642 = arith.addf %scan3A_606, %exp3A_641 : vector<16xf32>
        %add3A_643 = arith.constant 64 : i32
        %add3A_644 = arith.addi %mul3A_608, %add3A_643 : i32
        %get3A_645 = arith.constant 0 : i32
        %get3A_646 = arith.index_cast %get3A_645 : i32 to index
        %get3A_647 = arith.index_cast %add3A_644 : i32 to index
        %get3A_648 = tpu.vector_load %arg12[%get3A_646, %get3A_647] {strides = array<i32>} : memref<2x8192xf32, #tpu.memory_space<vmem>>, vector<1x16xf32>,
        %get3A_649 = vector.shape_cast %get3A_648 : vector<1x16xf32> to vector<16xf32>
        %exp3A_650 = math.exp %get3A_649 : vector<16xf32>
        %add3A_651 = arith.addf %add3A_615, %exp3A_650 : vector<16xf32>
        %add3A_652 = arith.constant 80 : i32
        %add3A_653 = arith.addi %mul3A_608, %add3A_652 : i32
        %get3A_654 = arith.constant 0 : i32
        %get3A_655 = arith.index_cast %get3A_654 : i32 to index
        %get3A_656 = arith.index_cast %add3A_653 : i32 to index
        %get3A_657 = tpu.vector_load %arg12[%get3A_655, %get3A_656] {strides = array<i32>} : memref<2x8192xf32, #tpu.memory_space<vmem>>, vector<1x16xf32>,
        %get3A_658 = vector.shape_cast %get3A_657 : vector<1x16xf32> to vector<16xf32>
        %exp3A_659 = math.exp %get3A_658 : vector<16xf32>
        %add3A_660 = arith.addf %add3A_624, %exp3A_659 : vector<16xf32>
        %add3A_661 = arith.constant 96 : i32
        %add3A_662 = arith.addi %mul3A_608, %add3A_661 : i32
        %get3A_663 = arith.constant 0 : i32
        %get3A_664 = arith.index_cast %get3A_663 : i32 to index
        %get3A_665 = arith.index_cast %add3A_662 : i32 to index
        %get3A_666 = tpu.vector_load %arg12[%get3A_664, %get3A_665] {strides = array<i32>} : memref<2x8192xf32, #tpu.memory_space<vmem>>, vector<1x16xf32>,
        %get3A_667 = vector.shape_cast %get3A_666 : vector<1x16xf32> to vector<16xf32>
        %exp3A_668 = math.exp %get3A_667 : vector<16xf32>
        %add3A_669 = arith.addf %add3A_633, %exp3A_668 : vector<16xf32>
        %add3A_670 = arith.constant 112 : i32
        %add3A_671 = arith.addi %mul3A_608, %add3A_670 : i32
        %get3A_672 = arith.constant 0 : i32
        %get3A_673 = arith.index_cast %get3A_672 : i32 to index
        %get3A_674 = arith.index_cast %add3A_671 : i32 to index
        %get3A_675 = tpu.vector_load %arg12[%get3A_673, %get3A_674] {strides = array<i32>} : memref<2x8192xf32, #tpu.memory_space<vmem>>, vector<1x16xf32>,
        %get3A_676 = vector.shape_cast %get3A_675 : vector<1x16xf32> to vector<16xf32>
        %exp3A_677 = math.exp %get3A_676 : vector<16xf32>
        %add3A_678 = arith.addf %add3A_642, %exp3A_677 : vector<16xf32>
        scf.yield %add3A_651, %add3A_660, %add3A_669, %add3A_678 : vector<16xf32>, vector<16xf32>, vector<16xf32>, vector<16xf32>
      }
      %scan3A_243 = arith.constant 64 : i32
      %add3A_244 = arith.addf %scan3A_242#0, %scan3A_242#1 : vector<16xf32>
      %add3A_245 = arith.addf %scan3A_242#2, %scan3A_242#3 : vector<16xf32>
      %add3A_246 = arith.addf %add3A_244, %add3A_245 : vector<16xf32>
      %mul3A_247 = arith.constant 16 : i32
      %mul3A_248 = arith.muli %add3A_236, %mul3A_247 : i32
      %swap3A = arith.index_cast %mul3A_248 : i32 to index
      %swap3A_249 = tpu.vector_load %arg16[%swap3A] {strides = array<i32>} : memref<10240xf32, #tpu.memory_space<vmem>>, vector<16xf32>,
      %swap3A_250 = vector.shape_cast %swap3A_249 : vector<16xf32> to vector<16xf32>
      %swap3A_251 = vector.shape_cast %add3A_246 : vector<16xf32> to vector<16xf32>
      tpu.vector_store %arg16[%swap3A], %swap3A_251 {strides = array<i32>} : memref<10240xf32, #tpu.memory_space<vmem>>, vector<16xf32>,
      %mul3A_252 = arith.constant 2 : i32
      %mul3A_253 = arith.muli %add3A_214, %mul3A_252 : i32
      %add3A_254 = arith.constant 1 : i32
      %add3A_255 = arith.addi %mul3A_253, %add3A_254 : i32
      %broadcast_in_dim3A_256 = arith.constant 0.000000e+00 : f32
      %broadcast_in_dim3A_257 = vector.broadcast %broadcast_in_dim3A_256 : f32 to vector<16xf32>
      %scan3A_258 = arith.constant 0 : i32
      %scan3A_259 = arith.constant 64 : i32
      %scan3A_260 = arith.addi %scan3A_258, %scan3A_259 : i32
      %scan3A_261 = arith.constant 1 : i32
      %scan3A_262:4 = scf.for %scan3A_602 = %scan3A_258 to %scan3A_260 step %scan3A_261 iter_args(%scan3A_603 = %broadcast_in_dim3A_257, %scan3A_604 = %broadcast_in_dim3A_257, %scan3A_605 = %broadcast_in_dim3A_257, %scan3A_606 = %broadcast_in_dim3A_257) -> (vector<16xf32>, vector<16xf32>, vector<16xf32>, vector<16xf32>)  : i32 {
        %mul3A_607 = arith.constant 128 : i32
        %mul3A_608 = arith.muli %scan3A_602, %mul3A_607 : i32
        %add3A_609 = arith.constant 0 : i32
        %add3A_610 = arith.addi %mul3A_608, %add3A_609 : i32
        %get3A = arith.constant 1 : i32
        %get3A_611 = arith.index_cast %get3A : i32 to index
        %get3A_612 = arith.index_cast %add3A_610 : i32 to index
        %get3A_613 = tpu.vector_load %arg12[%get3A_611, %get3A_612] {strides = array<i32>} : memref<2x8192xf32, #tpu.memory_space<vmem>>, vector<1x16xf32>,
        %get3A_614 = vector.shape_cast %get3A_613 : vector<1x16xf32> to vector<16xf32>
        %exp3A = math.exp %get3A_614 : vector<16xf32>
        %add3A_615 = arith.addf %scan3A_603, %exp3A : vector<16xf32>
        %add3A_616 = arith.constant 16 : i32
        %add3A_617 = arith.addi %mul3A_608, %add3A_616 : i32
        %get3A_618 = arith.constant 1 : i32
        %get3A_619 = arith.index_cast %get3A_618 : i32 to index
        %get3A_620 = arith.index_cast %add3A_617 : i32 to index
        %get3A_621 = tpu.vector_load %arg12[%get3A_619, %get3A_620] {strides = array<i32>} : memref<2x8192xf32, #tpu.memory_space<vmem>>, vector<1x16xf32>,
        %get3A_622 = vector.shape_cast %get3A_621 : vector<1x16xf32> to vector<16xf32>
        %exp3A_623 = math.exp %get3A_622 : vector<16xf32>
        %add3A_624 = arith.addf %scan3A_604, %exp3A_623 : vector<16xf32>
        %add3A_625 = arith.constant 32 : i32
        %add3A_626 = arith.addi %mul3A_608, %add3A_625 : i32
        %get3A_627 = arith.constant 1 : i32
        %get3A_628 = arith.index_cast %get3A_627 : i32 to index
        %get3A_629 = arith.index_cast %add3A_626 : i32 to index
        %get3A_630 = tpu.vector_load %arg12[%get3A_628, %get3A_629] {strides = array<i32>} : memref<2x8192xf32, #tpu.memory_space<vmem>>, vector<1x16xf32>,
        %get3A_631 = vector.shape_cast %get3A_630 : vector<1x16xf32> to vector<16xf32>
        %exp3A_632 = math.exp %get3A_631 : vector<16xf32>
        %add3A_633 = arith.addf %scan3A_605, %exp3A_632 : vector<16xf32>
        %add3A_634 = arith.constant 48 : i32
        %add3A_635 = arith.addi %mul3A_608, %add3A_634 : i32
        %get3A_636 = arith.constant 1 : i32
        %get3A_637 = arith.index_cast %get3A_636 : i32 to index
        %get3A_638 = arith.index_cast %add3A_635 : i32 to index
        %get3A_639 = tpu.vector_load %arg12[%get3A_637, %get3A_638] {strides = array<i32>} : memref<2x8192xf32, #tpu.memory_space<vmem>>, vector<1x16xf32>,
        %get3A_640 = vector.shape_cast %get3A_639 : vector<1x16xf32> to vector<16xf32>
        %exp3A_641 = math.exp %get3A_640 : vector<16xf32>
        %add3A_642 = arith.addf %scan3A_606, %exp3A_641 : vector<16xf32>
        %add3A_643 = arith.constant 64 : i32
        %add3A_644 = arith.addi %mul3A_608, %add3A_643 : i32
        %get3A_645 = arith.constant 1 : i32
        %get3A_646 = arith.index_cast %get3A_645 : i32 to index
        %get3A_647 = arith.index_cast %add3A_644 : i32 to index
        %get3A_648 = tpu.vector_load %arg12[%get3A_646, %get3A_647] {strides = array<i32>} : memref<2x8192xf32, #tpu.memory_space<vmem>>, vector<1x16xf32>,
        %get3A_649 = vector.shape_cast %get3A_648 : vector<1x16xf32> to vector<16xf32>
        %exp3A_650 = math.exp %get3A_649 : vector<16xf32>
        %add3A_651 = arith.addf %add3A_615, %exp3A_650 : vector<16xf32>
        %add3A_652 = arith.constant 80 : i32
        %add3A_653 = arith.addi %mul3A_608, %add3A_652 : i32
        %get3A_654 = arith.constant 1 : i32
        %get3A_655 = arith.index_cast %get3A_654 : i32 to index
        %get3A_656 = arith.index_cast %add3A_653 : i32 to index
        %get3A_657 = tpu.vector_load %arg12[%get3A_655, %get3A_656] {strides = array<i32>} : memref<2x8192xf32, #tpu.memory_space<vmem>>, vector<1x16xf32>,
        %get3A_658 = vector.shape_cast %get3A_657 : vector<1x16xf32> to vector<16xf32>
        %exp3A_659 = math.exp %get3A_658 : vector<16xf32>
        %add3A_660 = arith.addf %add3A_624, %exp3A_659 : vector<16xf32>
        %add3A_661 = arith.constant 96 : i32
        %add3A_662 = arith.addi %mul3A_608, %add3A_661 : i32
        %get3A_663 = arith.constant 1 : i32
        %get3A_664 = arith.index_cast %get3A_663 : i32 to index
        %get3A_665 = arith.index_cast %add3A_662 : i32 to index
        %get3A_666 = tpu.vector_load %arg12[%get3A_664, %get3A_665] {strides = array<i32>} : memref<2x8192xf32, #tpu.memory_space<vmem>>, vector<1x16xf32>,
        %get3A_667 = vector.shape_cast %get3A_666 : vector<1x16xf32> to vector<16xf32>
        %exp3A_668 = math.exp %get3A_667 : vector<16xf32>
        %add3A_669 = arith.addf %add3A_633, %exp3A_668 : vector<16xf32>
        %add3A_670 = arith.constant 112 : i32
        %add3A_671 = arith.addi %mul3A_608, %add3A_670 : i32
        %get3A_672 = arith.constant 1 : i32
        %get3A_673 = arith.index_cast %get3A_672 : i32 to index
        %get3A_674 = arith.index_cast %add3A_671 : i32 to index
        %get3A_675 = tpu.vector_load %arg12[%get3A_673, %get3A_674] {strides = array<i32>} : memref<2x8192xf32, #tpu.memory_space<vmem>>, vector<1x16xf32>,
        %get3A_676 = vector.shape_cast %get3A_675 : vector<1x16xf32> to vector<16xf32>
        %exp3A_677 = math.exp %get3A_676 : vector<16xf32>
        %add3A_678 = arith.addf %add3A_642, %exp3A_677 : vector<16xf32>
        scf.yield %add3A_651, %add3A_660, %add3A_669, %add3A_678 : vector<16xf32>, vector<16xf32>, vector<16xf32>, vector<16xf32>
      }
      %scan3A_263 = arith.constant 64 : i32
      %add3A_264 = arith.addf %scan3A_262#0, %scan3A_262#1 : vector<16xf32>
      %add3A_265 = arith.addf %scan3A_262#2, %scan3A_262#3 : vector<16xf32>
      %add3A_266 = arith.addf %add3A_264, %add3A_265 : vector<16xf32>
      %mul3A_267 = arith.constant 16 : i32
      %mul3A_268 = arith.muli %add3A_255, %mul3A_267 : i32
      %swap3A_269 = arith.index_cast %mul3A_268 : i32 to index
      %swap3A_270 = tpu.vector_load %arg16[%swap3A_269] {strides = array<i32>} : memref<10240xf32, #tpu.memory_space<vmem>>, vector<16xf32>,
      %swap3A_271 = vector.shape_cast %swap3A_270 : vector<16xf32> to vector<16xf32>
      %swap3A_272 = vector.shape_cast %add3A_266 : vector<16xf32> to vector<16xf32>
      tpu.vector_store %arg16[%swap3A_269], %swap3A_272 {strides = array<i32>} : memref<10240xf32, #tpu.memory_space<vmem>>, vector<16xf32>,
      %mul3A_273 = arith.constant 2 : i32
      %mul3A_274 = arith.muli %add3A_214, %mul3A_273 : i32
      %add3A_275 = arith.addi %mul3A_4, %mul3A_274 : i32
      %add3A_276 = arith.constant 0 : i32
      %add3A_277 = arith.addi %add3A_275, %add3A_276 : i32
      %mul3A_278 = arith.constant 8192 : i32
      %mul3A_279 = arith.muli %add3A_277, %mul3A_278 : i32
      %dma_start3A_280 = arith.constant 0 : i32
      %dma_start3A_281 = arith.constant 0 : i32
      %dma_start3A_282 = tpu.memref_slice %arg12[%dma_start3A_280, %dma_start3A_281] : memref<2x8192xf32, #tpu.memory_space<vmem>> -> memref<1x8192xf32, #tpu.memory_space<vmem>>
      %dma_start3A_283 = tpu.memref_squeeze %dma_start3A_282 : memref<1x8192xf32, #tpu.memory_space<vmem>> -> memref<8192xf32, #tpu.memory_space<vmem>>
      %dma_start3A_284 = tpu.memref_slice %arg5[%mul3A_279] : memref<167772160xf32, #tpu.memory_space<hbm>> -> memref<8192xf32, #tpu.memory_space<hbm>>
      %dma_start3A_285 = tpu.memref_slice %arg5[%mul3A_279] : memref<167772160xf32, #tpu.memory_space<hbm>> -> memref<8192xf32, #tpu.memory_space<hbm>>
      %dma_start3A_286 = arith.constant 0 : i32
      %dma_start3A_287 = tpu.memref_slice %arg12[%dma_start3A_280, %dma_start3A_286] : memref<2x8192xf32, #tpu.memory_space<vmem>> -> memref<1x8192xf32, #tpu.memory_space<vmem>>
      %dma_start3A_288 = tpu.memref_squeeze %dma_start3A_287 : memref<1x8192xf32, #tpu.memory_space<vmem>> -> memref<8192xf32, #tpu.memory_space<vmem>>
      tpu.enqueue_dma source(%dma_start3A_288 : memref<8192xf32, #tpu.memory_space<vmem>>) target(%dma_start3A_285 : memref<8192xf32, #tpu.memory_space<hbm>>) target_semaphore(%arg21 : memref<!tpu.dma_semaphore, #tpu.memory_space<semaphore_mem>>)
      %mul3A_289 = arith.constant 2 : i32
      %mul3A_290 = arith.muli %add3A_214, %mul3A_289 : i32
      %add3A_291 = arith.addi %mul3A_4, %mul3A_290 : i32
      %add3A_292 = arith.constant 1 : i32
      %add3A_293 = arith.addi %add3A_291, %add3A_292 : i32
      %mul3A_294 = arith.constant 8192 : i32
      %mul3A_295 = arith.muli %add3A_293, %mul3A_294 : i32
      %dma_start3A_296 = arith.constant 1 : i32
      %dma_start3A_297 = arith.constant 0 : i32
      %dma_start3A_298 = tpu.memref_slice %arg12[%dma_start3A_296, %dma_start3A_297] : memref<2x8192xf32, #tpu.memory_space<vmem>> -> memref<1x8192xf32, #tpu.memory_space<vmem>>
      %dma_start3A_299 = tpu.memref_squeeze %dma_start3A_298 : memref<1x8192xf32, #tpu.memory_space<vmem>> -> memref<8192xf32, #tpu.memory_space<vmem>>
      %dma_start3A_300 = tpu.memref_slice %arg5[%mul3A_295] : memref<167772160xf32, #tpu.memory_space<hbm>> -> memref<8192xf32, #tpu.memory_space<hbm>>
      %dma_start3A_301 = tpu.memref_slice %arg5[%mul3A_295] : memref<167772160xf32, #tpu.memory_space<hbm>> -> memref<8192xf32, #tpu.memory_space<hbm>>
      %dma_start3A_302 = arith.constant 0 : i32
      %dma_start3A_303 = tpu.memref_slice %arg12[%dma_start3A_296, %dma_start3A_302] : memref<2x8192xf32, #tpu.memory_space<vmem>> -> memref<1x8192xf32, #tpu.memory_space<vmem>>
      %dma_start3A_304 = tpu.memref_squeeze %dma_start3A_303 : memref<1x8192xf32, #tpu.memory_space<vmem>> -> memref<8192xf32, #tpu.memory_space<vmem>>
      tpu.enqueue_dma source(%dma_start3A_304 : memref<8192xf32, #tpu.memory_space<vmem>>) target(%dma_start3A_301 : memref<8192xf32, #tpu.memory_space<hbm>>) target_semaphore(%arg21 : memref<!tpu.dma_semaphore, #tpu.memory_space<semaphore_mem>>)
      %add3A_305 = arith.constant 1 : i32
      %add3A_306 = arith.addi %mul3A_212, %add3A_305 : i32
      %ge3A_307 = arith.constant 2 : i32
      %ge3A_308 = arith.cmpi sge, %add3A_306, %ge3A_307 : i32
      %add3A_309 = arith.constant 2 : i32
      %add3A_310 = arith.addi %add3A_306, %add3A_309 : i32
      %lt3A_311 = arith.constant 320 : i32
      %lt3A_312 = arith.cmpi slt, %add3A_310, %lt3A_311 : i32
      %and3A_313 = arith.andi %ge3A_308, %lt3A_312 : i1
      %convert_element_type3A_314 = arith.extui %and3A_313 : i1 to i32
      %cond3A_315 = arith.constant 0 : i32
      %cond3A_316 = arith.cmpi ne, %convert_element_type3A_314, %cond3A_315 : i32
      scf.if %cond3A_316 {
        %sub3A = arith.constant 2 : i32
        %sub3A_602 = arith.subi %add3A_306, %sub3A : i32
        %mul3A_603 = arith.constant 2 : i32
        %mul3A_604 = arith.muli %sub3A_602, %mul3A_603 : i32
        %add3A_605 = arith.addi %mul3A_4, %mul3A_604 : i32
        %add3A_606 = arith.constant 0 : i32
        %add3A_607 = arith.addi %add3A_605, %add3A_606 : i32
        %mul3A_608 = arith.constant 8192 : i32
        %mul3A_609 = arith.muli %add3A_607, %mul3A_608 : i32
        %dma_wait3A_610 = arith.constant 0 : i32
        %dma_wait3A_611 = arith.constant 0 : i32
        %dma_wait3A_612 = tpu.memref_slice %arg15[%dma_wait3A_610, %dma_wait3A_611] : memref<2x8192xf32, #tpu.memory_space<vmem>> -> memref<1x8192xf32, #tpu.memory_space<vmem>>
        %dma_wait3A_613 = tpu.memref_squeeze %dma_wait3A_612 : memref<1x8192xf32, #tpu.memory_space<vmem>> -> memref<8192xf32, #tpu.memory_space<vmem>>
        %dma_wait3A_614 = tpu.memref_slice %arg5[%mul3A_609] : memref<167772160xf32, #tpu.memory_space<hbm>> -> memref<8192xf32, #tpu.memory_space<hbm>>
        %dma_wait3A_615 = tpu.memref_slice %arg5[%mul3A_609] : memref<167772160xf32, #tpu.memory_space<hbm>> -> memref<8192xf32, #tpu.memory_space<hbm>>
        %dma_wait3A_616 = arith.constant 0 : i32
        %dma_wait3A_617 = tpu.memref_slice %arg15[%dma_wait3A_610, %dma_wait3A_616] : memref<2x8192xf32, #tpu.memory_space<vmem>> -> memref<1x8192xf32, #tpu.memory_space<vmem>>
        %dma_wait3A_618 = tpu.memref_squeeze %dma_wait3A_617 : memref<1x8192xf32, #tpu.memory_space<vmem>> -> memref<8192xf32, #tpu.memory_space<vmem>>
        tpu.wait_dma2 semaphore(%arg24 : memref<!tpu.dma_semaphore, #tpu.memory_space<semaphore_mem>>) src(%dma_wait3A_618 : memref<8192xf32, #tpu.memory_space<vmem>>) dst(%dma_wait3A_615 : memref<8192xf32, #tpu.memory_space<hbm>>)
        %mul3A_619 = arith.constant 2 : i32
        %mul3A_620 = arith.muli %sub3A_602, %mul3A_619 : i32
        %add3A_621 = arith.addi %mul3A_4, %mul3A_620 : i32
        %add3A_622 = arith.constant 1 : i32
        %add3A_623 = arith.addi %add3A_621, %add3A_622 : i32
        %mul3A_624 = arith.constant 8192 : i32
        %mul3A_625 = arith.muli %add3A_623, %mul3A_624 : i32
        %dma_wait3A_626 = arith.constant 1 : i32
        %dma_wait3A_627 = arith.constant 0 : i32
        %dma_wait3A_628 = tpu.memref_slice %arg15[%dma_wait3A_626, %dma_wait3A_627] : memref<2x8192xf32, #tpu.memory_space<vmem>> -> memref<1x8192xf32, #tpu.memory_space<vmem>>
        %dma_wait3A_629 = tpu.memref_squeeze %dma_wait3A_628 : memref<1x8192xf32, #tpu.memory_space<vmem>> -> memref<8192xf32, #tpu.memory_space<vmem>>
        %dma_wait3A_630 = tpu.memref_slice %arg5[%mul3A_625] : memref<167772160xf32, #tpu.memory_space<hbm>> -> memref<8192xf32, #tpu.memory_space<hbm>>
        %dma_wait3A_631 = tpu.memref_slice %arg5[%mul3A_625] : memref<167772160xf32, #tpu.memory_space<hbm>> -> memref<8192xf32, #tpu.memory_space<hbm>>
        %dma_wait3A_632 = arith.constant 0 : i32
        %dma_wait3A_633 = tpu.memref_slice %arg15[%dma_wait3A_626, %dma_wait3A_632] : memref<2x8192xf32, #tpu.memory_space<vmem>> -> memref<1x8192xf32, #tpu.memory_space<vmem>>
        %dma_wait3A_634 = tpu.memref_squeeze %dma_wait3A_633 : memref<1x8192xf32, #tpu.memory_space<vmem>> -> memref<8192xf32, #tpu.memory_space<vmem>>
        tpu.wait_dma2 semaphore(%arg24 : memref<!tpu.dma_semaphore, #tpu.memory_space<semaphore_mem>>) src(%dma_wait3A_634 : memref<8192xf32, #tpu.memory_space<vmem>>) dst(%dma_wait3A_631 : memref<8192xf32, #tpu.memory_space<hbm>>)
      } else {
      }
      %add3A_317 = arith.constant 2 : i32
      %add3A_318 = arith.addi %add3A_306, %add3A_317 : i32
      %lt3A_319 = arith.constant 320 : i32
      %lt3A_320 = arith.cmpi slt, %add3A_318, %lt3A_319 : i32
      %convert_element_type3A_321 = arith.extui %lt3A_320 : i1 to i32
      %cond3A_322 = arith.constant 0 : i32
      %cond3A_323 = arith.cmpi ne, %convert_element_type3A_321, %cond3A_322 : i32
      scf.if %cond3A_323 {
        %add3A_602 = arith.constant 2 : i32
        %add3A_603 = arith.addi %add3A_306, %add3A_602 : i32
        %dma_start3A_604 = arith.constant 0 : i32
        %dma_start3A_605 = tpu.memref_slice %arg8[%add3A_603, %dma_start3A_604] : memref<320x2xi32, #tpu.memory_space<vmem>> -> memref<1x2xi32, #tpu.memory_space<vmem>>
        %dma_start3A_606 = tpu.memref_squeeze %dma_start3A_605 : memref<1x2xi32, #tpu.memory_space<vmem>> -> memref<2xi32, #tpu.memory_space<vmem>>
        %dma_start3A_607 = arith.constant 0 : i32
        %dma_start3A_608 = arith.constant 0 : i32
        %dma_start3A_609 = tpu.memref_slice %arg4[%dma_start3A_607, %dma_start3A_608] : memref<8192x8192xf32, #tpu.memory_space<hbm>> -> memref<8192x8192xf32, #tpu.memory_space<hbm>>
        tpu.enqueue_indirect_dma source(%dma_start3A_609 : memref<8192x8192xf32, #tpu.memory_space<hbm>>) target(%arg15 : memref<2x8192xf32, #tpu.memory_space<vmem>>) offsets(%dma_start3A_606 : memref<2xi32, #tpu.memory_space<vmem>>) semaphore(%arg20 : memref<!tpu.dma_semaphore, #tpu.memory_space<semaphore_mem>>)
      } else {
      }
      %dma_wait3A_324 = arith.constant 0 : i32
      %dma_wait3A_325 = tpu.memref_slice %arg8[%add3A_306, %dma_wait3A_324] : memref<320x2xi32, #tpu.memory_space<vmem>> -> memref<1x2xi32, #tpu.memory_space<vmem>>
      %dma_wait3A_326 = tpu.memref_squeeze %dma_wait3A_325 : memref<1x2xi32, #tpu.memory_space<vmem>> -> memref<2xi32, #tpu.memory_space<vmem>>
      %dma_wait3A_327 = arith.constant 0 : i32
      %dma_wait3A_328 = arith.constant 0 : i32
      %dma_wait3A_329 = tpu.memref_slice %arg4[%dma_wait3A_327, %dma_wait3A_328] : memref<8192x8192xf32, #tpu.memory_space<hbm>> -> memref<8192x8192xf32, #tpu.memory_space<hbm>>
      tpu.wait_indirect_dma semaphore(%arg18 : memref<!tpu.dma_semaphore, #tpu.memory_space<semaphore_mem>>) src(%dma_wait3A_329 : memref<8192x8192xf32, #tpu.memory_space<hbm>>) dst(%arg13 : memref<2x8192xf32, #tpu.memory_space<vmem>>)
      %mul3A_330 = arith.constant 2 : i32
      %mul3A_331 = arith.muli %add3A_306, %mul3A_330 : i32
      %add3A_332 = arith.constant 0 : i32
      %add3A_333 = arith.addi %mul3A_331, %add3A_332 : i32
      %broadcast_in_dim3A_334 = arith.constant 0.000000e+00 : f32
      %broadcast_in_dim3A_335 = vector.broadcast %broadcast_in_dim3A_334 : f32 to vector<16xf32>
      %scan3A_336 = arith.constant 0 : i32
      %scan3A_337 = arith.constant 64 : i32
      %scan3A_338 = arith.addi %scan3A_336, %scan3A_337 : i32
      %scan3A_339 = arith.constant 1 : i32
      %scan3A_340:4 = scf.for %scan3A_602 = %scan3A_336 to %scan3A_338 step %scan3A_339 iter_args(%scan3A_603 = %broadcast_in_dim3A_335, %scan3A_604 = %broadcast_in_dim3A_335, %scan3A_605 = %broadcast_in_dim3A_335, %scan3A_606 = %broadcast_in_dim3A_335) -> (vector<16xf32>, vector<16xf32>, vector<16xf32>, vector<16xf32>)  : i32 {
        %mul3A_607 = arith.constant 128 : i32
        %mul3A_608 = arith.muli %scan3A_602, %mul3A_607 : i32
        %add3A_609 = arith.constant 0 : i32
        %add3A_610 = arith.addi %mul3A_608, %add3A_609 : i32
        %get3A = arith.constant 0 : i32
        %get3A_611 = arith.index_cast %get3A : i32 to index
        %get3A_612 = arith.index_cast %add3A_610 : i32 to index
        %get3A_613 = tpu.vector_load %arg13[%get3A_611, %get3A_612] {strides = array<i32>} : memref<2x8192xf32, #tpu.memory_space<vmem>>, vector<1x16xf32>,
        %get3A_614 = vector.shape_cast %get3A_613 : vector<1x16xf32> to vector<16xf32>
        %exp3A = math.exp %get3A_614 : vector<16xf32>
        %add3A_615 = arith.addf %scan3A_603, %exp3A : vector<16xf32>
        %add3A_616 = arith.constant 16 : i32
        %add3A_617 = arith.addi %mul3A_608, %add3A_616 : i32
        %get3A_618 = arith.constant 0 : i32
        %get3A_619 = arith.index_cast %get3A_618 : i32 to index
        %get3A_620 = arith.index_cast %add3A_617 : i32 to index
        %get3A_621 = tpu.vector_load %arg13[%get3A_619, %get3A_620] {strides = array<i32>} : memref<2x8192xf32, #tpu.memory_space<vmem>>, vector<1x16xf32>,
        %get3A_622 = vector.shape_cast %get3A_621 : vector<1x16xf32> to vector<16xf32>
        %exp3A_623 = math.exp %get3A_622 : vector<16xf32>
        %add3A_624 = arith.addf %scan3A_604, %exp3A_623 : vector<16xf32>
        %add3A_625 = arith.constant 32 : i32
        %add3A_626 = arith.addi %mul3A_608, %add3A_625 : i32
        %get3A_627 = arith.constant 0 : i32
        %get3A_628 = arith.index_cast %get3A_627 : i32 to index
        %get3A_629 = arith.index_cast %add3A_626 : i32 to index
        %get3A_630 = tpu.vector_load %arg13[%get3A_628, %get3A_629] {strides = array<i32>} : memref<2x8192xf32, #tpu.memory_space<vmem>>, vector<1x16xf32>,
        %get3A_631 = vector.shape_cast %get3A_630 : vector<1x16xf32> to vector<16xf32>
        %exp3A_632 = math.exp %get3A_631 : vector<16xf32>
        %add3A_633 = arith.addf %scan3A_605, %exp3A_632 : vector<16xf32>
        %add3A_634 = arith.constant 48 : i32
        %add3A_635 = arith.addi %mul3A_608, %add3A_634 : i32
        %get3A_636 = arith.constant 0 : i32
        %get3A_637 = arith.index_cast %get3A_636 : i32 to index
        %get3A_638 = arith.index_cast %add3A_635 : i32 to index
        %get3A_639 = tpu.vector_load %arg13[%get3A_637, %get3A_638] {strides = array<i32>} : memref<2x8192xf32, #tpu.memory_space<vmem>>, vector<1x16xf32>,
        %get3A_640 = vector.shape_cast %get3A_639 : vector<1x16xf32> to vector<16xf32>
        %exp3A_641 = math.exp %get3A_640 : vector<16xf32>
        %add3A_642 = arith.addf %scan3A_606, %exp3A_641 : vector<16xf32>
        %add3A_643 = arith.constant 64 : i32
        %add3A_644 = arith.addi %mul3A_608, %add3A_643 : i32
        %get3A_645 = arith.constant 0 : i32
        %get3A_646 = arith.index_cast %get3A_645 : i32 to index
        %get3A_647 = arith.index_cast %add3A_644 : i32 to index
        %get3A_648 = tpu.vector_load %arg13[%get3A_646, %get3A_647] {strides = array<i32>} : memref<2x8192xf32, #tpu.memory_space<vmem>>, vector<1x16xf32>,
        %get3A_649 = vector.shape_cast %get3A_648 : vector<1x16xf32> to vector<16xf32>
        %exp3A_650 = math.exp %get3A_649 : vector<16xf32>
        %add3A_651 = arith.addf %add3A_615, %exp3A_650 : vector<16xf32>
        %add3A_652 = arith.constant 80 : i32
        %add3A_653 = arith.addi %mul3A_608, %add3A_652 : i32
        %get3A_654 = arith.constant 0 : i32
        %get3A_655 = arith.index_cast %get3A_654 : i32 to index
        %get3A_656 = arith.index_cast %add3A_653 : i32 to index
        %get3A_657 = tpu.vector_load %arg13[%get3A_655, %get3A_656] {strides = array<i32>} : memref<2x8192xf32, #tpu.memory_space<vmem>>, vector<1x16xf32>,
        %get3A_658 = vector.shape_cast %get3A_657 : vector<1x16xf32> to vector<16xf32>
        %exp3A_659 = math.exp %get3A_658 : vector<16xf32>
        %add3A_660 = arith.addf %add3A_624, %exp3A_659 : vector<16xf32>
        %add3A_661 = arith.constant 96 : i32
        %add3A_662 = arith.addi %mul3A_608, %add3A_661 : i32
        %get3A_663 = arith.constant 0 : i32
        %get3A_664 = arith.index_cast %get3A_663 : i32 to index
        %get3A_665 = arith.index_cast %add3A_662 : i32 to index
        %get3A_666 = tpu.vector_load %arg13[%get3A_664, %get3A_665] {strides = array<i32>} : memref<2x8192xf32, #tpu.memory_space<vmem>>, vector<1x16xf32>,
        %get3A_667 = vector.shape_cast %get3A_666 : vector<1x16xf32> to vector<16xf32>
        %exp3A_668 = math.exp %get3A_667 : vector<16xf32>
        %add3A_669 = arith.addf %add3A_633, %exp3A_668 : vector<16xf32>
        %add3A_670 = arith.constant 112 : i32
        %add3A_671 = arith.addi %mul3A_608, %add3A_670 : i32
        %get3A_672 = arith.constant 0 : i32
        %get3A_673 = arith.index_cast %get3A_672 : i32 to index
        %get3A_674 = arith.index_cast %add3A_671 : i32 to index
        %get3A_675 = tpu.vector_load %arg13[%get3A_673, %get3A_674] {strides = array<i32>} : memref<2x8192xf32, #tpu.memory_space<vmem>>, vector<1x16xf32>,
        %get3A_676 = vector.shape_cast %get3A_675 : vector<1x16xf32> to vector<16xf32>
        %exp3A_677 = math.exp %get3A_676 : vector<16xf32>
        %add3A_678 = arith.addf %add3A_642, %exp3A_677 : vector<16xf32>
        scf.yield %add3A_651, %add3A_660, %add3A_669, %add3A_678 : vector<16xf32>, vector<16xf32>, vector<16xf32>, vector<16xf32>
      }
      %scan3A_341 = arith.constant 64 : i32
      %add3A_342 = arith.addf %scan3A_340#0, %scan3A_340#1 : vector<16xf32>
      %add3A_343 = arith.addf %scan3A_340#2, %scan3A_340#3 : vector<16xf32>
      %add3A_344 = arith.addf %add3A_342, %add3A_343 : vector<16xf32>
      %mul3A_345 = arith.constant 16 : i32
      %mul3A_346 = arith.muli %add3A_333, %mul3A_345 : i32
      %swap3A_347 = arith.index_cast %mul3A_346 : i32 to index
      %swap3A_348 = tpu.vector_load %arg16[%swap3A_347] {strides = array<i32>} : memref<10240xf32, #tpu.memory_space<vmem>>, vector<16xf32>,
      %swap3A_349 = vector.shape_cast %swap3A_348 : vector<16xf32> to vector<16xf32>
      %swap3A_350 = vector.shape_cast %add3A_344 : vector<16xf32> to vector<16xf32>
      tpu.vector_store %arg16[%swap3A_347], %swap3A_350 {strides = array<i32>} : memref<10240xf32, #tpu.memory_space<vmem>>, vector<16xf32>,
      %mul3A_351 = arith.constant 2 : i32
      %mul3A_352 = arith.muli %add3A_306, %mul3A_351 : i32
      %add3A_353 = arith.constant 1 : i32
      %add3A_354 = arith.addi %mul3A_352, %add3A_353 : i32
      %broadcast_in_dim3A_355 = arith.constant 0.000000e+00 : f32
      %broadcast_in_dim3A_356 = vector.broadcast %broadcast_in_dim3A_355 : f32 to vector<16xf32>
      %scan3A_357 = arith.constant 0 : i32
      %scan3A_358 = arith.constant 64 : i32
      %scan3A_359 = arith.addi %scan3A_357, %scan3A_358 : i32
      %scan3A_360 = arith.constant 1 : i32
      %scan3A_361:4 = scf.for %scan3A_602 = %scan3A_357 to %scan3A_359 step %scan3A_360 iter_args(%scan3A_603 = %broadcast_in_dim3A_356, %scan3A_604 = %broadcast_in_dim3A_356, %scan3A_605 = %broadcast_in_dim3A_356, %scan3A_606 = %broadcast_in_dim3A_356) -> (vector<16xf32>, vector<16xf32>, vector<16xf32>, vector<16xf32>)  : i32 {
        %mul3A_607 = arith.constant 128 : i32
        %mul3A_608 = arith.muli %scan3A_602, %mul3A_607 : i32
        %add3A_609 = arith.constant 0 : i32
        %add3A_610 = arith.addi %mul3A_608, %add3A_609 : i32
        %get3A = arith.constant 1 : i32
        %get3A_611 = arith.index_cast %get3A : i32 to index
        %get3A_612 = arith.index_cast %add3A_610 : i32 to index
        %get3A_613 = tpu.vector_load %arg13[%get3A_611, %get3A_612] {strides = array<i32>} : memref<2x8192xf32, #tpu.memory_space<vmem>>, vector<1x16xf32>,
        %get3A_614 = vector.shape_cast %get3A_613 : vector<1x16xf32> to vector<16xf32>
        %exp3A = math.exp %get3A_614 : vector<16xf32>
        %add3A_615 = arith.addf %scan3A_603, %exp3A : vector<16xf32>
        %add3A_616 = arith.constant 16 : i32
        %add3A_617 = arith.addi %mul3A_608, %add3A_616 : i32
        %get3A_618 = arith.constant 1 : i32
        %get3A_619 = arith.index_cast %get3A_618 : i32 to index
        %get3A_620 = arith.index_cast %add3A_617 : i32 to index
        %get3A_621 = tpu.vector_load %arg13[%get3A_619, %get3A_620] {strides = array<i32>} : memref<2x8192xf32, #tpu.memory_space<vmem>>, vector<1x16xf32>,
        %get3A_622 = vector.shape_cast %get3A_621 : vector<1x16xf32> to vector<16xf32>
        %exp3A_623 = math.exp %get3A_622 : vector<16xf32>
        %add3A_624 = arith.addf %scan3A_604, %exp3A_623 : vector<16xf32>
        %add3A_625 = arith.constant 32 : i32
        %add3A_626 = arith.addi %mul3A_608, %add3A_625 : i32
        %get3A_627 = arith.constant 1 : i32
        %get3A_628 = arith.index_cast %get3A_627 : i32 to index
        %get3A_629 = arith.index_cast %add3A_626 : i32 to index
        %get3A_630 = tpu.vector_load %arg13[%get3A_628, %get3A_629] {strides = array<i32>} : memref<2x8192xf32, #tpu.memory_space<vmem>>, vector<1x16xf32>,
        %get3A_631 = vector.shape_cast %get3A_630 : vector<1x16xf32> to vector<16xf32>
        %exp3A_632 = math.exp %get3A_631 : vector<16xf32>
        %add3A_633 = arith.addf %scan3A_605, %exp3A_632 : vector<16xf32>
        %add3A_634 = arith.constant 48 : i32
        %add3A_635 = arith.addi %mul3A_608, %add3A_634 : i32
        %get3A_636 = arith.constant 1 : i32
        %get3A_637 = arith.index_cast %get3A_636 : i32 to index
        %get3A_638 = arith.index_cast %add3A_635 : i32 to index
        %get3A_639 = tpu.vector_load %arg13[%get3A_637, %get3A_638] {strides = array<i32>} : memref<2x8192xf32, #tpu.memory_space<vmem>>, vector<1x16xf32>,
        %get3A_640 = vector.shape_cast %get3A_639 : vector<1x16xf32> to vector<16xf32>
        %exp3A_641 = math.exp %get3A_640 : vector<16xf32>
        %add3A_642 = arith.addf %scan3A_606, %exp3A_641 : vector<16xf32>
        %add3A_643 = arith.constant 64 : i32
        %add3A_644 = arith.addi %mul3A_608, %add3A_643 : i32
        %get3A_645 = arith.constant 1 : i32
        %get3A_646 = arith.index_cast %get3A_645 : i32 to index
        %get3A_647 = arith.index_cast %add3A_644 : i32 to index
        %get3A_648 = tpu.vector_load %arg13[%get3A_646, %get3A_647] {strides = array<i32>} : memref<2x8192xf32, #tpu.memory_space<vmem>>, vector<1x16xf32>,
        %get3A_649 = vector.shape_cast %get3A_648 : vector<1x16xf32> to vector<16xf32>
        %exp3A_650 = math.exp %get3A_649 : vector<16xf32>
        %add3A_651 = arith.addf %add3A_615, %exp3A_650 : vector<16xf32>
        %add3A_652 = arith.constant 80 : i32
        %add3A_653 = arith.addi %mul3A_608, %add3A_652 : i32
        %get3A_654 = arith.constant 1 : i32
        %get3A_655 = arith.index_cast %get3A_654 : i32 to index
        %get3A_656 = arith.index_cast %add3A_653 : i32 to index
        %get3A_657 = tpu.vector_load %arg13[%get3A_655, %get3A_656] {strides = array<i32>} : memref<2x8192xf32, #tpu.memory_space<vmem>>, vector<1x16xf32>,
        %get3A_658 = vector.shape_cast %get3A_657 : vector<1x16xf32> to vector<16xf32>
        %exp3A_659 = math.exp %get3A_658 : vector<16xf32>
        %add3A_660 = arith.addf %add3A_624, %exp3A_659 : vector<16xf32>
        %add3A_661 = arith.constant 96 : i32
        %add3A_662 = arith.addi %mul3A_608, %add3A_661 : i32
        %get3A_663 = arith.constant 1 : i32
        %get3A_664 = arith.index_cast %get3A_663 : i32 to index
        %get3A_665 = arith.index_cast %add3A_662 : i32 to index
        %get3A_666 = tpu.vector_load %arg13[%get3A_664, %get3A_665] {strides = array<i32>} : memref<2x8192xf32, #tpu.memory_space<vmem>>, vector<1x16xf32>,
        %get3A_667 = vector.shape_cast %get3A_666 : vector<1x16xf32> to vector<16xf32>
        %exp3A_668 = math.exp %get3A_667 : vector<16xf32>
        %add3A_669 = arith.addf %add3A_633, %exp3A_668 : vector<16xf32>
        %add3A_670 = arith.constant 112 : i32
        %add3A_671 = arith.addi %mul3A_608, %add3A_670 : i32
        %get3A_672 = arith.constant 1 : i32
        %get3A_673 = arith.index_cast %get3A_672 : i32 to index
        %get3A_674 = arith.index_cast %add3A_671 : i32 to index
        %get3A_675 = tpu.vector_load %arg13[%get3A_673, %get3A_674] {strides = array<i32>} : memref<2x8192xf32, #tpu.memory_space<vmem>>, vector<1x16xf32>,
        %get3A_676 = vector.shape_cast %get3A_675 : vector<1x16xf32> to vector<16xf32>
        %exp3A_677 = math.exp %get3A_676 : vector<16xf32>
        %add3A_678 = arith.addf %add3A_642, %exp3A_677 : vector<16xf32>
        scf.yield %add3A_651, %add3A_660, %add3A_669, %add3A_678 : vector<16xf32>, vector<16xf32>, vector<16xf32>, vector<16xf32>
      }
      %scan3A_362 = arith.constant 64 : i32
      %add3A_363 = arith.addf %scan3A_361#0, %scan3A_361#1 : vector<16xf32>
      %add3A_364 = arith.addf %scan3A_361#2, %scan3A_361#3 : vector<16xf32>
      %add3A_365 = arith.addf %add3A_363, %add3A_364 : vector<16xf32>
      %mul3A_366 = arith.constant 16 : i32
      %mul3A_367 = arith.muli %add3A_354, %mul3A_366 : i32
      %swap3A_368 = arith.index_cast %mul3A_367 : i32 to index
      %swap3A_369 = tpu.vector_load %arg16[%swap3A_368] {strides = array<i32>} : memref<10240xf32, #tpu.memory_space<vmem>>, vector<16xf32>,
      %swap3A_370 = vector.shape_cast %swap3A_369 : vector<16xf32> to vector<16xf32>
      %swap3A_371 = vector.shape_cast %add3A_365 : vector<16xf32> to vector<16xf32>
      tpu.vector_store %arg16[%swap3A_368], %swap3A_371 {strides = array<i32>} : memref<10240xf32, #tpu.memory_space<vmem>>, vector<16xf32>,
      %mul3A_372 = arith.constant 2 : i32
      %mul3A_373 = arith.muli %add3A_306, %mul3A_372 : i32
      %add3A_374 = arith.addi %mul3A_4, %mul3A_373 : i32
      %add3A_375 = arith.constant 0 : i32
      %add3A_376 = arith.addi %add3A_374, %add3A_375 : i32
      %mul3A_377 = arith.constant 8192 : i32
      %mul3A_378 = arith.muli %add3A_376, %mul3A_377 : i32
      %dma_start3A_379 = arith.constant 0 : i32
      %dma_start3A_380 = arith.constant 0 : i32
      %dma_start3A_381 = tpu.memref_slice %arg13[%dma_start3A_379, %dma_start3A_380] : memref<2x8192xf32, #tpu.memory_space<vmem>> -> memref<1x8192xf32, #tpu.memory_space<vmem>>
      %dma_start3A_382 = tpu.memref_squeeze %dma_start3A_381 : memref<1x8192xf32, #tpu.memory_space<vmem>> -> memref<8192xf32, #tpu.memory_space<vmem>>
      %dma_start3A_383 = tpu.memref_slice %arg5[%mul3A_378] : memref<167772160xf32, #tpu.memory_space<hbm>> -> memref<8192xf32, #tpu.memory_space<hbm>>
      %dma_start3A_384 = tpu.memref_slice %arg5[%mul3A_378] : memref<167772160xf32, #tpu.memory_space<hbm>> -> memref<8192xf32, #tpu.memory_space<hbm>>
      %dma_start3A_385 = arith.constant 0 : i32
      %dma_start3A_386 = tpu.memref_slice %arg13[%dma_start3A_379, %dma_start3A_385] : memref<2x8192xf32, #tpu.memory_space<vmem>> -> memref<1x8192xf32, #tpu.memory_space<vmem>>
      %dma_start3A_387 = tpu.memref_squeeze %dma_start3A_386 : memref<1x8192xf32, #tpu.memory_space<vmem>> -> memref<8192xf32, #tpu.memory_space<vmem>>
      tpu.enqueue_dma source(%dma_start3A_387 : memref<8192xf32, #tpu.memory_space<vmem>>) target(%dma_start3A_384 : memref<8192xf32, #tpu.memory_space<hbm>>) target_semaphore(%arg22 : memref<!tpu.dma_semaphore, #tpu.memory_space<semaphore_mem>>)
      %mul3A_388 = arith.constant 2 : i32
      %mul3A_389 = arith.muli %add3A_306, %mul3A_388 : i32
      %add3A_390 = arith.addi %mul3A_4, %mul3A_389 : i32
      %add3A_391 = arith.constant 1 : i32
      %add3A_392 = arith.addi %add3A_390, %add3A_391 : i32
      %mul3A_393 = arith.constant 8192 : i32
      %mul3A_394 = arith.muli %add3A_392, %mul3A_393 : i32
      %dma_start3A_395 = arith.constant 1 : i32
      %dma_start3A_396 = arith.constant 0 : i32
      %dma_start3A_397 = tpu.memref_slice %arg13[%dma_start3A_395, %dma_start3A_396] : memref<2x8192xf32, #tpu.memory_space<vmem>> -> memref<1x8192xf32, #tpu.memory_space<vmem>>
      %dma_start3A_398 = tpu.memref_squeeze %dma_start3A_397 : memref<1x8192xf32, #tpu.memory_space<vmem>> -> memref<8192xf32, #tpu.memory_space<vmem>>
      %dma_start3A_399 = tpu.memref_slice %arg5[%mul3A_394] : memref<167772160xf32, #tpu.memory_space<hbm>> -> memref<8192xf32, #tpu.memory_space<hbm>>
      %dma_start3A_400 = tpu.memref_slice %arg5[%mul3A_394] : memref<167772160xf32, #tpu.memory_space<hbm>> -> memref<8192xf32, #tpu.memory_space<hbm>>
      %dma_start3A_401 = arith.constant 0 : i32
      %dma_start3A_402 = tpu.memref_slice %arg13[%dma_start3A_395, %dma_start3A_401] : memref<2x8192xf32, #tpu.memory_space<vmem>> -> memref<1x8192xf32, #tpu.memory_space<vmem>>
      %dma_start3A_403 = tpu.memref_squeeze %dma_start3A_402 : memref<1x8192xf32, #tpu.memory_space<vmem>> -> memref<8192xf32, #tpu.memory_space<vmem>>
      tpu.enqueue_dma source(%dma_start3A_403 : memref<8192xf32, #tpu.memory_space<vmem>>) target(%dma_start3A_400 : memref<8192xf32, #tpu.memory_space<hbm>>) target_semaphore(%arg22 : memref<!tpu.dma_semaphore, #tpu.memory_space<semaphore_mem>>)
      %add3A_404 = arith.constant 2 : i32
      %add3A_405 = arith.addi %mul3A_212, %add3A_404 : i32
      %ge3A_406 = arith.constant 2 : i32
      %ge3A_407 = arith.cmpi sge, %add3A_405, %ge3A_406 : i32
      %add3A_408 = arith.constant 2 : i32
      %add3A_409 = arith.addi %add3A_405, %add3A_408 : i32
      %lt3A_410 = arith.constant 320 : i32
      %lt3A_411 = arith.cmpi slt, %add3A_409, %lt3A_410 : i32
      %and3A_412 = arith.andi %ge3A_407, %lt3A_411 : i1
      %convert_element_type3A_413 = arith.extui %and3A_412 : i1 to i32
      %cond3A_414 = arith.constant 0 : i32
      %cond3A_415 = arith.cmpi ne, %convert_element_type3A_413, %cond3A_414 : i32
      scf.if %cond3A_415 {
        %sub3A = arith.constant 2 : i32
        %sub3A_602 = arith.subi %add3A_405, %sub3A : i32
        %mul3A_603 = arith.constant 2 : i32
        %mul3A_604 = arith.muli %sub3A_602, %mul3A_603 : i32
        %add3A_605 = arith.addi %mul3A_4, %mul3A_604 : i32
        %add3A_606 = arith.constant 0 : i32
        %add3A_607 = arith.addi %add3A_605, %add3A_606 : i32
        %mul3A_608 = arith.constant 8192 : i32
        %mul3A_609 = arith.muli %add3A_607, %mul3A_608 : i32
        %dma_wait3A_610 = arith.constant 0 : i32
        %dma_wait3A_611 = arith.constant 0 : i32
        %dma_wait3A_612 = tpu.memref_slice %arg12[%dma_wait3A_610, %dma_wait3A_611] : memref<2x8192xf32, #tpu.memory_space<vmem>> -> memref<1x8192xf32, #tpu.memory_space<vmem>>
        %dma_wait3A_613 = tpu.memref_squeeze %dma_wait3A_612 : memref<1x8192xf32, #tpu.memory_space<vmem>> -> memref<8192xf32, #tpu.memory_space<vmem>>
        %dma_wait3A_614 = tpu.memref_slice %arg5[%mul3A_609] : memref<167772160xf32, #tpu.memory_space<hbm>> -> memref<8192xf32, #tpu.memory_space<hbm>>
        %dma_wait3A_615 = tpu.memref_slice %arg5[%mul3A_609] : memref<167772160xf32, #tpu.memory_space<hbm>> -> memref<8192xf32, #tpu.memory_space<hbm>>
        %dma_wait3A_616 = arith.constant 0 : i32
        %dma_wait3A_617 = tpu.memref_slice %arg12[%dma_wait3A_610, %dma_wait3A_616] : memref<2x8192xf32, #tpu.memory_space<vmem>> -> memref<1x8192xf32, #tpu.memory_space<vmem>>
        %dma_wait3A_618 = tpu.memref_squeeze %dma_wait3A_617 : memref<1x8192xf32, #tpu.memory_space<vmem>> -> memref<8192xf32, #tpu.memory_space<vmem>>
        tpu.wait_dma2 semaphore(%arg21 : memref<!tpu.dma_semaphore, #tpu.memory_space<semaphore_mem>>) src(%dma_wait3A_618 : memref<8192xf32, #tpu.memory_space<vmem>>) dst(%dma_wait3A_615 : memref<8192xf32, #tpu.memory_space<hbm>>)
        %mul3A_619 = arith.constant 2 : i32
        %mul3A_620 = arith.muli %sub3A_602, %mul3A_619 : i32
        %add3A_621 = arith.addi %mul3A_4, %mul3A_620 : i32
        %add3A_622 = arith.constant 1 : i32
        %add3A_623 = arith.addi %add3A_621, %add3A_622 : i32
        %mul3A_624 = arith.constant 8192 : i32
        %mul3A_625 = arith.muli %add3A_623, %mul3A_624 : i32
        %dma_wait3A_626 = arith.constant 1 : i32
        %dma_wait3A_627 = arith.constant 0 : i32
        %dma_wait3A_628 = tpu.memref_slice %arg12[%dma_wait3A_626, %dma_wait3A_627] : memref<2x8192xf32, #tpu.memory_space<vmem>> -> memref<1x8192xf32, #tpu.memory_space<vmem>>
        %dma_wait3A_629 = tpu.memref_squeeze %dma_wait3A_628 : memref<1x8192xf32, #tpu.memory_space<vmem>> -> memref<8192xf32, #tpu.memory_space<vmem>>
        %dma_wait3A_630 = tpu.memref_slice %arg5[%mul3A_625] : memref<167772160xf32, #tpu.memory_space<hbm>> -> memref<8192xf32, #tpu.memory_space<hbm>>
        %dma_wait3A_631 = tpu.memref_slice %arg5[%mul3A_625] : memref<167772160xf32, #tpu.memory_space<hbm>> -> memref<8192xf32, #tpu.memory_space<hbm>>
        %dma_wait3A_632 = arith.constant 0 : i32
        %dma_wait3A_633 = tpu.memref_slice %arg12[%dma_wait3A_626, %dma_wait3A_632] : memref<2x8192xf32, #tpu.memory_space<vmem>> -> memref<1x8192xf32, #tpu.memory_space<vmem>>
        %dma_wait3A_634 = tpu.memref_squeeze %dma_wait3A_633 : memref<1x8192xf32, #tpu.memory_space<vmem>> -> memref<8192xf32, #tpu.memory_space<vmem>>
        tpu.wait_dma2 semaphore(%arg21 : memref<!tpu.dma_semaphore, #tpu.memory_space<semaphore_mem>>) src(%dma_wait3A_634 : memref<8192xf32, #tpu.memory_space<vmem>>) dst(%dma_wait3A_631 : memref<8192xf32, #tpu.memory_space<hbm>>)
      } else {
      }
      %add3A_416 = arith.constant 2 : i32
      %add3A_417 = arith.addi %add3A_405, %add3A_416 : i32
      %lt3A_418 = arith.constant 320 : i32
      %lt3A_419 = arith.cmpi slt, %add3A_417, %lt3A_418 : i32
      %convert_element_type3A_420 = arith.extui %lt3A_419 : i1 to i32
      %cond3A_421 = arith.constant 0 : i32
      %cond3A_422 = arith.cmpi ne, %convert_element_type3A_420, %cond3A_421 : i32
      scf.if %cond3A_422 {
        %add3A_602 = arith.constant 2 : i32
        %add3A_603 = arith.addi %add3A_405, %add3A_602 : i32
        %dma_start3A_604 = arith.constant 0 : i32
        %dma_start3A_605 = tpu.memref_slice %arg8[%add3A_603, %dma_start3A_604] : memref<320x2xi32, #tpu.memory_space<vmem>> -> memref<1x2xi32, #tpu.memory_space<vmem>>
        %dma_start3A_606 = tpu.memref_squeeze %dma_start3A_605 : memref<1x2xi32, #tpu.memory_space<vmem>> -> memref<2xi32, #tpu.memory_space<vmem>>
        %dma_start3A_607 = arith.constant 0 : i32
        %dma_start3A_608 = arith.constant 0 : i32
        %dma_start3A_609 = tpu.memref_slice %arg4[%dma_start3A_607, %dma_start3A_608] : memref<8192x8192xf32, #tpu.memory_space<hbm>> -> memref<8192x8192xf32, #tpu.memory_space<hbm>>
        tpu.enqueue_indirect_dma source(%dma_start3A_609 : memref<8192x8192xf32, #tpu.memory_space<hbm>>) target(%arg12 : memref<2x8192xf32, #tpu.memory_space<vmem>>) offsets(%dma_start3A_606 : memref<2xi32, #tpu.memory_space<vmem>>) semaphore(%arg17 : memref<!tpu.dma_semaphore, #tpu.memory_space<semaphore_mem>>)
      } else {
      }
      %dma_wait3A_423 = arith.constant 0 : i32
      %dma_wait3A_424 = tpu.memref_slice %arg8[%add3A_405, %dma_wait3A_423] : memref<320x2xi32, #tpu.memory_space<vmem>> -> memref<1x2xi32, #tpu.memory_space<vmem>>
      %dma_wait3A_425 = tpu.memref_squeeze %dma_wait3A_424 : memref<1x2xi32, #tpu.memory_space<vmem>> -> memref<2xi32, #tpu.memory_space<vmem>>
      %dma_wait3A_426 = arith.constant 0 : i32
      %dma_wait3A_427 = arith.constant 0 : i32
      %dma_wait3A_428 = tpu.memref_slice %arg4[%dma_wait3A_426, %dma_wait3A_427] : memref<8192x8192xf32, #tpu.memory_space<hbm>> -> memref<8192x8192xf32, #tpu.memory_space<hbm>>
      tpu.wait_indirect_dma semaphore(%arg19 : memref<!tpu.dma_semaphore, #tpu.memory_space<semaphore_mem>>) src(%dma_wait3A_428 : memref<8192x8192xf32, #tpu.memory_space<hbm>>) dst(%arg14 : memref<2x8192xf32, #tpu.memory_space<vmem>>)
      %mul3A_429 = arith.constant 2 : i32
      %mul3A_430 = arith.muli %add3A_405, %mul3A_429 : i32
      %add3A_431 = arith.constant 0 : i32
      %add3A_432 = arith.addi %mul3A_430, %add3A_431 : i32
      %broadcast_in_dim3A_433 = arith.constant 0.000000e+00 : f32
      %broadcast_in_dim3A_434 = vector.broadcast %broadcast_in_dim3A_433 : f32 to vector<16xf32>
      %scan3A_435 = arith.constant 0 : i32
      %scan3A_436 = arith.constant 64 : i32
      %scan3A_437 = arith.addi %scan3A_435, %scan3A_436 : i32
      %scan3A_438 = arith.constant 1 : i32
      %scan3A_439:4 = scf.for %scan3A_602 = %scan3A_435 to %scan3A_437 step %scan3A_438 iter_args(%scan3A_603 = %broadcast_in_dim3A_434, %scan3A_604 = %broadcast_in_dim3A_434, %scan3A_605 = %broadcast_in_dim3A_434, %scan3A_606 = %broadcast_in_dim3A_434) -> (vector<16xf32>, vector<16xf32>, vector<16xf32>, vector<16xf32>)  : i32 {
        %mul3A_607 = arith.constant 128 : i32
        %mul3A_608 = arith.muli %scan3A_602, %mul3A_607 : i32
        %add3A_609 = arith.constant 0 : i32
        %add3A_610 = arith.addi %mul3A_608, %add3A_609 : i32
        %get3A = arith.constant 0 : i32
        %get3A_611 = arith.index_cast %get3A : i32 to index
        %get3A_612 = arith.index_cast %add3A_610 : i32 to index
        %get3A_613 = tpu.vector_load %arg14[%get3A_611, %get3A_612] {strides = array<i32>} : memref<2x8192xf32, #tpu.memory_space<vmem>>, vector<1x16xf32>,
        %get3A_614 = vector.shape_cast %get3A_613 : vector<1x16xf32> to vector<16xf32>
        %exp3A = math.exp %get3A_614 : vector<16xf32>
        %add3A_615 = arith.addf %scan3A_603, %exp3A : vector<16xf32>
        %add3A_616 = arith.constant 16 : i32
        %add3A_617 = arith.addi %mul3A_608, %add3A_616 : i32
        %get3A_618 = arith.constant 0 : i32
        %get3A_619 = arith.index_cast %get3A_618 : i32 to index
        %get3A_620 = arith.index_cast %add3A_617 : i32 to index
        %get3A_621 = tpu.vector_load %arg14[%get3A_619, %get3A_620] {strides = array<i32>} : memref<2x8192xf32, #tpu.memory_space<vmem>>, vector<1x16xf32>,
        %get3A_622 = vector.shape_cast %get3A_621 : vector<1x16xf32> to vector<16xf32>
        %exp3A_623 = math.exp %get3A_622 : vector<16xf32>
        %add3A_624 = arith.addf %scan3A_604, %exp3A_623 : vector<16xf32>
        %add3A_625 = arith.constant 32 : i32
        %add3A_626 = arith.addi %mul3A_608, %add3A_625 : i32
        %get3A_627 = arith.constant 0 : i32
        %get3A_628 = arith.index_cast %get3A_627 : i32 to index
        %get3A_629 = arith.index_cast %add3A_626 : i32 to index
        %get3A_630 = tpu.vector_load %arg14[%get3A_628, %get3A_629] {strides = array<i32>} : memref<2x8192xf32, #tpu.memory_space<vmem>>, vector<1x16xf32>,
        %get3A_631 = vector.shape_cast %get3A_630 : vector<1x16xf32> to vector<16xf32>
        %exp3A_632 = math.exp %get3A_631 : vector<16xf32>
        %add3A_633 = arith.addf %scan3A_605, %exp3A_632 : vector<16xf32>
        %add3A_634 = arith.constant 48 : i32
        %add3A_635 = arith.addi %mul3A_608, %add3A_634 : i32
        %get3A_636 = arith.constant 0 : i32
        %get3A_637 = arith.index_cast %get3A_636 : i32 to index
        %get3A_638 = arith.index_cast %add3A_635 : i32 to index
        %get3A_639 = tpu.vector_load %arg14[%get3A_637, %get3A_638] {strides = array<i32>} : memref<2x8192xf32, #tpu.memory_space<vmem>>, vector<1x16xf32>,
        %get3A_640 = vector.shape_cast %get3A_639 : vector<1x16xf32> to vector<16xf32>
        %exp3A_641 = math.exp %get3A_640 : vector<16xf32>
        %add3A_642 = arith.addf %scan3A_606, %exp3A_641 : vector<16xf32>
        %add3A_643 = arith.constant 64 : i32
        %add3A_644 = arith.addi %mul3A_608, %add3A_643 : i32
        %get3A_645 = arith.constant 0 : i32
        %get3A_646 = arith.index_cast %get3A_645 : i32 to index
        %get3A_647 = arith.index_cast %add3A_644 : i32 to index
        %get3A_648 = tpu.vector_load %arg14[%get3A_646, %get3A_647] {strides = array<i32>} : memref<2x8192xf32, #tpu.memory_space<vmem>>, vector<1x16xf32>,
        %get3A_649 = vector.shape_cast %get3A_648 : vector<1x16xf32> to vector<16xf32>
        %exp3A_650 = math.exp %get3A_649 : vector<16xf32>
        %add3A_651 = arith.addf %add3A_615, %exp3A_650 : vector<16xf32>
        %add3A_652 = arith.constant 80 : i32
        %add3A_653 = arith.addi %mul3A_608, %add3A_652 : i32
        %get3A_654 = arith.constant 0 : i32
        %get3A_655 = arith.index_cast %get3A_654 : i32 to index
        %get3A_656 = arith.index_cast %add3A_653 : i32 to index
        %get3A_657 = tpu.vector_load %arg14[%get3A_655, %get3A_656] {strides = array<i32>} : memref<2x8192xf32, #tpu.memory_space<vmem>>, vector<1x16xf32>,
        %get3A_658 = vector.shape_cast %get3A_657 : vector<1x16xf32> to vector<16xf32>
        %exp3A_659 = math.exp %get3A_658 : vector<16xf32>
        %add3A_660 = arith.addf %add3A_624, %exp3A_659 : vector<16xf32>
        %add3A_661 = arith.constant 96 : i32
        %add3A_662 = arith.addi %mul3A_608, %add3A_661 : i32
        %get3A_663 = arith.constant 0 : i32
        %get3A_664 = arith.index_cast %get3A_663 : i32 to index
        %get3A_665 = arith.index_cast %add3A_662 : i32 to index
        %get3A_666 = tpu.vector_load %arg14[%get3A_664, %get3A_665] {strides = array<i32>} : memref<2x8192xf32, #tpu.memory_space<vmem>>, vector<1x16xf32>,
        %get3A_667 = vector.shape_cast %get3A_666 : vector<1x16xf32> to vector<16xf32>
        %exp3A_668 = math.exp %get3A_667 : vector<16xf32>
        %add3A_669 = arith.addf %add3A_633, %exp3A_668 : vector<16xf32>
        %add3A_670 = arith.constant 112 : i32
        %add3A_671 = arith.addi %mul3A_608, %add3A_670 : i32
        %get3A_672 = arith.constant 0 : i32
        %get3A_673 = arith.index_cast %get3A_672 : i32 to index
        %get3A_674 = arith.index_cast %add3A_671 : i32 to index
        %get3A_675 = tpu.vector_load %arg14[%get3A_673, %get3A_674] {strides = array<i32>} : memref<2x8192xf32, #tpu.memory_space<vmem>>, vector<1x16xf32>,
        %get3A_676 = vector.shape_cast %get3A_675 : vector<1x16xf32> to vector<16xf32>
        %exp3A_677 = math.exp %get3A_676 : vector<16xf32>
        %add3A_678 = arith.addf %add3A_642, %exp3A_677 : vector<16xf32>
        scf.yield %add3A_651, %add3A_660, %add3A_669, %add3A_678 : vector<16xf32>, vector<16xf32>, vector<16xf32>, vector<16xf32>
      }
      %scan3A_440 = arith.constant 64 : i32
      %add3A_441 = arith.addf %scan3A_439#0, %scan3A_439#1 : vector<16xf32>
      %add3A_442 = arith.addf %scan3A_439#2, %scan3A_439#3 : vector<16xf32>
      %add3A_443 = arith.addf %add3A_441, %add3A_442 : vector<16xf32>
      %mul3A_444 = arith.constant 16 : i32
      %mul3A_445 = arith.muli %add3A_432, %mul3A_444 : i32
      %swap3A_446 = arith.index_cast %mul3A_445 : i32 to index
      %swap3A_447 = tpu.vector_load %arg16[%swap3A_446] {strides = array<i32>} : memref<10240xf32, #tpu.memory_space<vmem>>, vector<16xf32>,
      %swap3A_448 = vector.shape_cast %swap3A_447 : vector<16xf32> to vector<16xf32>
      %swap3A_449 = vector.shape_cast %add3A_443 : vector<16xf32> to vector<16xf32>
      tpu.vector_store %arg16[%swap3A_446], %swap3A_449 {strides = array<i32>} : memref<10240xf32, #tpu.memory_space<vmem>>, vector<16xf32>,
      %mul3A_450 = arith.constant 2 : i32
      %mul3A_451 = arith.muli %add3A_405, %mul3A_450 : i32
      %add3A_452 = arith.constant 1 : i32
      %add3A_453 = arith.addi %mul3A_451, %add3A_452 : i32
      %broadcast_in_dim3A_454 = arith.constant 0.000000e+00 : f32
      %broadcast_in_dim3A_455 = vector.broadcast %broadcast_in_dim3A_454 : f32 to vector<16xf32>
      %scan3A_456 = arith.constant 0 : i32
      %scan3A_457 = arith.constant 64 : i32
      %scan3A_458 = arith.addi %scan3A_456, %scan3A_457 : i32
      %scan3A_459 = arith.constant 1 : i32
      %scan3A_460:4 = scf.for %scan3A_602 = %scan3A_456 to %scan3A_458 step %scan3A_459 iter_args(%scan3A_603 = %broadcast_in_dim3A_455, %scan3A_604 = %broadcast_in_dim3A_455, %scan3A_605 = %broadcast_in_dim3A_455, %scan3A_606 = %broadcast_in_dim3A_455) -> (vector<16xf32>, vector<16xf32>, vector<16xf32>, vector<16xf32>)  : i32 {
        %mul3A_607 = arith.constant 128 : i32
        %mul3A_608 = arith.muli %scan3A_602, %mul3A_607 : i32
        %add3A_609 = arith.constant 0 : i32
        %add3A_610 = arith.addi %mul3A_608, %add3A_609 : i32
        %get3A = arith.constant 1 : i32
        %get3A_611 = arith.index_cast %get3A : i32 to index
        %get3A_612 = arith.index_cast %add3A_610 : i32 to index
        %get3A_613 = tpu.vector_load %arg14[%get3A_611, %get3A_612] {strides = array<i32>} : memref<2x8192xf32, #tpu.memory_space<vmem>>, vector<1x16xf32>,
        %get3A_614 = vector.shape_cast %get3A_613 : vector<1x16xf32> to vector<16xf32>
        %exp3A = math.exp %get3A_614 : vector<16xf32>
        %add3A_615 = arith.addf %scan3A_603, %exp3A : vector<16xf32>
        %add3A_616 = arith.constant 16 : i32
        %add3A_617 = arith.addi %mul3A_608, %add3A_616 : i32
        %get3A_618 = arith.constant 1 : i32
        %get3A_619 = arith.index_cast %get3A_618 : i32 to index
        %get3A_620 = arith.index_cast %add3A_617 : i32 to index
        %get3A_621 = tpu.vector_load %arg14[%get3A_619, %get3A_620] {strides = array<i32>} : memref<2x8192xf32, #tpu.memory_space<vmem>>, vector<1x16xf32>,
        %get3A_622 = vector.shape_cast %get3A_621 : vector<1x16xf32> to vector<16xf32>
        %exp3A_623 = math.exp %get3A_622 : vector<16xf32>
        %add3A_624 = arith.addf %scan3A_604, %exp3A_623 : vector<16xf32>
        %add3A_625 = arith.constant 32 : i32
        %add3A_626 = arith.addi %mul3A_608, %add3A_625 : i32
        %get3A_627 = arith.constant 1 : i32
        %get3A_628 = arith.index_cast %get3A_627 : i32 to index
        %get3A_629 = arith.index_cast %add3A_626 : i32 to index
        %get3A_630 = tpu.vector_load %arg14[%get3A_628, %get3A_629] {strides = array<i32>} : memref<2x8192xf32, #tpu.memory_space<vmem>>, vector<1x16xf32>,
        %get3A_631 = vector.shape_cast %get3A_630 : vector<1x16xf32> to vector<16xf32>
        %exp3A_632 = math.exp %get3A_631 : vector<16xf32>
        %add3A_633 = arith.addf %scan3A_605, %exp3A_632 : vector<16xf32>
        %add3A_634 = arith.constant 48 : i32
        %add3A_635 = arith.addi %mul3A_608, %add3A_634 : i32
        %get3A_636 = arith.constant 1 : i32
        %get3A_637 = arith.index_cast %get3A_636 : i32 to index
        %get3A_638 = arith.index_cast %add3A_635 : i32 to index
        %get3A_639 = tpu.vector_load %arg14[%get3A_637, %get3A_638] {strides = array<i32>} : memref<2x8192xf32, #tpu.memory_space<vmem>>, vector<1x16xf32>,
        %get3A_640 = vector.shape_cast %get3A_639 : vector<1x16xf32> to vector<16xf32>
        %exp3A_641 = math.exp %get3A_640 : vector<16xf32>
        %add3A_642 = arith.addf %scan3A_606, %exp3A_641 : vector<16xf32>
        %add3A_643 = arith.constant 64 : i32
        %add3A_644 = arith.addi %mul3A_608, %add3A_643 : i32
        %get3A_645 = arith.constant 1 : i32
        %get3A_646 = arith.index_cast %get3A_645 : i32 to index
        %get3A_647 = arith.index_cast %add3A_644 : i32 to index
        %get3A_648 = tpu.vector_load %arg14[%get3A_646, %get3A_647] {strides = array<i32>} : memref<2x8192xf32, #tpu.memory_space<vmem>>, vector<1x16xf32>,
        %get3A_649 = vector.shape_cast %get3A_648 : vector<1x16xf32> to vector<16xf32>
        %exp3A_650 = math.exp %get3A_649 : vector<16xf32>
        %add3A_651 = arith.addf %add3A_615, %exp3A_650 : vector<16xf32>
        %add3A_652 = arith.constant 80 : i32
        %add3A_653 = arith.addi %mul3A_608, %add3A_652 : i32
        %get3A_654 = arith.constant 1 : i32
        %get3A_655 = arith.index_cast %get3A_654 : i32 to index
        %get3A_656 = arith.index_cast %add3A_653 : i32 to index
        %get3A_657 = tpu.vector_load %arg14[%get3A_655, %get3A_656] {strides = array<i32>} : memref<2x8192xf32, #tpu.memory_space<vmem>>, vector<1x16xf32>,
        %get3A_658 = vector.shape_cast %get3A_657 : vector<1x16xf32> to vector<16xf32>
        %exp3A_659 = math.exp %get3A_658 : vector<16xf32>
        %add3A_660 = arith.addf %add3A_624, %exp3A_659 : vector<16xf32>
        %add3A_661 = arith.constant 96 : i32
        %add3A_662 = arith.addi %mul3A_608, %add3A_661 : i32
        %get3A_663 = arith.constant 1 : i32
        %get3A_664 = arith.index_cast %get3A_663 : i32 to index
        %get3A_665 = arith.index_cast %add3A_662 : i32 to index
        %get3A_666 = tpu.vector_load %arg14[%get3A_664, %get3A_665] {strides = array<i32>} : memref<2x8192xf32, #tpu.memory_space<vmem>>, vector<1x16xf32>,
        %get3A_667 = vector.shape_cast %get3A_666 : vector<1x16xf32> to vector<16xf32>
        %exp3A_668 = math.exp %get3A_667 : vector<16xf32>
        %add3A_669 = arith.addf %add3A_633, %exp3A_668 : vector<16xf32>
        %add3A_670 = arith.constant 112 : i32
        %add3A_671 = arith.addi %mul3A_608, %add3A_670 : i32
        %get3A_672 = arith.constant 1 : i32
        %get3A_673 = arith.index_cast %get3A_672 : i32 to index
        %get3A_674 = arith.index_cast %add3A_671 : i32 to index
        %get3A_675 = tpu.vector_load %arg14[%get3A_673, %get3A_674] {strides = array<i32>} : memref<2x8192xf32, #tpu.memory_space<vmem>>, vector<1x16xf32>,
        %get3A_676 = vector.shape_cast %get3A_675 : vector<1x16xf32> to vector<16xf32>
        %exp3A_677 = math.exp %get3A_676 : vector<16xf32>
        %add3A_678 = arith.addf %add3A_642, %exp3A_677 : vector<16xf32>
        scf.yield %add3A_651, %add3A_660, %add3A_669, %add3A_678 : vector<16xf32>, vector<16xf32>, vector<16xf32>, vector<16xf32>
      }
      %scan3A_461 = arith.constant 64 : i32
      %add3A_462 = arith.addf %scan3A_460#0, %scan3A_460#1 : vector<16xf32>
      %add3A_463 = arith.addf %scan3A_460#2, %scan3A_460#3 : vector<16xf32>
      %add3A_464 = arith.addf %add3A_462, %add3A_463 : vector<16xf32>
      %mul3A_465 = arith.constant 16 : i32
      %mul3A_466 = arith.muli %add3A_453, %mul3A_465 : i32
      %swap3A_467 = arith.index_cast %mul3A_466 : i32 to index
      %swap3A_468 = tpu.vector_load %arg16[%swap3A_467] {strides = array<i32>} : memref<10240xf32, #tpu.memory_space<vmem>>, vector<16xf32>,
      %swap3A_469 = vector.shape_cast %swap3A_468 : vector<16xf32> to vector<16xf32>
      %swap3A_470 = vector.shape_cast %add3A_464 : vector<16xf32> to vector<16xf32>
      tpu.vector_store %arg16[%swap3A_467], %swap3A_470 {strides = array<i32>} : memref<10240xf32, #tpu.memory_space<vmem>>, vector<16xf32>,
      %mul3A_471 = arith.constant 2 : i32
      %mul3A_472 = arith.muli %add3A_405, %mul3A_471 : i32
      %add3A_473 = arith.addi %mul3A_4, %mul3A_472 : i32
      %add3A_474 = arith.constant 0 : i32
      %add3A_475 = arith.addi %add3A_473, %add3A_474 : i32
      %mul3A_476 = arith.constant 8192 : i32
      %mul3A_477 = arith.muli %add3A_475, %mul3A_476 : i32
      %dma_start3A_478 = arith.constant 0 : i32
      %dma_start3A_479 = arith.constant 0 : i32
      %dma_start3A_480 = tpu.memref_slice %arg14[%dma_start3A_478, %dma_start3A_479] : memref<2x8192xf32, #tpu.memory_space<vmem>> -> memref<1x8192xf32, #tpu.memory_space<vmem>>
      %dma_start3A_481 = tpu.memref_squeeze %dma_start3A_480 : memref<1x8192xf32, #tpu.memory_space<vmem>> -> memref<8192xf32, #tpu.memory_space<vmem>>
      %dma_start3A_482 = tpu.memref_slice %arg5[%mul3A_477] : memref<167772160xf32, #tpu.memory_space<hbm>> -> memref<8192xf32, #tpu.memory_space<hbm>>
      %dma_start3A_483 = tpu.memref_slice %arg5[%mul3A_477] : memref<167772160xf32, #tpu.memory_space<hbm>> -> memref<8192xf32, #tpu.memory_space<hbm>>
      %dma_start3A_484 = arith.constant 0 : i32
      %dma_start3A_485 = tpu.memref_slice %arg14[%dma_start3A_478, %dma_start3A_484] : memref<2x8192xf32, #tpu.memory_space<vmem>> -> memref<1x8192xf32, #tpu.memory_space<vmem>>
      %dma_start3A_486 = tpu.memref_squeeze %dma_start3A_485 : memref<1x8192xf32, #tpu.memory_space<vmem>> -> memref<8192xf32, #tpu.memory_space<vmem>>
      tpu.enqueue_dma source(%dma_start3A_486 : memref<8192xf32, #tpu.memory_space<vmem>>) target(%dma_start3A_483 : memref<8192xf32, #tpu.memory_space<hbm>>) target_semaphore(%arg23 : memref<!tpu.dma_semaphore, #tpu.memory_space<semaphore_mem>>)
      %mul3A_487 = arith.constant 2 : i32
      %mul3A_488 = arith.muli %add3A_405, %mul3A_487 : i32
      %add3A_489 = arith.addi %mul3A_4, %mul3A_488 : i32
      %add3A_490 = arith.constant 1 : i32
      %add3A_491 = arith.addi %add3A_489, %add3A_490 : i32
      %mul3A_492 = arith.constant 8192 : i32
      %mul3A_493 = arith.muli %add3A_491, %mul3A_492 : i32
      %dma_start3A_494 = arith.constant 1 : i32
      %dma_start3A_495 = arith.constant 0 : i32
      %dma_start3A_496 = tpu.memref_slice %arg14[%dma_start3A_494, %dma_start3A_495] : memref<2x8192xf32, #tpu.memory_space<vmem>> -> memref<1x8192xf32, #tpu.memory_space<vmem>>
      %dma_start3A_497 = tpu.memref_squeeze %dma_start3A_496 : memref<1x8192xf32, #tpu.memory_space<vmem>> -> memref<8192xf32, #tpu.memory_space<vmem>>
      %dma_start3A_498 = tpu.memref_slice %arg5[%mul3A_493] : memref<167772160xf32, #tpu.memory_space<hbm>> -> memref<8192xf32, #tpu.memory_space<hbm>>
      %dma_start3A_499 = tpu.memref_slice %arg5[%mul3A_493] : memref<167772160xf32, #tpu.memory_space<hbm>> -> memref<8192xf32, #tpu.memory_space<hbm>>
      %dma_start3A_500 = arith.constant 0 : i32
      %dma_start3A_501 = tpu.memref_slice %arg14[%dma_start3A_494, %dma_start3A_500] : memref<2x8192xf32, #tpu.memory_space<vmem>> -> memref<1x8192xf32, #tpu.memory_space<vmem>>
      %dma_start3A_502 = tpu.memref_squeeze %dma_start3A_501 : memref<1x8192xf32, #tpu.memory_space<vmem>> -> memref<8192xf32, #tpu.memory_space<vmem>>
      tpu.enqueue_dma source(%dma_start3A_502 : memref<8192xf32, #tpu.memory_space<vmem>>) target(%dma_start3A_499 : memref<8192xf32, #tpu.memory_space<hbm>>) target_semaphore(%arg23 : memref<!tpu.dma_semaphore, #tpu.memory_space<semaphore_mem>>)
      %add3A_503 = arith.constant 3 : i32
      %add3A_504 = arith.addi %mul3A_212, %add3A_503 : i32
      %ge3A_505 = arith.constant 2 : i32
      %ge3A_506 = arith.cmpi sge, %add3A_504, %ge3A_505 : i32
      %add3A_507 = arith.constant 2 : i32
      %add3A_508 = arith.addi %add3A_504, %add3A_507 : i32
      %lt3A_509 = arith.constant 320 : i32
      %lt3A_510 = arith.cmpi slt, %add3A_508, %lt3A_509 : i32
      %and3A_511 = arith.andi %ge3A_506, %lt3A_510 : i1
      %convert_element_type3A_512 = arith.extui %and3A_511 : i1 to i32
      %cond3A_513 = arith.constant 0 : i32
      %cond3A_514 = arith.cmpi ne, %convert_element_type3A_512, %cond3A_513 : i32
      scf.if %cond3A_514 {
        %sub3A = arith.constant 2 : i32
        %sub3A_602 = arith.subi %add3A_504, %sub3A : i32
        %mul3A_603 = arith.constant 2 : i32
        %mul3A_604 = arith.muli %sub3A_602, %mul3A_603 : i32
        %add3A_605 = arith.addi %mul3A_4, %mul3A_604 : i32
        %add3A_606 = arith.constant 0 : i32
        %add3A_607 = arith.addi %add3A_605, %add3A_606 : i32
        %mul3A_608 = arith.constant 8192 : i32
        %mul3A_609 = arith.muli %add3A_607, %mul3A_608 : i32
        %dma_wait3A_610 = arith.constant 0 : i32
        %dma_wait3A_611 = arith.constant 0 : i32
        %dma_wait3A_612 = tpu.memref_slice %arg13[%dma_wait3A_610, %dma_wait3A_611] : memref<2x8192xf32, #tpu.memory_space<vmem>> -> memref<1x8192xf32, #tpu.memory_space<vmem>>
        %dma_wait3A_613 = tpu.memref_squeeze %dma_wait3A_612 : memref<1x8192xf32, #tpu.memory_space<vmem>> -> memref<8192xf32, #tpu.memory_space<vmem>>
        %dma_wait3A_614 = tpu.memref_slice %arg5[%mul3A_609] : memref<167772160xf32, #tpu.memory_space<hbm>> -> memref<8192xf32, #tpu.memory_space<hbm>>
        %dma_wait3A_615 = tpu.memref_slice %arg5[%mul3A_609] : memref<167772160xf32, #tpu.memory_space<hbm>> -> memref<8192xf32, #tpu.memory_space<hbm>>
        %dma_wait3A_616 = arith.constant 0 : i32
        %dma_wait3A_617 = tpu.memref_slice %arg13[%dma_wait3A_610, %dma_wait3A_616] : memref<2x8192xf32, #tpu.memory_space<vmem>> -> memref<1x8192xf32, #tpu.memory_space<vmem>>
        %dma_wait3A_618 = tpu.memref_squeeze %dma_wait3A_617 : memref<1x8192xf32, #tpu.memory_space<vmem>> -> memref<8192xf32, #tpu.memory_space<vmem>>
        tpu.wait_dma2 semaphore(%arg22 : memref<!tpu.dma_semaphore, #tpu.memory_space<semaphore_mem>>) src(%dma_wait3A_618 : memref<8192xf32, #tpu.memory_space<vmem>>) dst(%dma_wait3A_615 : memref<8192xf32, #tpu.memory_space<hbm>>)
        %mul3A_619 = arith.constant 2 : i32
        %mul3A_620 = arith.muli %sub3A_602, %mul3A_619 : i32
        %add3A_621 = arith.addi %mul3A_4, %mul3A_620 : i32
        %add3A_622 = arith.constant 1 : i32
        %add3A_623 = arith.addi %add3A_621, %add3A_622 : i32
        %mul3A_624 = arith.constant 8192 : i32
        %mul3A_625 = arith.muli %add3A_623, %mul3A_624 : i32
        %dma_wait3A_626 = arith.constant 1 : i32
        %dma_wait3A_627 = arith.constant 0 : i32
        %dma_wait3A_628 = tpu.memref_slice %arg13[%dma_wait3A_626, %dma_wait3A_627] : memref<2x8192xf32, #tpu.memory_space<vmem>> -> memref<1x8192xf32, #tpu.memory_space<vmem>>
        %dma_wait3A_629 = tpu.memref_squeeze %dma_wait3A_628 : memref<1x8192xf32, #tpu.memory_space<vmem>> -> memref<8192xf32, #tpu.memory_space<vmem>>
        %dma_wait3A_630 = tpu.memref_slice %arg5[%mul3A_625] : memref<167772160xf32, #tpu.memory_space<hbm>> -> memref<8192xf32, #tpu.memory_space<hbm>>
        %dma_wait3A_631 = tpu.memref_slice %arg5[%mul3A_625] : memref<167772160xf32, #tpu.memory_space<hbm>> -> memref<8192xf32, #tpu.memory_space<hbm>>
        %dma_wait3A_632 = arith.constant 0 : i32
        %dma_wait3A_633 = tpu.memref_slice %arg13[%dma_wait3A_626, %dma_wait3A_632] : memref<2x8192xf32, #tpu.memory_space<vmem>> -> memref<1x8192xf32, #tpu.memory_space<vmem>>
        %dma_wait3A_634 = tpu.memref_squeeze %dma_wait3A_633 : memref<1x8192xf32, #tpu.memory_space<vmem>> -> memref<8192xf32, #tpu.memory_space<vmem>>
        tpu.wait_dma2 semaphore(%arg22 : memref<!tpu.dma_semaphore, #tpu.memory_space<semaphore_mem>>) src(%dma_wait3A_634 : memref<8192xf32, #tpu.memory_space<vmem>>) dst(%dma_wait3A_631 : memref<8192xf32, #tpu.memory_space<hbm>>)
      } else {
      }
      %add3A_515 = arith.constant 2 : i32
      %add3A_516 = arith.addi %add3A_504, %add3A_515 : i32
      %lt3A_517 = arith.constant 320 : i32
      %lt3A_518 = arith.cmpi slt, %add3A_516, %lt3A_517 : i32
      %convert_element_type3A_519 = arith.extui %lt3A_518 : i1 to i32
      %cond3A_520 = arith.constant 0 : i32
      %cond3A_521 = arith.cmpi ne, %convert_element_type3A_519, %cond3A_520 : i32
      scf.if %cond3A_521 {
        %add3A_602 = arith.constant 2 : i32
        %add3A_603 = arith.addi %add3A_504, %add3A_602 : i32
        %dma_start3A_604 = arith.constant 0 : i32
        %dma_start3A_605 = tpu.memref_slice %arg8[%add3A_603, %dma_start3A_604] : memref<320x2xi32, #tpu.memory_space<vmem>> -> memref<1x2xi32, #tpu.memory_space<vmem>>
        %dma_start3A_606 = tpu.memref_squeeze %dma_start3A_605 : memref<1x2xi32, #tpu.memory_space<vmem>> -> memref<2xi32, #tpu.memory_space<vmem>>
        %dma_start3A_607 = arith.constant 0 : i32
        %dma_start3A_608 = arith.constant 0 : i32
        %dma_start3A_609 = tpu.memref_slice %arg4[%dma_start3A_607, %dma_start3A_608] : memref<8192x8192xf32, #tpu.memory_space<hbm>> -> memref<8192x8192xf32, #tpu.memory_space<hbm>>
        tpu.enqueue_indirect_dma source(%dma_start3A_609 : memref<8192x8192xf32, #tpu.memory_space<hbm>>) target(%arg13 : memref<2x8192xf32, #tpu.memory_space<vmem>>) offsets(%dma_start3A_606 : memref<2xi32, #tpu.memory_space<vmem>>) semaphore(%arg18 : memref<!tpu.dma_semaphore, #tpu.memory_space<semaphore_mem>>)
      } else {
      }
      %dma_wait3A_522 = arith.constant 0 : i32
      %dma_wait3A_523 = tpu.memref_slice %arg8[%add3A_504, %dma_wait3A_522] : memref<320x2xi32, #tpu.memory_space<vmem>> -> memref<1x2xi32, #tpu.memory_space<vmem>>
      %dma_wait3A_524 = tpu.memref_squeeze %dma_wait3A_523 : memref<1x2xi32, #tpu.memory_space<vmem>> -> memref<2xi32, #tpu.memory_space<vmem>>
      %dma_wait3A_525 = arith.constant 0 : i32
      %dma_wait3A_526 = arith.constant 0 : i32
      %dma_wait3A_527 = tpu.memref_slice %arg4[%dma_wait3A_525, %dma_wait3A_526] : memref<8192x8192xf32, #tpu.memory_space<hbm>> -> memref<8192x8192xf32, #tpu.memory_space<hbm>>
      tpu.wait_indirect_dma semaphore(%arg20 : memref<!tpu.dma_semaphore, #tpu.memory_space<semaphore_mem>>) src(%dma_wait3A_527 : memref<8192x8192xf32, #tpu.memory_space<hbm>>) dst(%arg15 : memref<2x8192xf32, #tpu.memory_space<vmem>>)
      %mul3A_528 = arith.constant 2 : i32
      %mul3A_529 = arith.muli %add3A_504, %mul3A_528 : i32
      %add3A_530 = arith.constant 0 : i32
      %add3A_531 = arith.addi %mul3A_529, %add3A_530 : i32
      %broadcast_in_dim3A_532 = arith.constant 0.000000e+00 : f32
      %broadcast_in_dim3A_533 = vector.broadcast %broadcast_in_dim3A_532 : f32 to vector<16xf32>
      %scan3A_534 = arith.constant 0 : i32
      %scan3A_535 = arith.constant 64 : i32
      %scan3A_536 = arith.addi %scan3A_534, %scan3A_535 : i32
      %scan3A_537 = arith.constant 1 : i32
      %scan3A_538:4 = scf.for %scan3A_602 = %scan3A_534 to %scan3A_536 step %scan3A_537 iter_args(%scan3A_603 = %broadcast_in_dim3A_533, %scan3A_604 = %broadcast_in_dim3A_533, %scan3A_605 = %broadcast_in_dim3A_533, %scan3A_606 = %broadcast_in_dim3A_533) -> (vector<16xf32>, vector<16xf32>, vector<16xf32>, vector<16xf32>)  : i32 {
        %mul3A_607 = arith.constant 128 : i32
        %mul3A_608 = arith.muli %scan3A_602, %mul3A_607 : i32
        %add3A_609 = arith.constant 0 : i32
        %add3A_610 = arith.addi %mul3A_608, %add3A_609 : i32
        %get3A = arith.constant 0 : i32
        %get3A_611 = arith.index_cast %get3A : i32 to index
        %get3A_612 = arith.index_cast %add3A_610 : i32 to index
        %get3A_613 = tpu.vector_load %arg15[%get3A_611, %get3A_612] {strides = array<i32>} : memref<2x8192xf32, #tpu.memory_space<vmem>>, vector<1x16xf32>,
        %get3A_614 = vector.shape_cast %get3A_613 : vector<1x16xf32> to vector<16xf32>
        %exp3A = math.exp %get3A_614 : vector<16xf32>
        %add3A_615 = arith.addf %scan3A_603, %exp3A : vector<16xf32>
        %add3A_616 = arith.constant 16 : i32
        %add3A_617 = arith.addi %mul3A_608, %add3A_616 : i32
        %get3A_618 = arith.constant 0 : i32
        %get3A_619 = arith.index_cast %get3A_618 : i32 to index
        %get3A_620 = arith.index_cast %add3A_617 : i32 to index
        %get3A_621 = tpu.vector_load %arg15[%get3A_619, %get3A_620] {strides = array<i32>} : memref<2x8192xf32, #tpu.memory_space<vmem>>, vector<1x16xf32>,
        %get3A_622 = vector.shape_cast %get3A_621 : vector<1x16xf32> to vector<16xf32>
        %exp3A_623 = math.exp %get3A_622 : vector<16xf32>
        %add3A_624 = arith.addf %scan3A_604, %exp3A_623 : vector<16xf32>
        %add3A_625 = arith.constant 32 : i32
        %add3A_626 = arith.addi %mul3A_608, %add3A_625 : i32
        %get3A_627 = arith.constant 0 : i32
        %get3A_628 = arith.index_cast %get3A_627 : i32 to index
        %get3A_629 = arith.index_cast %add3A_626 : i32 to index
        %get3A_630 = tpu.vector_load %arg15[%get3A_628, %get3A_629] {strides = array<i32>} : memref<2x8192xf32, #tpu.memory_space<vmem>>, vector<1x16xf32>,
        %get3A_631 = vector.shape_cast %get3A_630 : vector<1x16xf32> to vector<16xf32>
        %exp3A_632 = math.exp %get3A_631 : vector<16xf32>
        %add3A_633 = arith.addf %scan3A_605, %exp3A_632 : vector<16xf32>
        %add3A_634 = arith.constant 48 : i32
        %add3A_635 = arith.addi %mul3A_608, %add3A_634 : i32
        %get3A_636 = arith.constant 0 : i32
        %get3A_637 = arith.index_cast %get3A_636 : i32 to index
        %get3A_638 = arith.index_cast %add3A_635 : i32 to index
        %get3A_639 = tpu.vector_load %arg15[%get3A_637, %get3A_638] {strides = array<i32>} : memref<2x8192xf32, #tpu.memory_space<vmem>>, vector<1x16xf32>,
        %get3A_640 = vector.shape_cast %get3A_639 : vector<1x16xf32> to vector<16xf32>
        %exp3A_641 = math.exp %get3A_640 : vector<16xf32>
        %add3A_642 = arith.addf %scan3A_606, %exp3A_641 : vector<16xf32>
        %add3A_643 = arith.constant 64 : i32
        %add3A_644 = arith.addi %mul3A_608, %add3A_643 : i32
        %get3A_645 = arith.constant 0 : i32
        %get3A_646 = arith.index_cast %get3A_645 : i32 to index
        %get3A_647 = arith.index_cast %add3A_644 : i32 to index
        %get3A_648 = tpu.vector_load %arg15[%get3A_646, %get3A_647] {strides = array<i32>} : memref<2x8192xf32, #tpu.memory_space<vmem>>, vector<1x16xf32>,
        %get3A_649 = vector.shape_cast %get3A_648 : vector<1x16xf32> to vector<16xf32>
        %exp3A_650 = math.exp %get3A_649 : vector<16xf32>
        %add3A_651 = arith.addf %add3A_615, %exp3A_650 : vector<16xf32>
        %add3A_652 = arith.constant 80 : i32
        %add3A_653 = arith.addi %mul3A_608, %add3A_652 : i32
        %get3A_654 = arith.constant 0 : i32
        %get3A_655 = arith.index_cast %get3A_654 : i32 to index
        %get3A_656 = arith.index_cast %add3A_653 : i32 to index
        %get3A_657 = tpu.vector_load %arg15[%get3A_655, %get3A_656] {strides = array<i32>} : memref<2x8192xf32, #tpu.memory_space<vmem>>, vector<1x16xf32>,
        %get3A_658 = vector.shape_cast %get3A_657 : vector<1x16xf32> to vector<16xf32>
        %exp3A_659 = math.exp %get3A_658 : vector<16xf32>
        %add3A_660 = arith.addf %add3A_624, %exp3A_659 : vector<16xf32>
        %add3A_661 = arith.constant 96 : i32
        %add3A_662 = arith.addi %mul3A_608, %add3A_661 : i32
        %get3A_663 = arith.constant 0 : i32
        %get3A_664 = arith.index_cast %get3A_663 : i32 to index
        %get3A_665 = arith.index_cast %add3A_662 : i32 to index
        %get3A_666 = tpu.vector_load %arg15[%get3A_664, %get3A_665] {strides = array<i32>} : memref<2x8192xf32, #tpu.memory_space<vmem>>, vector<1x16xf32>,
        %get3A_667 = vector.shape_cast %get3A_666 : vector<1x16xf32> to vector<16xf32>
        %exp3A_668 = math.exp %get3A_667 : vector<16xf32>
        %add3A_669 = arith.addf %add3A_633, %exp3A_668 : vector<16xf32>
        %add3A_670 = arith.constant 112 : i32
        %add3A_671 = arith.addi %mul3A_608, %add3A_670 : i32
        %get3A_672 = arith.constant 0 : i32
        %get3A_673 = arith.index_cast %get3A_672 : i32 to index
        %get3A_674 = arith.index_cast %add3A_671 : i32 to index
        %get3A_675 = tpu.vector_load %arg15[%get3A_673, %get3A_674] {strides = array<i32>} : memref<2x8192xf32, #tpu.memory_space<vmem>>, vector<1x16xf32>,
        %get3A_676 = vector.shape_cast %get3A_675 : vector<1x16xf32> to vector<16xf32>
        %exp3A_677 = math.exp %get3A_676 : vector<16xf32>
        %add3A_678 = arith.addf %add3A_642, %exp3A_677 : vector<16xf32>
        scf.yield %add3A_651, %add3A_660, %add3A_669, %add3A_678 : vector<16xf32>, vector<16xf32>, vector<16xf32>, vector<16xf32>
      }
      %scan3A_539 = arith.constant 64 : i32
      %add3A_540 = arith.addf %scan3A_538#0, %scan3A_538#1 : vector<16xf32>
      %add3A_541 = arith.addf %scan3A_538#2, %scan3A_538#3 : vector<16xf32>
      %add3A_542 = arith.addf %add3A_540, %add3A_541 : vector<16xf32>
      %mul3A_543 = arith.constant 16 : i32
      %mul3A_544 = arith.muli %add3A_531, %mul3A_543 : i32
      %swap3A_545 = arith.index_cast %mul3A_544 : i32 to index
      %swap3A_546 = tpu.vector_load %arg16[%swap3A_545] {strides = array<i32>} : memref<10240xf32, #tpu.memory_space<vmem>>, vector<16xf32>,
      %swap3A_547 = vector.shape_cast %swap3A_546 : vector<16xf32> to vector<16xf32>
      %swap3A_548 = vector.shape_cast %add3A_542 : vector<16xf32> to vector<16xf32>
      tpu.vector_store %arg16[%swap3A_545], %swap3A_548 {strides = array<i32>} : memref<10240xf32, #tpu.memory_space<vmem>>, vector<16xf32>,
      %mul3A_549 = arith.constant 2 : i32
      %mul3A_550 = arith.muli %add3A_504, %mul3A_549 : i32
      %add3A_551 = arith.constant 1 : i32
      %add3A_552 = arith.addi %mul3A_550, %add3A_551 : i32
      %broadcast_in_dim3A_553 = arith.constant 0.000000e+00 : f32
      %broadcast_in_dim3A_554 = vector.broadcast %broadcast_in_dim3A_553 : f32 to vector<16xf32>
      %scan3A_555 = arith.constant 0 : i32
      %scan3A_556 = arith.constant 64 : i32
      %scan3A_557 = arith.addi %scan3A_555, %scan3A_556 : i32
      %scan3A_558 = arith.constant 1 : i32
      %scan3A_559:4 = scf.for %scan3A_602 = %scan3A_555 to %scan3A_557 step %scan3A_558 iter_args(%scan3A_603 = %broadcast_in_dim3A_554, %scan3A_604 = %broadcast_in_dim3A_554, %scan3A_605 = %broadcast_in_dim3A_554, %scan3A_606 = %broadcast_in_dim3A_554) -> (vector<16xf32>, vector<16xf32>, vector<16xf32>, vector<16xf32>)  : i32 {
        %mul3A_607 = arith.constant 128 : i32
        %mul3A_608 = arith.muli %scan3A_602, %mul3A_607 : i32
        %add3A_609 = arith.constant 0 : i32
        %add3A_610 = arith.addi %mul3A_608, %add3A_609 : i32
        %get3A = arith.constant 1 : i32
        %get3A_611 = arith.index_cast %get3A : i32 to index
        %get3A_612 = arith.index_cast %add3A_610 : i32 to index
        %get3A_613 = tpu.vector_load %arg15[%get3A_611, %get3A_612] {strides = array<i32>} : memref<2x8192xf32, #tpu.memory_space<vmem>>, vector<1x16xf32>,
        %get3A_614 = vector.shape_cast %get3A_613 : vector<1x16xf32> to vector<16xf32>
        %exp3A = math.exp %get3A_614 : vector<16xf32>
        %add3A_615 = arith.addf %scan3A_603, %exp3A : vector<16xf32>
        %add3A_616 = arith.constant 16 : i32
        %add3A_617 = arith.addi %mul3A_608, %add3A_616 : i32
        %get3A_618 = arith.constant 1 : i32
        %get3A_619 = arith.index_cast %get3A_618 : i32 to index
        %get3A_620 = arith.index_cast %add3A_617 : i32 to index
        %get3A_621 = tpu.vector_load %arg15[%get3A_619, %get3A_620] {strides = array<i32>} : memref<2x8192xf32, #tpu.memory_space<vmem>>, vector<1x16xf32>,
        %get3A_622 = vector.shape_cast %get3A_621 : vector<1x16xf32> to vector<16xf32>
        %exp3A_623 = math.exp %get3A_622 : vector<16xf32>
        %add3A_624 = arith.addf %scan3A_604, %exp3A_623 : vector<16xf32>
        %add3A_625 = arith.constant 32 : i32
        %add3A_626 = arith.addi %mul3A_608, %add3A_625 : i32
        %get3A_627 = arith.constant 1 : i32
        %get3A_628 = arith.index_cast %get3A_627 : i32 to index
        %get3A_629 = arith.index_cast %add3A_626 : i32 to index
        %get3A_630 = tpu.vector_load %arg15[%get3A_628, %get3A_629] {strides = array<i32>} : memref<2x8192xf32, #tpu.memory_space<vmem>>, vector<1x16xf32>,
        %get3A_631 = vector.shape_cast %get3A_630 : vector<1x16xf32> to vector<16xf32>
        %exp3A_632 = math.exp %get3A_631 : vector<16xf32>
        %add3A_633 = arith.addf %scan3A_605, %exp3A_632 : vector<16xf32>
        %add3A_634 = arith.constant 48 : i32
        %add3A_635 = arith.addi %mul3A_608, %add3A_634 : i32
        %get3A_636 = arith.constant 1 : i32
        %get3A_637 = arith.index_cast %get3A_636 : i32 to index
        %get3A_638 = arith.index_cast %add3A_635 : i32 to index
        %get3A_639 = tpu.vector_load %arg15[%get3A_637, %get3A_638] {strides = array<i32>} : memref<2x8192xf32, #tpu.memory_space<vmem>>, vector<1x16xf32>,
        %get3A_640 = vector.shape_cast %get3A_639 : vector<1x16xf32> to vector<16xf32>
        %exp3A_641 = math.exp %get3A_640 : vector<16xf32>
        %add3A_642 = arith.addf %scan3A_606, %exp3A_641 : vector<16xf32>
        %add3A_643 = arith.constant 64 : i32
        %add3A_644 = arith.addi %mul3A_608, %add3A_643 : i32
        %get3A_645 = arith.constant 1 : i32
        %get3A_646 = arith.index_cast %get3A_645 : i32 to index
        %get3A_647 = arith.index_cast %add3A_644 : i32 to index
        %get3A_648 = tpu.vector_load %arg15[%get3A_646, %get3A_647] {strides = array<i32>} : memref<2x8192xf32, #tpu.memory_space<vmem>>, vector<1x16xf32>,
        %get3A_649 = vector.shape_cast %get3A_648 : vector<1x16xf32> to vector<16xf32>
        %exp3A_650 = math.exp %get3A_649 : vector<16xf32>
        %add3A_651 = arith.addf %add3A_615, %exp3A_650 : vector<16xf32>
        %add3A_652 = arith.constant 80 : i32
        %add3A_653 = arith.addi %mul3A_608, %add3A_652 : i32
        %get3A_654 = arith.constant 1 : i32
        %get3A_655 = arith.index_cast %get3A_654 : i32 to index
        %get3A_656 = arith.index_cast %add3A_653 : i32 to index
        %get3A_657 = tpu.vector_load %arg15[%get3A_655, %get3A_656] {strides = array<i32>} : memref<2x8192xf32, #tpu.memory_space<vmem>>, vector<1x16xf32>,
        %get3A_658 = vector.shape_cast %get3A_657 : vector<1x16xf32> to vector<16xf32>
        %exp3A_659 = math.exp %get3A_658 : vector<16xf32>
        %add3A_660 = arith.addf %add3A_624, %exp3A_659 : vector<16xf32>
        %add3A_661 = arith.constant 96 : i32
        %add3A_662 = arith.addi %mul3A_608, %add3A_661 : i32
        %get3A_663 = arith.constant 1 : i32
        %get3A_664 = arith.index_cast %get3A_663 : i32 to index
        %get3A_665 = arith.index_cast %add3A_662 : i32 to index
        %get3A_666 = tpu.vector_load %arg15[%get3A_664, %get3A_665] {strides = array<i32>} : memref<2x8192xf32, #tpu.memory_space<vmem>>, vector<1x16xf32>,
        %get3A_667 = vector.shape_cast %get3A_666 : vector<1x16xf32> to vector<16xf32>
        %exp3A_668 = math.exp %get3A_667 : vector<16xf32>
        %add3A_669 = arith.addf %add3A_633, %exp3A_668 : vector<16xf32>
        %add3A_670 = arith.constant 112 : i32
        %add3A_671 = arith.addi %mul3A_608, %add3A_670 : i32
        %get3A_672 = arith.constant 1 : i32
        %get3A_673 = arith.index_cast %get3A_672 : i32 to index
        %get3A_674 = arith.index_cast %add3A_671 : i32 to index
        %get3A_675 = tpu.vector_load %arg15[%get3A_673, %get3A_674] {strides = array<i32>} : memref<2x8192xf32, #tpu.memory_space<vmem>>, vector<1x16xf32>,
        %get3A_676 = vector.shape_cast %get3A_675 : vector<1x16xf32> to vector<16xf32>
        %exp3A_677 = math.exp %get3A_676 : vector<16xf32>
        %add3A_678 = arith.addf %add3A_642, %exp3A_677 : vector<16xf32>
        scf.yield %add3A_651, %add3A_660, %add3A_669, %add3A_678 : vector<16xf32>, vector<16xf32>, vector<16xf32>, vector<16xf32>
      }
      %scan3A_560 = arith.constant 64 : i32
      %add3A_561 = arith.addf %scan3A_559#0, %scan3A_559#1 : vector<16xf32>
      %add3A_562 = arith.addf %scan3A_559#2, %scan3A_559#3 : vector<16xf32>
      %add3A_563 = arith.addf %add3A_561, %add3A_562 : vector<16xf32>
      %mul3A_564 = arith.constant 16 : i32
      %mul3A_565 = arith.muli %add3A_552, %mul3A_564 : i32
      %swap3A_566 = arith.index_cast %mul3A_565 : i32 to index
      %swap3A_567 = tpu.vector_load %arg16[%swap3A_566] {strides = array<i32>} : memref<10240xf32, #tpu.memory_space<vmem>>, vector<16xf32>,
      %swap3A_568 = vector.shape_cast %swap3A_567 : vector<16xf32> to vector<16xf32>
      %swap3A_569 = vector.shape_cast %add3A_563 : vector<16xf32> to vector<16xf32>
      tpu.vector_store %arg16[%swap3A_566], %swap3A_569 {strides = array<i32>} : memref<10240xf32, #tpu.memory_space<vmem>>, vector<16xf32>,
      %mul3A_570 = arith.constant 2 : i32
      %mul3A_571 = arith.muli %add3A_504, %mul3A_570 : i32
      %add3A_572 = arith.addi %mul3A_4, %mul3A_571 : i32
      %add3A_573 = arith.constant 0 : i32
      %add3A_574 = arith.addi %add3A_572, %add3A_573 : i32
      %mul3A_575 = arith.constant 8192 : i32
      %mul3A_576 = arith.muli %add3A_574, %mul3A_575 : i32
      %dma_start3A_577 = arith.constant 0 : i32
      %dma_start3A_578 = arith.constant 0 : i32
      %dma_start3A_579 = tpu.memref_slice %arg15[%dma_start3A_577, %dma_start3A_578] : memref<2x8192xf32, #tpu.memory_space<vmem>> -> memref<1x8192xf32, #tpu.memory_space<vmem>>
      %dma_start3A_580 = tpu.memref_squeeze %dma_start3A_579 : memref<1x8192xf32, #tpu.memory_space<vmem>> -> memref<8192xf32, #tpu.memory_space<vmem>>
      %dma_start3A_581 = tpu.memref_slice %arg5[%mul3A_576] : memref<167772160xf32, #tpu.memory_space<hbm>> -> memref<8192xf32, #tpu.memory_space<hbm>>
      %dma_start3A_582 = tpu.memref_slice %arg5[%mul3A_576] : memref<167772160xf32, #tpu.memory_space<hbm>> -> memref<8192xf32, #tpu.memory_space<hbm>>
      %dma_start3A_583 = arith.constant 0 : i32
      %dma_start3A_584 = tpu.memref_slice %arg15[%dma_start3A_577, %dma_start3A_583] : memref<2x8192xf32, #tpu.memory_space<vmem>> -> memref<1x8192xf32, #tpu.memory_space<vmem>>
      %dma_start3A_585 = tpu.memref_squeeze %dma_start3A_584 : memref<1x8192xf32, #tpu.memory_space<vmem>> -> memref<8192xf32, #tpu.memory_space<vmem>>
      tpu.enqueue_dma source(%dma_start3A_585 : memref<8192xf32, #tpu.memory_space<vmem>>) target(%dma_start3A_582 : memref<8192xf32, #tpu.memory_space<hbm>>) target_semaphore(%arg24 : memref<!tpu.dma_semaphore, #tpu.memory_space<semaphore_mem>>)
      %mul3A_586 = arith.constant 2 : i32
      %mul3A_587 = arith.muli %add3A_504, %mul3A_586 : i32
      %add3A_588 = arith.addi %mul3A_4, %mul3A_587 : i32
      %add3A_589 = arith.constant 1 : i32
      %add3A_590 = arith.addi %add3A_588, %add3A_589 : i32
      %mul3A_591 = arith.constant 8192 : i32
      %mul3A_592 = arith.muli %add3A_590, %mul3A_591 : i32
      %dma_start3A_593 = arith.constant 1 : i32
      %dma_start3A_594 = arith.constant 0 : i32
      %dma_start3A_595 = tpu.memref_slice %arg15[%dma_start3A_593, %dma_start3A_594] : memref<2x8192xf32, #tpu.memory_space<vmem>> -> memref<1x8192xf32, #tpu.memory_space<vmem>>
      %dma_start3A_596 = tpu.memref_squeeze %dma_start3A_595 : memref<1x8192xf32, #tpu.memory_space<vmem>> -> memref<8192xf32, #tpu.memory_space<vmem>>
      %dma_start3A_597 = tpu.memref_slice %arg5[%mul3A_592] : memref<167772160xf32, #tpu.memory_space<hbm>> -> memref<8192xf32, #tpu.memory_space<hbm>>
      %dma_start3A_598 = tpu.memref_slice %arg5[%mul3A_592] : memref<167772160xf32, #tpu.memory_space<hbm>> -> memref<8192xf32, #tpu.memory_space<hbm>>
      %dma_start3A_599 = arith.constant 0 : i32
      %dma_start3A_600 = tpu.memref_slice %arg15[%dma_start3A_593, %dma_start3A_599] : memref<2x8192xf32, #tpu.memory_space<vmem>> -> memref<1x8192xf32, #tpu.memory_space<vmem>>
      %dma_start3A_601 = tpu.memref_squeeze %dma_start3A_600 : memref<1x8192xf32, #tpu.memory_space<vmem>> -> memref<8192xf32, #tpu.memory_space<vmem>>
      tpu.enqueue_dma source(%dma_start3A_601 : memref<8192xf32, #tpu.memory_space<vmem>>) target(%dma_start3A_598 : memref<8192xf32, #tpu.memory_space<hbm>>) target_semaphore(%arg24 : memref<!tpu.dma_semaphore, #tpu.memory_space<semaphore_mem>>)
    }
    %scan3A_22 = arith.constant 80 : i32
    %add3A_23 = arith.constant 632 : i32
    %add3A_24 = arith.addi %mul3A_4, %add3A_23 : i32
    %add3A_25 = arith.constant 0 : i32
    %add3A_26 = arith.addi %add3A_24, %add3A_25 : i32
    %mul3A_27 = arith.constant 8192 : i32
    %mul3A_28 = arith.muli %add3A_26, %mul3A_27 : i32
    %dma_wait3A = arith.constant 0 : i32
    %dma_wait3A_29 = arith.constant 0 : i32
    %dma_wait3A_30 = tpu.memref_slice %arg12[%dma_wait3A, %dma_wait3A_29] : memref<2x8192xf32, #tpu.memory_space<vmem>> -> memref<1x8192xf32, #tpu.memory_space<vmem>>
    %dma_wait3A_31 = tpu.memref_squeeze %dma_wait3A_30 : memref<1x8192xf32, #tpu.memory_space<vmem>> -> memref<8192xf32, #tpu.memory_space<vmem>>
    %dma_wait3A_32 = tpu.memref_slice %arg5[%mul3A_28] : memref<167772160xf32, #tpu.memory_space<hbm>> -> memref<8192xf32, #tpu.memory_space<hbm>>
    %dma_wait3A_33 = tpu.memref_slice %arg5[%mul3A_28] : memref<167772160xf32, #tpu.memory_space<hbm>> -> memref<8192xf32, #tpu.memory_space<hbm>>
    %dma_wait3A_34 = arith.constant 0 : i32
    %dma_wait3A_35 = tpu.memref_slice %arg12[%dma_wait3A, %dma_wait3A_34] : memref<2x8192xf32, #tpu.memory_space<vmem>> -> memref<1x8192xf32, #tpu.memory_space<vmem>>
    %dma_wait3A_36 = tpu.memref_squeeze %dma_wait3A_35 : memref<1x8192xf32, #tpu.memory_space<vmem>> -> memref<8192xf32, #tpu.memory_space<vmem>>
    tpu.wait_dma2 semaphore(%arg21 : memref<!tpu.dma_semaphore, #tpu.memory_space<semaphore_mem>>) src(%dma_wait3A_36 : memref<8192xf32, #tpu.memory_space<vmem>>) dst(%dma_wait3A_33 : memref<8192xf32, #tpu.memory_space<hbm>>)
    %add3A_37 = arith.constant 632 : i32
    %add3A_38 = arith.addi %mul3A_4, %add3A_37 : i32
    %add3A_39 = arith.constant 1 : i32
    %add3A_40 = arith.addi %add3A_38, %add3A_39 : i32
    %mul3A_41 = arith.constant 8192 : i32
    %mul3A_42 = arith.muli %add3A_40, %mul3A_41 : i32
    %dma_wait3A_43 = arith.constant 1 : i32
    %dma_wait3A_44 = arith.constant 0 : i32
    %dma_wait3A_45 = tpu.memref_slice %arg12[%dma_wait3A_43, %dma_wait3A_44] : memref<2x8192xf32, #tpu.memory_space<vmem>> -> memref<1x8192xf32, #tpu.memory_space<vmem>>
    %dma_wait3A_46 = tpu.memref_squeeze %dma_wait3A_45 : memref<1x8192xf32, #tpu.memory_space<vmem>> -> memref<8192xf32, #tpu.memory_space<vmem>>
    %dma_wait3A_47 = tpu.memref_slice %arg5[%mul3A_42] : memref<167772160xf32, #tpu.memory_space<hbm>> -> memref<8192xf32, #tpu.memory_space<hbm>>
    %dma_wait3A_48 = tpu.memref_slice %arg5[%mul3A_42] : memref<167772160xf32, #tpu.memory_space<hbm>> -> memref<8192xf32, #tpu.memory_space<hbm>>
    %dma_wait3A_49 = arith.constant 0 : i32
    %dma_wait3A_50 = tpu.memref_slice %arg12[%dma_wait3A_43, %dma_wait3A_49] : memref<2x8192xf32, #tpu.memory_space<vmem>> -> memref<1x8192xf32, #tpu.memory_space<vmem>>
    %dma_wait3A_51 = tpu.memref_squeeze %dma_wait3A_50 : memref<1x8192xf32, #tpu.memory_space<vmem>> -> memref<8192xf32, #tpu.memory_space<vmem>>
    tpu.wait_dma2 semaphore(%arg21 : memref<!tpu.dma_semaphore, #tpu.memory_space<semaphore_mem>>) src(%dma_wait3A_51 : memref<8192xf32, #tpu.memory_space<vmem>>) dst(%dma_wait3A_48 : memref<8192xf32, #tpu.memory_space<hbm>>)
    %add3A_52 = arith.constant 634 : i32
    %add3A_53 = arith.addi %mul3A_4, %add3A_52 : i32
    %add3A_54 = arith.constant 0 : i32
    %add3A_55 = arith.addi %add3A_53, %add3A_54 : i32
    %mul3A_56 = arith.constant 8192 : i32
    %mul3A_57 = arith.muli %add3A_55, %mul3A_56 : i32
    %dma_wait3A_58 = arith.constant 0 : i32
    %dma_wait3A_59 = arith.constant 0 : i32
    %dma_wait3A_60 = tpu.memref_slice %arg13[%dma_wait3A_58, %dma_wait3A_59] : memref<2x8192xf32, #tpu.memory_space<vmem>> -> memref<1x8192xf32, #tpu.memory_space<vmem>>
    %dma_wait3A_61 = tpu.memref_squeeze %dma_wait3A_60 : memref<1x8192xf32, #tpu.memory_space<vmem>> -> memref<8192xf32, #tpu.memory_space<vmem>>
    %dma_wait3A_62 = tpu.memref_slice %arg5[%mul3A_57] : memref<167772160xf32, #tpu.memory_space<hbm>> -> memref<8192xf32, #tpu.memory_space<hbm>>
    %dma_wait3A_63 = tpu.memref_slice %arg5[%mul3A_57] : memref<167772160xf32, #tpu.memory_space<hbm>> -> memref<8192xf32, #tpu.memory_space<hbm>>
    %dma_wait3A_64 = arith.constant 0 : i32
    %dma_wait3A_65 = tpu.memref_slice %arg13[%dma_wait3A_58, %dma_wait3A_64] : memref<2x8192xf32, #tpu.memory_space<vmem>> -> memref<1x8192xf32, #tpu.memory_space<vmem>>
    %dma_wait3A_66 = tpu.memref_squeeze %dma_wait3A_65 : memref<1x8192xf32, #tpu.memory_space<vmem>> -> memref<8192xf32, #tpu.memory_space<vmem>>
    tpu.wait_dma2 semaphore(%arg22 : memref<!tpu.dma_semaphore, #tpu.memory_space<semaphore_mem>>) src(%dma_wait3A_66 : memref<8192xf32, #tpu.memory_space<vmem>>) dst(%dma_wait3A_63 : memref<8192xf32, #tpu.memory_space<hbm>>)
    %add3A_67 = arith.constant 634 : i32
    %add3A_68 = arith.addi %mul3A_4, %add3A_67 : i32
    %add3A_69 = arith.constant 1 : i32
    %add3A_70 = arith.addi %add3A_68, %add3A_69 : i32
    %mul3A_71 = arith.constant 8192 : i32
    %mul3A_72 = arith.muli %add3A_70, %mul3A_71 : i32
    %dma_wait3A_73 = arith.constant 1 : i32
    %dma_wait3A_74 = arith.constant 0 : i32
    %dma_wait3A_75 = tpu.memref_slice %arg13[%dma_wait3A_73, %dma_wait3A_74] : memref<2x8192xf32, #tpu.memory_space<vmem>> -> memref<1x8192xf32, #tpu.memory_space<vmem>>
    %dma_wait3A_76 = tpu.memref_squeeze %dma_wait3A_75 : memref<1x8192xf32, #tpu.memory_space<vmem>> -> memref<8192xf32, #tpu.memory_space<vmem>>
    %dma_wait3A_77 = tpu.memref_slice %arg5[%mul3A_72] : memref<167772160xf32, #tpu.memory_space<hbm>> -> memref<8192xf32, #tpu.memory_space<hbm>>
    %dma_wait3A_78 = tpu.memref_slice %arg5[%mul3A_72] : memref<167772160xf32, #tpu.memory_space<hbm>> -> memref<8192xf32, #tpu.memory_space<hbm>>
    %dma_wait3A_79 = arith.constant 0 : i32
    %dma_wait3A_80 = tpu.memref_slice %arg13[%dma_wait3A_73, %dma_wait3A_79] : memref<2x8192xf32, #tpu.memory_space<vmem>> -> memref<1x8192xf32, #tpu.memory_space<vmem>>
    %dma_wait3A_81 = tpu.memref_squeeze %dma_wait3A_80 : memref<1x8192xf32, #tpu.memory_space<vmem>> -> memref<8192xf32, #tpu.memory_space<vmem>>
    tpu.wait_dma2 semaphore(%arg22 : memref<!tpu.dma_semaphore, #tpu.memory_space<semaphore_mem>>) src(%dma_wait3A_81 : memref<8192xf32, #tpu.memory_space<vmem>>) dst(%dma_wait3A_78 : memref<8192xf32, #tpu.memory_space<hbm>>)
    %add3A_82 = arith.constant 636 : i32
    %add3A_83 = arith.addi %mul3A_4, %add3A_82 : i32
    %add3A_84 = arith.constant 0 : i32
    %add3A_85 = arith.addi %add3A_83, %add3A_84 : i32
    %mul3A_86 = arith.constant 8192 : i32
    %mul3A_87 = arith.muli %add3A_85, %mul3A_86 : i32
    %dma_wait3A_88 = arith.constant 0 : i32
    %dma_wait3A_89 = arith.constant 0 : i32
    %dma_wait3A_90 = tpu.memref_slice %arg14[%dma_wait3A_88, %dma_wait3A_89] : memref<2x8192xf32, #tpu.memory_space<vmem>> -> memref<1x8192xf32, #tpu.memory_space<vmem>>
    %dma_wait3A_91 = tpu.memref_squeeze %dma_wait3A_90 : memref<1x8192xf32, #tpu.memory_space<vmem>> -> memref<8192xf32, #tpu.memory_space<vmem>>
    %dma_wait3A_92 = tpu.memref_slice %arg5[%mul3A_87] : memref<167772160xf32, #tpu.memory_space<hbm>> -> memref<8192xf32, #tpu.memory_space<hbm>>
    %dma_wait3A_93 = tpu.memref_slice %arg5[%mul3A_87] : memref<167772160xf32, #tpu.memory_space<hbm>> -> memref<8192xf32, #tpu.memory_space<hbm>>
    %dma_wait3A_94 = arith.constant 0 : i32
    %dma_wait3A_95 = tpu.memref_slice %arg14[%dma_wait3A_88, %dma_wait3A_94] : memref<2x8192xf32, #tpu.memory_space<vmem>> -> memref<1x8192xf32, #tpu.memory_space<vmem>>
    %dma_wait3A_96 = tpu.memref_squeeze %dma_wait3A_95 : memref<1x8192xf32, #tpu.memory_space<vmem>> -> memref<8192xf32, #tpu.memory_space<vmem>>
    tpu.wait_dma2 semaphore(%arg23 : memref<!tpu.dma_semaphore, #tpu.memory_space<semaphore_mem>>) src(%dma_wait3A_96 : memref<8192xf32, #tpu.memory_space<vmem>>) dst(%dma_wait3A_93 : memref<8192xf32, #tpu.memory_space<hbm>>)
    %add3A_97 = arith.constant 636 : i32
    %add3A_98 = arith.addi %mul3A_4, %add3A_97 : i32
    %add3A_99 = arith.constant 1 : i32
    %add3A_100 = arith.addi %add3A_98, %add3A_99 : i32
    %mul3A_101 = arith.constant 8192 : i32
    %mul3A_102 = arith.muli %add3A_100, %mul3A_101 : i32
    %dma_wait3A_103 = arith.constant 1 : i32
    %dma_wait3A_104 = arith.constant 0 : i32
    %dma_wait3A_105 = tpu.memref_slice %arg14[%dma_wait3A_103, %dma_wait3A_104] : memref<2x8192xf32, #tpu.memory_space<vmem>> -> memref<1x8192xf32, #tpu.memory_space<vmem>>
    %dma_wait3A_106 = tpu.memref_squeeze %dma_wait3A_105 : memref<1x8192xf32, #tpu.memory_space<vmem>> -> memref<8192xf32, #tpu.memory_space<vmem>>
    %dma_wait3A_107 = tpu.memref_slice %arg5[%mul3A_102] : memref<167772160xf32, #tpu.memory_space<hbm>> -> memref<8192xf32, #tpu.memory_space<hbm>>
    %dma_wait3A_108 = tpu.memref_slice %arg5[%mul3A_102] : memref<167772160xf32, #tpu.memory_space<hbm>> -> memref<8192xf32, #tpu.memory_space<hbm>>
    %dma_wait3A_109 = arith.constant 0 : i32
    %dma_wait3A_110 = tpu.memref_slice %arg14[%dma_wait3A_103, %dma_wait3A_109] : memref<2x8192xf32, #tpu.memory_space<vmem>> -> memref<1x8192xf32, #tpu.memory_space<vmem>>
    %dma_wait3A_111 = tpu.memref_squeeze %dma_wait3A_110 : memref<1x8192xf32, #tpu.memory_space<vmem>> -> memref<8192xf32, #tpu.memory_space<vmem>>
    tpu.wait_dma2 semaphore(%arg23 : memref<!tpu.dma_semaphore, #tpu.memory_space<semaphore_mem>>) src(%dma_wait3A_111 : memref<8192xf32, #tpu.memory_space<vmem>>) dst(%dma_wait3A_108 : memref<8192xf32, #tpu.memory_space<hbm>>)
    %add3A_112 = arith.constant 638 : i32
    %add3A_113 = arith.addi %mul3A_4, %add3A_112 : i32
    %add3A_114 = arith.constant 0 : i32
    %add3A_115 = arith.addi %add3A_113, %add3A_114 : i32
    %mul3A_116 = arith.constant 8192 : i32
    %mul3A_117 = arith.muli %add3A_115, %mul3A_116 : i32
    %dma_wait3A_118 = arith.constant 0 : i32
    %dma_wait3A_119 = arith.constant 0 : i32
    %dma_wait3A_120 = tpu.memref_slice %arg15[%dma_wait3A_118, %dma_wait3A_119] : memref<2x8192xf32, #tpu.memory_space<vmem>> -> memref<1x8192xf32, #tpu.memory_space<vmem>>
    %dma_wait3A_121 = tpu.memref_squeeze %dma_wait3A_120 : memref<1x8192xf32, #tpu.memory_space<vmem>> -> memref<8192xf32, #tpu.memory_space<vmem>>
    %dma_wait3A_122 = tpu.memref_slice %arg5[%mul3A_117] : memref<167772160xf32, #tpu.memory_space<hbm>> -> memref<8192xf32, #tpu.memory_space<hbm>>
    %dma_wait3A_123 = tpu.memref_slice %arg5[%mul3A_117] : memref<167772160xf32, #tpu.memory_space<hbm>> -> memref<8192xf32, #tpu.memory_space<hbm>>
    %dma_wait3A_124 = arith.constant 0 : i32
    %dma_wait3A_125 = tpu.memref_slice %arg15[%dma_wait3A_118, %dma_wait3A_124] : memref<2x8192xf32, #tpu.memory_space<vmem>> -> memref<1x8192xf32, #tpu.memory_space<vmem>>
    %dma_wait3A_126 = tpu.memref_squeeze %dma_wait3A_125 : memref<1x8192xf32, #tpu.memory_space<vmem>> -> memref<8192xf32, #tpu.memory_space<vmem>>
    tpu.wait_dma2 semaphore(%arg24 : memref<!tpu.dma_semaphore, #tpu.memory_space<semaphore_mem>>) src(%dma_wait3A_126 : memref<8192xf32, #tpu.memory_space<vmem>>) dst(%dma_wait3A_123 : memref<8192xf32, #tpu.memory_space<hbm>>)
    %add3A_127 = arith.constant 638 : i32
    %add3A_128 = arith.addi %mul3A_4, %add3A_127 : i32
    %add3A_129 = arith.constant 1 : i32
    %add3A_130 = arith.addi %add3A_128, %add3A_129 : i32
    %mul3A_131 = arith.constant 8192 : i32
    %mul3A_132 = arith.muli %add3A_130, %mul3A_131 : i32
    %dma_wait3A_133 = arith.constant 1 : i32
    %dma_wait3A_134 = arith.constant 0 : i32
    %dma_wait3A_135 = tpu.memref_slice %arg15[%dma_wait3A_133, %dma_wait3A_134] : memref<2x8192xf32, #tpu.memory_space<vmem>> -> memref<1x8192xf32, #tpu.memory_space<vmem>>
    %dma_wait3A_136 = tpu.memref_squeeze %dma_wait3A_135 : memref<1x8192xf32, #tpu.memory_space<vmem>> -> memref<8192xf32, #tpu.memory_space<vmem>>
    %dma_wait3A_137 = tpu.memref_slice %arg5[%mul3A_132] : memref<167772160xf32, #tpu.memory_space<hbm>> -> memref<8192xf32, #tpu.memory_space<hbm>>
    %dma_wait3A_138 = tpu.memref_slice %arg5[%mul3A_132] : memref<167772160xf32, #tpu.memory_space<hbm>> -> memref<8192xf32, #tpu.memory_space<hbm>>
    %dma_wait3A_139 = arith.constant 0 : i32
    %dma_wait3A_140 = tpu.memref_slice %arg15[%dma_wait3A_133, %dma_wait3A_139] : memref<2x8192xf32, #tpu.memory_space<vmem>> -> memref<1x8192xf32, #tpu.memory_space<vmem>>
    %dma_wait3A_141 = tpu.memref_squeeze %dma_wait3A_140 : memref<1x8192xf32, #tpu.memory_space<vmem>> -> memref<8192xf32, #tpu.memory_space<vmem>>
    tpu.wait_dma2 semaphore(%arg24 : memref<!tpu.dma_semaphore, #tpu.memory_space<semaphore_mem>>) src(%dma_wait3A_141 : memref<8192xf32, #tpu.memory_space<vmem>>) dst(%dma_wait3A_138 : memref<8192xf32, #tpu.memory_space<hbm>>)
    %mul3A_142 = arith.constant 16 : i32
    %mul3A_143 = arith.muli %mul3A_4, %mul3A_142 : i32
    "tpu.region"() ({
      %run_scoped3A = tpu.sem_alloc : memref<!tpu.dma_semaphore, #tpu.memory_space<semaphore_mem>>
      %dma_start3A_210 = tpu.memref_slice %arg6[%mul3A_143] : memref<327680xf32, #tpu.memory_space<hbm>> -> memref<10240xf32, #tpu.memory_space<hbm>>
      %dma_start3A_211 = tpu.memref_slice %arg6[%mul3A_143] : memref<327680xf32, #tpu.memory_space<hbm>> -> memref<10240xf32, #tpu.memory_space<hbm>>
      tpu.enqueue_dma source(%arg16 : memref<10240xf32, #tpu.memory_space<vmem>>) target(%dma_start3A_211 : memref<10240xf32, #tpu.memory_space<hbm>>) target_semaphore(%run_scoped3A : memref<!tpu.dma_semaphore, #tpu.memory_space<semaphore_mem>>)
      %dma_wait3A_212 = tpu.memref_slice %arg6[%mul3A_143] : memref<327680xf32, #tpu.memory_space<hbm>> -> memref<10240xf32, #tpu.memory_space<hbm>>
      %dma_wait3A_213 = tpu.memref_slice %arg6[%mul3A_143] : memref<327680xf32, #tpu.memory_space<hbm>> -> memref<10240xf32, #tpu.memory_space<hbm>>
      tpu.wait_dma2 semaphore(%run_scoped3A : memref<!tpu.dma_semaphore, #tpu.memory_space<semaphore_mem>>) src(%arg16 : memref<10240xf32, #tpu.memory_space<vmem>>) dst(%dma_wait3A_213 : memref<10240xf32, #tpu.memory_space<hbm>>)
      tpu.yield
    }) : () -> ()
    %iota3A = tpu.iota {dimensions = array<i32: 0>} : vector<16xi32>
    %scan3A_144 = arith.constant 0 : i32
    %scan3A_145 = arith.constant 0 : i32
    %scan3A_146 = arith.constant 40 : i32
    %scan3A_147 = arith.addi %scan3A_145, %scan3A_146 : i32
    %scan3A_148 = arith.constant 1 : i32
    scf.for %scan3A_210 = %scan3A_145 to %scan3A_147 step %scan3A_148  : i32 {
      %mul3A_211 = arith.constant 16 : i32
      %mul3A_212 = arith.muli %scan3A_210, %mul3A_211 : i32
      %get3A = arith.index_cast %mul3A_212 : i32 to index
      %get3A_213 = tpu.vector_load %arg9[%get3A] {strides = array<i32>} : memref<640xi32, #tpu.memory_space<vmem>>, vector<16xi32>,
      %get3A_214 = vector.shape_cast %get3A_213 : vector<16xi32> to vector<16xi32>
      %mul3A_215 = arith.constant 16 : i32
      %mul3A_216 = arith.muli %scan3A_210, %mul3A_215 : i32
      %add3A_217 = arith.addi %mul3A_4, %mul3A_216 : i32
      %add3A_218 = vector.broadcast %add3A_217 : i32 to vector<16xi32>
      %add3A_219 = arith.addi %add3A_218, %iota3A : vector<16xi32>
      %mul3A_220 = arith.constant 8192 : i32
      %mul3A_221 = vector.broadcast %mul3A_220 : i32 to vector<16xi32>
      %mul3A_222 = arith.muli %add3A_219, %mul3A_221 : vector<16xi32>
      %add3A_223 = arith.addi %mul3A_222, %get3A_214 : vector<16xi32>
      %mul3A_224 = arith.constant 16 : i32
      %mul3A_225 = arith.muli %scan3A_210, %mul3A_224 : i32
      %swap3A = arith.index_cast %mul3A_225 : i32 to index
      %swap3A_226 = tpu.vector_load %arg10[%swap3A] {strides = array<i32>} : memref<640xi32, #tpu.memory_space<vmem>>, vector<16xi32>,
      %swap3A_227 = vector.shape_cast %swap3A_226 : vector<16xi32> to vector<16xi32>
      %swap3A_228 = vector.shape_cast %add3A_223 : vector<16xi32> to vector<16xi32>
      tpu.vector_store %arg10[%swap3A], %swap3A_228 {strides = array<i32>} : memref<640xi32, #tpu.memory_space<vmem>>, vector<16xi32>,
    }
    %scan3A_149 = arith.constant 40 : i32
    %dma_start3A_150 = arith.constant 0 : i32
    %dma_start3A_151 = tpu.memref_slice %arg11[%dma_start3A_150] : memref<640xf32, #tpu.memory_space<vmem>> -> memref<128xf32, #tpu.memory_space<vmem>>
    %dma_start3A_152 = arith.constant 0 : i32
    %dma_start3A_153 = tpu.memref_slice %arg10[%dma_start3A_152] : memref<640xi32, #tpu.memory_space<vmem>> -> memref<128xi32, #tpu.memory_space<vmem>>
    %dma_start3A_154 = arith.constant 0 : i32
    %dma_start3A_155 = tpu.memref_slice %arg5[%dma_start3A_154] : memref<167772160xf32, #tpu.memory_space<hbm>> -> memref<167772160xf32, #tpu.memory_space<hbm>>
    tpu.enqueue_indirect_dma source(%dma_start3A_155 : memref<167772160xf32, #tpu.memory_space<hbm>>) target(%dma_start3A_151 : memref<128xf32, #tpu.memory_space<vmem>>) offsets(%dma_start3A_153 : memref<128xi32, #tpu.memory_space<vmem>>) semaphore(%arg25 : memref<!tpu.dma_semaphore, #tpu.memory_space<semaphore_mem>>)
    %dma_start3A_156 = arith.constant 128 : i32
    %dma_start3A_157 = tpu.memref_slice %arg11[%dma_start3A_156] : memref<640xf32, #tpu.memory_space<vmem>> -> memref<128xf32, #tpu.memory_space<vmem>>
    %dma_start3A_158 = arith.constant 128 : i32
    %dma_start3A_159 = tpu.memref_slice %arg10[%dma_start3A_158] : memref<640xi32, #tpu.memory_space<vmem>> -> memref<128xi32, #tpu.memory_space<vmem>>
    %dma_start3A_160 = arith.constant 0 : i32
    %dma_start3A_161 = tpu.memref_slice %arg5[%dma_start3A_160] : memref<167772160xf32, #tpu.memory_space<hbm>> -> memref<167772160xf32, #tpu.memory_space<hbm>>
    tpu.enqueue_indirect_dma source(%dma_start3A_161 : memref<167772160xf32, #tpu.memory_space<hbm>>) target(%dma_start3A_157 : memref<128xf32, #tpu.memory_space<vmem>>) offsets(%dma_start3A_159 : memref<128xi32, #tpu.memory_space<vmem>>) semaphore(%arg25 : memref<!tpu.dma_semaphore, #tpu.memory_space<semaphore_mem>>)
    %dma_start3A_162 = arith.constant 256 : i32
    %dma_start3A_163 = tpu.memref_slice %arg11[%dma_start3A_162] : memref<640xf32, #tpu.memory_space<vmem>> -> memref<128xf32, #tpu.memory_space<vmem>>
    %dma_start3A_164 = arith.constant 256 : i32
    %dma_start3A_165 = tpu.memref_slice %arg10[%dma_start3A_164] : memref<640xi32, #tpu.memory_space<vmem>> -> memref<128xi32, #tpu.memory_space<vmem>>
    %dma_start3A_166 = arith.constant 0 : i32
    %dma_start3A_167 = tpu.memref_slice %arg5[%dma_start3A_166] : memref<167772160xf32, #tpu.memory_space<hbm>> -> memref<167772160xf32, #tpu.memory_space<hbm>>
    tpu.enqueue_indirect_dma source(%dma_start3A_167 : memref<167772160xf32, #tpu.memory_space<hbm>>) target(%dma_start3A_163 : memref<128xf32, #tpu.memory_space<vmem>>) offsets(%dma_start3A_165 : memref<128xi32, #tpu.memory_space<vmem>>) semaphore(%arg25 : memref<!tpu.dma_semaphore, #tpu.memory_space<semaphore_mem>>)
    %dma_start3A_168 = arith.constant 384 : i32
    %dma_start3A_169 = tpu.memref_slice %arg11[%dma_start3A_168] : memref<640xf32, #tpu.memory_space<vmem>> -> memref<128xf32, #tpu.memory_space<vmem>>
    %dma_start3A_170 = arith.constant 384 : i32
    %dma_start3A_171 = tpu.memref_slice %arg10[%dma_start3A_170] : memref<640xi32, #tpu.memory_space<vmem>> -> memref<128xi32, #tpu.memory_space<vmem>>
    %dma_start3A_172 = arith.constant 0 : i32
    %dma_start3A_173 = tpu.memref_slice %arg5[%dma_start3A_172] : memref<167772160xf32, #tpu.memory_space<hbm>> -> memref<167772160xf32, #tpu.memory_space<hbm>>
    tpu.enqueue_indirect_dma source(%dma_start3A_173 : memref<167772160xf32, #tpu.memory_space<hbm>>) target(%dma_start3A_169 : memref<128xf32, #tpu.memory_space<vmem>>) offsets(%dma_start3A_171 : memref<128xi32, #tpu.memory_space<vmem>>) semaphore(%arg25 : memref<!tpu.dma_semaphore, #tpu.memory_space<semaphore_mem>>)
    %dma_start3A_174 = arith.constant 512 : i32
    %dma_start3A_175 = tpu.memref_slice %arg11[%dma_start3A_174] : memref<640xf32, #tpu.memory_space<vmem>> -> memref<128xf32, #tpu.memory_space<vmem>>
    %dma_start3A_176 = arith.constant 512 : i32
    %dma_start3A_177 = tpu.memref_slice %arg10[%dma_start3A_176] : memref<640xi32, #tpu.memory_space<vmem>> -> memref<128xi32, #tpu.memory_space<vmem>>
    %dma_start3A_178 = arith.constant 0 : i32
    %dma_start3A_179 = tpu.memref_slice %arg5[%dma_start3A_178] : memref<167772160xf32, #tpu.memory_space<hbm>> -> memref<167772160xf32, #tpu.memory_space<hbm>>
    tpu.enqueue_indirect_dma source(%dma_start3A_179 : memref<167772160xf32, #tpu.memory_space<hbm>>) target(%dma_start3A_175 : memref<128xf32, #tpu.memory_space<vmem>>) offsets(%dma_start3A_177 : memref<128xi32, #tpu.memory_space<vmem>>) semaphore(%arg25 : memref<!tpu.dma_semaphore, #tpu.memory_space<semaphore_mem>>)
    %dma_wait3A_180 = arith.constant 0 : i32
    %dma_wait3A_181 = tpu.memref_slice %arg11[%dma_wait3A_180] : memref<640xf32, #tpu.memory_space<vmem>> -> memref<128xf32, #tpu.memory_space<vmem>>
    %dma_wait3A_182 = arith.constant 0 : i32
    %dma_wait3A_183 = tpu.memref_slice %arg10[%dma_wait3A_182] : memref<640xi32, #tpu.memory_space<vmem>> -> memref<128xi32, #tpu.memory_space<vmem>>
    %dma_wait3A_184 = arith.constant 0 : i32
    %dma_wait3A_185 = tpu.memref_slice %arg5[%dma_wait3A_184] : memref<167772160xf32, #tpu.memory_space<hbm>> -> memref<167772160xf32, #tpu.memory_space<hbm>>
    tpu.wait_indirect_dma semaphore(%arg25 : memref<!tpu.dma_semaphore, #tpu.memory_space<semaphore_mem>>) src(%dma_wait3A_185 : memref<167772160xf32, #tpu.memory_space<hbm>>) dst(%dma_wait3A_181 : memref<128xf32, #tpu.memory_space<vmem>>)
    %dma_wait3A_186 = arith.constant 128 : i32
    %dma_wait3A_187 = tpu.memref_slice %arg11[%dma_wait3A_186] : memref<640xf32, #tpu.memory_space<vmem>> -> memref<128xf32, #tpu.memory_space<vmem>>
    %dma_wait3A_188 = arith.constant 128 : i32
    %dma_wait3A_189 = tpu.memref_slice %arg10[%dma_wait3A_188] : memref<640xi32, #tpu.memory_space<vmem>> -> memref<128xi32, #tpu.memory_space<vmem>>
    %dma_wait3A_190 = arith.constant 0 : i32
    %dma_wait3A_191 = tpu.memref_slice %arg5[%dma_wait3A_190] : memref<167772160xf32, #tpu.memory_space<hbm>> -> memref<167772160xf32, #tpu.memory_space<hbm>>
    tpu.wait_indirect_dma semaphore(%arg25 : memref<!tpu.dma_semaphore, #tpu.memory_space<semaphore_mem>>) src(%dma_wait3A_191 : memref<167772160xf32, #tpu.memory_space<hbm>>) dst(%dma_wait3A_187 : memref<128xf32, #tpu.memory_space<vmem>>)
    %dma_wait3A_192 = arith.constant 256 : i32
    %dma_wait3A_193 = tpu.memref_slice %arg11[%dma_wait3A_192] : memref<640xf32, #tpu.memory_space<vmem>> -> memref<128xf32, #tpu.memory_space<vmem>>
    %dma_wait3A_194 = arith.constant 256 : i32
    %dma_wait3A_195 = tpu.memref_slice %arg10[%dma_wait3A_194] : memref<640xi32, #tpu.memory_space<vmem>> -> memref<128xi32, #tpu.memory_space<vmem>>
    %dma_wait3A_196 = arith.constant 0 : i32
    %dma_wait3A_197 = tpu.memref_slice %arg5[%dma_wait3A_196] : memref<167772160xf32, #tpu.memory_space<hbm>> -> memref<167772160xf32, #tpu.memory_space<hbm>>
    tpu.wait_indirect_dma semaphore(%arg25 : memref<!tpu.dma_semaphore, #tpu.memory_space<semaphore_mem>>) src(%dma_wait3A_197 : memref<167772160xf32, #tpu.memory_space<hbm>>) dst(%dma_wait3A_193 : memref<128xf32, #tpu.memory_space<vmem>>)
    %dma_wait3A_198 = arith.constant 384 : i32
    %dma_wait3A_199 = tpu.memref_slice %arg11[%dma_wait3A_198] : memref<640xf32, #tpu.memory_space<vmem>> -> memref<128xf32, #tpu.memory_space<vmem>>
    %dma_wait3A_200 = arith.constant 384 : i32
    %dma_wait3A_201 = tpu.memref_slice %arg10[%dma_wait3A_200] : memref<640xi32, #tpu.memory_space<vmem>> -> memref<128xi32, #tpu.memory_space<vmem>>
    %dma_wait3A_202 = arith.constant 0 : i32
    %dma_wait3A_203 = tpu.memref_slice %arg5[%dma_wait3A_202] : memref<167772160xf32, #tpu.memory_space<hbm>> -> memref<167772160xf32, #tpu.memory_space<hbm>>
    tpu.wait_indirect_dma semaphore(%arg25 : memref<!tpu.dma_semaphore, #tpu.memory_space<semaphore_mem>>) src(%dma_wait3A_203 : memref<167772160xf32, #tpu.memory_space<hbm>>) dst(%dma_wait3A_199 : memref<128xf32, #tpu.memory_space<vmem>>)
    %dma_wait3A_204 = arith.constant 512 : i32
    %dma_wait3A_205 = tpu.memref_slice %arg11[%dma_wait3A_204] : memref<640xf32, #tpu.memory_space<vmem>> -> memref<128xf32, #tpu.memory_space<vmem>>
    %dma_wait3A_206 = arith.constant 512 : i32
    %dma_wait3A_207 = tpu.memref_slice %arg10[%dma_wait3A_206] : memref<640xi32, #tpu.memory_space<vmem>> -> memref<128xi32, #tpu.memory_space<vmem>>
    %dma_wait3A_208 = arith.constant 0 : i32
    %dma_wait3A_209 = tpu.memref_slice %arg5[%dma_wait3A_208] : memref<167772160xf32, #tpu.memory_space<hbm>> -> memref<167772160xf32, #tpu.memory_space<hbm>>
    tpu.wait_indirect_dma semaphore(%arg25 : memref<!tpu.dma_semaphore, #tpu.memory_space<semaphore_mem>>) src(%dma_wait3A_209 : memref<167772160xf32, #tpu.memory_space<hbm>>) dst(%dma_wait3A_205 : memref<128xf32, #tpu.memory_space<vmem>>)
    "tpu.region"() ({
      %run_scoped3A = tpu.sem_alloc : memref<!tpu.dma_semaphore, #tpu.memory_space<semaphore_mem>>
      %dma_start3A_210 = tpu.memref_slice %arg7[%mul3A_4] : memref<20480xf32, #tpu.memory_space<hbm>> -> memref<640xf32, #tpu.memory_space<hbm>>
      %dma_start3A_211 = tpu.memref_slice %arg7[%mul3A_4] : memref<20480xf32, #tpu.memory_space<hbm>> -> memref<640xf32, #tpu.memory_space<hbm>>
      tpu.enqueue_dma source(%arg11 : memref<640xf32, #tpu.memory_space<vmem>>) target(%dma_start3A_211 : memref<640xf32, #tpu.memory_space<hbm>>) target_semaphore(%run_scoped3A : memref<!tpu.dma_semaphore, #tpu.memory_space<semaphore_mem>>)
      %dma_wait3A_212 = tpu.memref_slice %arg7[%mul3A_4] : memref<20480xf32, #tpu.memory_space<hbm>> -> memref<640xf32, #tpu.memory_space<hbm>>
      %dma_wait3A_213 = tpu.memref_slice %arg7[%mul3A_4] : memref<20480xf32, #tpu.memory_space<hbm>> -> memref<640xf32, #tpu.memory_space<hbm>>
      tpu.wait_dma2 semaphore(%run_scoped3A : memref<!tpu.dma_semaphore, #tpu.memory_space<semaphore_mem>>) src(%arg11 : memref<640xf32, #tpu.memory_space<vmem>>) dst(%dma_wait3A_213 : memref<640xf32, #tpu.memory_space<hbm>>)
      tpu.yield
    }) : () -> ()
    return
  }
}

module attributes {stable_mosaic.version = 14 : i64} {
  func.func @_asm_body(%arg0: i32, %arg1: memref<1280x128xf32, #tpu.memory_space<vmem>>, %arg2: memref<1x20x8192xf32, #tpu.memory_space<vmem>>) attributes {dimension_semantics = [#tpu.dimension_semantics<arbitrary>], iteration_bounds = array<i64: 1024>, scalar_prefetch = 0 : i64, scratch_operands = 0 : i64, tpu.core_type = #tpu.core_type<tc>, window_params = [{transform_indices = @transform_0, window_bounds = array<i64: 1280, 128>}, {transform_indices = @transform_1, window_bounds = array<i64: 1, 20, 8192>}]} {
    %get3A = arith.constant 0 : index
    %get3A_0 = arith.constant 0 : index
    %get3A_1 = vector.load %arg1[%get3A, %get3A_0] : memref<1280x128xf32, #tpu.memory_space<vmem>>, vector<1280x128xf32>
    %reshape3A = vector.shape_cast %get3A_1 : vector<1280x128xf32> to vector<1x20x8192xf32>
    %swap3A = arith.constant 0 : index
    %swap3A_2 = arith.constant 0 : index
    %swap3A_3 = arith.constant 0 : index
    %swap3A_4 = vector.load %arg2[%swap3A, %swap3A_2, %swap3A_3] : memref<1x20x8192xf32, #tpu.memory_space<vmem>>, vector<1x20x8192xf32>
    tpu.vector_store %arg2[%swap3A, %swap3A_2, %swap3A_3], %reshape3A {strides = array<i32>} : memref<1x20x8192xf32, #tpu.memory_space<vmem>>, vector<1x20x8192xf32>,
    return
  }
  func.func @transform_0(%arg0: i32) -> (i32, i32) {
    %c0_i32 = arith.constant 0 : i32
    %c0_i32_0 = arith.constant 0 : i32
    return %arg0, %c0_i32 : i32, i32
  }
  func.func @transform_1(%arg0: i32) -> (i32, i32, i32) {
    %c0_i32 = arith.constant 0 : i32
    %c0_i32_0 = arith.constant 0 : i32
    %c0_i32_1 = arith.constant 0 : i32
    return %arg0, %c0_i32, %c0_i32_0 : i32, i32, i32
  }
}

module attributes {stable_mosaic.version = 14 : i64} {
  func.func @_epi_body(%arg0: memref<20480x16xf32, #tpu.memory_space<vmem>>, %arg1: memref<20480x1xf32, #tpu.memory_space<vmem>>, %arg2: memref<1x1xf32, #tpu.memory_space<vmem>>) attributes {dimension_semantics = [], scalar_prefetch = 0 : i64, scratch_operands = 0 : i64, tpu.core_type = #tpu.core_type<tc>} {
    %get3A = arith.constant 0 : index
    %get3A_0 = arith.constant 0 : index
    %get3A_1 = vector.load %arg0[%get3A, %get3A_0] : memref<20480x16xf32, #tpu.memory_space<vmem>>, vector<20480x16xf32>
    %reduce_sum3A = arith.constant dense<0.000000e+00> : vector<20480xf32>
    %reduce_sum3A_2 = vector.multi_reduction <add>, %get3A_1, %reduce_sum3A [1] : vector<20480x16xf32> to vector<20480xf32>
    %broadcast_in_dim3A = vector.shape_cast %reduce_sum3A_2 : vector<20480xf32> to vector<20480x1xf32>
    %log3A = math.log %broadcast_in_dim3A : vector<20480x1xf32>
    %get3A_3 = arith.constant 0 : index
    %get3A_4 = arith.constant 0 : index
    %get3A_5 = vector.load %arg1[%get3A_3, %get3A_4] : memref<20480x1xf32, #tpu.memory_space<vmem>>, vector<20480x1xf32>
    %sub3A = arith.subf %log3A, %get3A_5 : vector<20480x1xf32>
    %reduce_sum3A_6 = vector.shape_cast %sub3A : vector<20480x1xf32> to vector<1x20480x1xf32>
    %reduce_sum3A_7 = arith.constant dense<0.000000e+00> : vector<1xf32>
    %reduce_sum3A_8 = vector.multi_reduction <add>, %reduce_sum3A_6, %reduce_sum3A_7 [1, 2] : vector<1x20480x1xf32> to vector<1xf32>
    %reduce_sum3A_9 = vector.shape_cast %reduce_sum3A_8 : vector<1xf32> to vector<1x1x1xf32>
    %reduce_sum3A_10 = vector.extract %reduce_sum3A_9[0, 0, 0] : f32 from vector<1x1x1xf32>
    %mul3A = arith.constant 4.88281257E-5 : f32
    %mul3A_11 = arith.mulf %reduce_sum3A_10, %mul3A : f32
    %reshape3A = vector.broadcast %mul3A_11 : f32 to vector<1x1xf32>
    %swap3A = arith.constant 0 : index
    %swap3A_12 = arith.constant 0 : index
    %swap3A_13 = vector.load %arg2[%swap3A, %swap3A_12] : memref<1x1xf32, #tpu.memory_space<vmem>>, vector<1x1xf32>
    tpu.vector_store %arg2[%swap3A, %swap3A_12], %reshape3A {strides = array<i32>} : memref<1x1xf32, #tpu.memory_space<vmem>>, vector<1x1xf32>,
    return
  }
}

</mosaic_0001>

<sc_bundles>
// kernel: kernel.5.cloned.1.call-start
scs
__scs_entry_jumppad:
0x0: {  	(pc) =	sbr.rel $0x88, $3  }
0x1: {  	(tag) =	ssettag $0x0;
	lr =	simm.s32 $0x1  }
0x2: {  	[smem:$0x3F9E] =	sst lr;
	_ =	strace $0xD0000000  }
0x3: {  	_ = 	snop  }
0x4: {  	_ = 	snop  }
0x5: {  	_ = 	snop  }
0x6: {  	_ = 	snop  }
0x7: {  	_ = 	snop  }
__scs_overlays_trampoline_lowered:
0x8: {  	[smem:$0x3FAD] =	sst s0  }
0x9: {  	[smem:$0x3FAE] =	sst s1  }
0xa: {  	[smem:$0x3FAF] =	sst s2  }
0xb: {  	[smem:$0x3FB0] =	sst s3  }
0xc: {  	[smem:$0x3FB1] =	sst s4  }
0xd: {  	[smem:$0x3FB2] =	sst s5  }
0xe: {  	[smem:$0x3FB3] =	sst s6  }
0xf: {  	[smem:$0x3FB4] =	sst s7  }
0x10: {  	[smem:$0x3FB5] =	sst s8  }
0x11: {  	[smem:$0x3FB6] =	sst s9;
	s0 =	simm.s32 @!p0 $0x0  }
0x12: {  	s1 =	sld [smem:$0x3F9C];
	s0 =	simm.s32 @p0 $0x1  }
0x13: {  	[smem:$0x3FB7] =	sst s0;
	s0 =	simm.s32 @!p1 $0x0  }
0x14: {  	s2 =	sld [smem:$0x3F9B];
	s0 =	simm.s32 @p1 $0x1  }
0x15: {  	[smem:$0x3FB8] =	sst s0;
	s0 =	simm.s32 @!p2 $0x0  }
0x16: {  	s3 =	sld [smem:$0x3FDB];
	s0 =	simm.s32 @p2 $0x1  }
0x17: {  	s4 =	simm.s32 $0x1BF5;
	[smem:$0x3FBA] =	sst s0  }
0x18: {  	s0 =	sld [smem:$0x3F9D];
	_ =	swait.ge [sflag:s4], $0x0  }
0x19: {  	s7 =	sld [smem:$0x3F9E]  }
0x1a: {  	s8 =	sadd.s32 $0xFFFFE003, lr  }
0x1b: {  	s9 =	sadd.s32 $0xFFFFFEF7, lr;
	s5 =	simm.s32 $0xFFFFFFFF;
	p2 =	slt.u32 s8, $0xFFFFF086  }
0x1c: {  	p1 =	slt.u32 s9, $0xF7A;
	s5 =	simm.s32 @!p2 $0x0  }
0x1d: {  	s5 =	simm.s32 @p1 $0x1;
	p0 =	seq.s32 s7, s2  }
0x1e: {  	s7 =	smul.u32 @!p0 $0xF7A, s2;
	p2 =	seq.s32 @!p0 s5, $0x0  }
0x1f: {  	s9 =	smul.u32 $0xF7A, s1;
	s8 =	simm.s32 @!p0 $0x1BF5;
	p2 =	por !p2, p0  }
0x20: {  	[sflag:s8] =	ssyncset.s32 @!p0 $0xFFFFF086;
	s6 =	sadd.s32 @!p0 s3, s7;
	s7 =	simm.s32 @!p0 $0x108  }
0x21: {  	s3 =	sadd.s32 s3, s9;
	s6 =	sadd.s32 @!p0 $0x88, s6;
	s7 =	simm.s32 @p2 $0x1082  }
0x22: {  	[simem:s7], [sflag:s8] =	dma.local @!p0 [hbm:s6], $0xF7A  }
0x23: {  	s9 =	sor.u32 $0xD0000000, s2;
	s6 =	simm.s32 $0x108;
	_ =	swait.ge @!p0 [sflag:s8], $0x0  }
0x24: {  	s3 =	sadd.s32 $0x88, s3;
	s6 =	simm.s32 @!p1 $0x1082;
	[sflag:s4] =	ssyncset.s32 $0xFFFFF086  }
0x25: {  	[simem:s6], [sflag:s4] =	dma.local [hbm:s3], $0xF7A  }
0x26: {  	[smem:$0x3F9E] =	sst s1;
	(tag) =	ssettag s2;
	_ =	strace s9  }
0x27: {  	s1 =	sld [smem:$0x3FAE]  }
0x28: {  	s2 =	sld [smem:$0x3FAF]  }
0x29: {  	s4 =	sld [smem:$0x3FB1]  }
0x2a: {  	p0 =	seq.s32 s5, $0x0;
	s5 =	sld [smem:$0x3FB2]  }
0x2b: {  	s6 =	sld [smem:$0x3FB3]  }
0x2c: {  	s7 =	sld [smem:$0x3FB4]  }
0x2d: {  	s3 =	simm.s32 $0x108;
	s8 =	sld [smem:$0x3FB5]  }
0x2e: {  	s3 =	simm.s32 @!p0 $0x1082;
	s9 =	sld [smem:$0x3FB6]  }
0x2f: {  	lr =	sadd.s32 s0, s3;
	s0 =	sld [smem:$0x3FAD]  }
0x30: {  	s3 =	sld [smem:$0x3FB0]  }
0x31: {  	[smem:$0x3FB9] =	sst s10  }
0x32: {  	s10 =	sld [smem:$0x3FB7];
	_ =	sdelay $0x3  }
0x33: {  	p0 =	seq.s32 s10, $0x1;
	s10 =	sld [smem:$0x3FB9];
	_ =	sdelay $0x3  }
0x34: {  	[smem:$0x3FB9] =	sst s10  }
0x35: {  	s10 =	sld [smem:$0x3FB8];
	_ =	sdelay $0x3  }
0x36: {  	p1 =	seq.s32 s10, $0x1;
	s10 =	sld [smem:$0x3FB9];
	_ =	sdelay $0x3  }
0x37: {  	[smem:$0x3FB9] =	sst s10  }
0x38: {  	s10 =	sld [smem:$0x3FBA]  }
0x39: {  	_ = 	snop;
	(pc) =	sbr.ind lr, $3  }
0x3a: {  	_ = 	snop  }
0x3b: {  	_ = 	snop  }
0x3c: {  	p2 =	seq.s32 s10, $0x1;
	s10 =	sld [smem:$0x3FB9]  }
0x3d: {  	_ =	shalt  }
0x3e: {  	_ =	shalt  }
0x3f: {  	_ =	shalt  }
0x40: {  	_ =	shalt  }
0x41: {  	_ =	shalt  }
0x42: {  	_ =	shalt  }
0x43: {  	_ =	shalt  }
0x44: {  	_ =	shalt  }
0x45: {  	_ =	shalt  }
0x46: {  	_ =	shalt  }
0x47: {  	_ =	shalt  }
0x48: {  	_ =	shalt  }
0x49: {  	_ =	shalt  }
0x4a: {  	_ =	shalt  }
0x4b: {  	_ =	shalt  }
0x4c: {  	_ =	shalt  }
0x4d: {  	_ =	shalt  }
0x4e: {  	_ =	shalt  }
0x4f: {  	_ =	shalt  }
0x50: {  	_ =	shalt  }
0x51: {  	_ =	shalt  }
0x52: {  	_ =	shalt  }
0x53: {  	_ =	shalt  }
0x54: {  	_ =	shalt  }
0x55: {  	_ =	shalt  }
0x56: {  	_ =	shalt  }
0x57: {  	_ =	shalt  }
0x58: {  	_ =	shalt  }
0x59: {  	_ =	shalt  }
0x5a: {  	_ =	shalt  }
0x5b: {  	_ =	shalt  }
0x5c: {  	_ =	shalt  }
0x5d: {  	_ =	shalt  }
0x5e: {  	_ =	shalt  }
0x5f: {  	_ =	shalt  }
0x60: {  	_ =	shalt  }
0x61: {  	_ =	shalt  }
0x62: {  	_ =	shalt  }
0x63: {  	_ =	shalt  }
0x64: {  	_ =	shalt  }
0x65: {  	_ =	shalt  }
0x66: {  	_ =	shalt  }
0x67: {  	_ =	shalt  }
0x68: {  	_ =	shalt  }
0x69: {  	_ =	shalt  }
0x6a: {  	_ =	shalt  }
0x6b: {  	_ =	shalt  }
0x6c: {  	_ =	shalt  }
0x6d: {  	_ =	shalt  }
0x6e: {  	_ =	shalt  }
0x6f: {  	_ =	shalt  }
0x70: {  	_ =	shalt  }
0x71: {  	_ =	shalt  }
0x72: {  	_ =	shalt  }
0x73: {  	_ =	shalt  }
0x74: {  	_ =	shalt  }
0x75: {  	_ =	shalt  }
0x76: {  	_ =	shalt  }
0x77: {  	_ =	shalt  }
0x78: {  	_ =	shalt  }
0x79: {  	_ =	shalt  }
0x7a: {  	_ =	shalt  }
0x7b: {  	_ =	shalt  }
0x7c: {  	_ =	shalt  }
0x7d: {  	_ =	shalt  }
0x7e: {  	_ =	shalt  }
0x7f: {  	_ =	shalt  }
0x80: {  	_ =	shalt  }
0x81: {  	_ =	shalt  }
0x82: {  	_ =	shalt  }
0x83: {  	_ =	shalt  }
0x84: {  	_ =	shalt  }
0x85: {  	_ =	shalt  }
0x86: {  	_ =	shalt  }
0x87: {  	_ =	shalt  }
.Lfunc_end0:
.L_simem_size_0:
called_computation_lowered:
.L_overlay_start_0:
0x88: {  	s2 =	sld [smem:$0x3FD9]  }
0x89: {  	s3 =	sld [smem:$0x3FFE];
	_ =	sdelay $0x1  }
0x8a: {  	s1 =	srdreg.scid  }
0x8b: {  	s0 =	sand.u32 $0x1, s1  }
0x8c: {  	s14 =	sshll.u32 s0, $0xA;
	s2 =	sadd.s32 s3, s2  }
0x8d: {  	s2 =	sadd.s32 s2, s14  }
0x8e: {  	[smem:$0x3FC5] =	sst s2  }
0x8f: {  	_ = 	snop  }
0x90: {  	s2 =	sld [smem:$0x3FD0];
	_ =	sdelay $0x2  }
0x91: {  	s4 =	simm.s32 $0xA;
	s5 =	simm.s32 $0x10;
	s15 =	sld [smem:$0x3FC7]  }
0x92: {  	[smem:s5], [sflag:s4] =	dma.local [hbm:s2], $0x1  }
0x93: {  	_ =	swait.eq [sflag:s4], $0x1  }
0x94: {  	[sflag:s4] =	ssyncset.done $0x0  }
0x95: {  	[sflag:s4] =	ssyncadd.s32 $0xFFFFFFFF  }
0x96: {  	s16 =	sld [smem:$0x10];
	(tm) =	ssettm $0x1  }
0x97: {  	s17 =	sld [smem:$0x3FFB];
	_ =	sdelay $0x3  }
0x98: {  	_ =	strace s17  }
0x99: {  	s4 =	sld [smem:$0x3FFC];
	_ =	sdelay $0x3  }
0x9a: {  	_ =	strace s4  }
0x9b: {  	s4 =	sld [smem:$0x3FFD];
	_ =	sdelay $0x3  }
0x9c: {  	_ =	strace s4  }
0x9d: {  	_ =	strace $0x8FFFFFFF  }
0x9e: {  	s18 =	sld [smem:$0x3FDB];
	_ =	sdelay $0x1  }
0x9f: {  	s19 =	simm.s32 $_scs_section_size  }
0xa0: {  	s6 =	simm.s32 $_size__tile_overlayer_lowered;
	s7 =	simm.s32 $_tile_overlayer_lowered  }
0xa1: {  	s22 =	simm.s32 $0x1BFF;
	s21 =	sshll.u32 s7, $0x1;
	s4 =	sadd.s32 s19, s18  }
0xa2: {  	s8 =	simm.s32 $0x0;
	s20 =	sshll.u32 s6, $0x1;
	s6 =	sadd.s32 s21, s4  }
0xa3: {  	[timem:s8], [sflag:s22] =	dma.local [hbm:s6], s20  }
0xa4: {  	_ =	swait.ge [sflag:s22], s20  }
0xa5: {  	s5 =	ssub.s32 $0x0, s20;
	[sflag:s22] =	ssyncset.done $0x0  }
0xa6: {  	[sflag:s22] =	ssyncadd.s32 s5;
	_ =	sdelay $0x1  }
0xa7: {  	s23 =	simm.s32 $0x1B8B  }
0xa8: {  	_ =	swait.ge [sflag:s23], $0x1  }
0xa9: {  	[sflag:s23] =	ssyncset.done $0x0  }
0xaa: {  	s25 =	simm.s32 $0x1B8E;
	s24 =	sld [smem:$0x3FFE];
	[sflag:s23] =	ssyncadd.s32 $0xFFFFFFFF  }
0xab: {  	s26 =	simm.s32 $execute0_lowered;
	[smem:$0x3FD2] =	sst s25  }
0xac: {  	s6 =	sshll.u32 s26, $0x1;
	_ =	strace $0x80000046;
	[dreg:$0x1] =	wrdreg $0xFFFFFFFF  }
0xad: {  	s28 =	simm.s32 $_size_execute0_lowered;
	s4 =	sadd.s32 s4, s6;
	[dreg:$0x0] =	wrdreg $0x0  }
0xae: {  	s6 =	sshll.u32 s28, $0x1;
	[dreg:$0x2] =	wrdreg s4  }
0xaf: {  	[dreg:$0x3] =	wrdreg s6  }
0xb0: {  	[dreg:$0x4] =	wrdreg $0xC0  }
0xb1: {  	_ =	task [dreg:s8], $0x5FFFF  }
0xb2: {  	[dreg:$0x1] =	wrdreg $0xFFFFFFFF  }
0xb3: {  	[dreg:$0x0] =	wrdreg $0x60  }
0xb4: {  	[dreg:$0x2] =	wrdreg s24  }
0xb5: {  	[dreg:$0x3] =	wrdreg s15  }
0xb6: {  	[dreg:$0x4] =	wrdreg s16  }
0xb7: {  	[dreg:$0x5] =	wrdreg $0x9  }
0xb8: {  	_ =	task.clear_ibuf [dreg:s8], $0x6FFFF;
	_ =	strace $0x90000046  }
0xb9: {  	s29 =	simm.s32 $0x9;
	_ =	strace $0x80000048  }
0xba: {  	_ =	swait.ge [sflag:s29], $0x1  }
0xbb: {  	[sflag:s29] =	ssyncadd.s32 $0xFFFFFFFF  }
0xbc: {  	_ =	strace $0x90000048  }
0xbd: {  	_ =	sfence  }
0xbe: {  	s30 =	sld [smem:$0x0];
	_ =	sdelay $0x2  }
0xbf: {  	s31 =	sshll.u32 s1, $0xD;
	s1 =	sshrl.u32 s1, $0x2  }
0xc0: {  	s3 =	sand.u32 $0x4000, s31;
	s1 =	sadd.s32 s1, s30  }
0xc1: {  	s0 =	sor.u32 s3, s0;
	s1 =	sshll.u32 s1, $0x11  }
0xc2: {  	s0 =	sor.u32 s1, s0  }
0xc3: {  	s0 =	sadd.s32 $0x8F2B, s0  }
0xc4: {  	[sflag:s0] =	ssyncadd.remote.s32 $0x1  }
0xc5: {  	_ =	sfence.sel $0xFFFF  }
0xc6: {  	[dreg:$0x0] =	wrdreg $0xFFFFFFFF;
	(pc) =	sbr.abs _section_cstart, $3  }
0xc7: {  	[dreg:$0x1] =	wrdreg $0xFFFFFFFF  }
0xc8: {  	_ =	task.clear_ibuf [dreg:s8], $0x2FFFF;
	_ =	strace $0x9FFFFFFF  }
0xc9: {  	(tm) =	ssettm $0x7FFFFFFF  }
tec
execute0_lowered:
.L_overlay_start_1:
0x0: {  	(tag) =	ssettag $0x1  }
0x1: {  	s0 =	rddreg [dreg:$0x0]  }
0x2: {  	s1 =	srdreg.scid;
	s2 =	rddreg [dreg:$0x1]  }
0x3: {  	s16 =	stileid.u32;
	s3 =	rddreg [dreg:$0x2]  }
0x4: {  	s29 =	simm.s32 $0x1;
	s21 =	simm.s32 $0x19780;
	s22 =	simm.s32 $0x19F80  }
0x5: {  	s31 =	simm.s32 $0x2;
	s1 =	sand.u32 $0x1, s1;
	s4 =	sshll.u32 s16, $0x1  }
0x6: {  	s11 =	sadd.s32 $0x1000, s2;
	s12 =	sadd.s32 $0x1400, s2;
	s25 =	smul.u32 $0x500, s16  }
0x7: {  	s6 =	sor.u32 s1, s4;
	s10 =	ssub.s32 $0x2, s1;
	s1 =	smul.u32 $0x280, s1  }
0x8: {  	s14 =	sadd.s32 $0x1800, s2;
	s15 =	sadd.s32 $0x1C00, s2;
	s7 =	smul.u32 $0x1400, s6  }
0x9: {  	s16 =	sadd.s32 $0x400, s3;
	s4 =	simm.s32 $0x0;
	s5 =	smul.u32 $0x280, s6  }
0xa: {  	[smem:$0x7FF] =	sst s4;
	s8 =	smul.u32 $0x500, s6;
	s23 =	sshrl.u32 s10, $0x1  }
0xb: {  	s13 =	smul.u32 $0xA0000, s6;
	_ =	strace $0x80000047;
	s19 =	ssub.s32 s10, s23  }
0xc: {  	s10 =	sadd.s32 $0xC00, s2;
	s30 =	sadd.s32 s1, s25;
	s1 =	simm.s32 $0x3  }
0xd: {  	s7 =	sadd.s32 s7, s0;
	s9 =	sshrl.u32 s5, $0x3;
	s18 =	sadd.s32 s8, s0  }
0xe: {  	s8 =	sadd.s32 $0x400, s2;
	s28 =	smax.u32 s19, $0x1;
	[dreg:$0x9] =	wrdreg s30  }
0xf: {  	s17 =	sor.u32 $0x2, s5;
	s7 =	sadd.s32 $0x1600, s7;
	[dreg:$0x8] =	wrdreg s28  }
0x10: {  	s0 =	sadd.s32 s9, s0;
	s26 =	sadd.s32 $0x29600, s18;
	[dreg:$0x4] =	wrdreg s7  }
0x11: {  	v2 =	vlaneseq.u32;
	s9 =	sadd.s32 $0x800, s2;
	s24 =	sadd.s32 $0xC00, s0;
	[dreg:$0x6] =	wrdreg s26  }
0x12: {  	vm0 =	vmmov $0xffff;
	v1 =	vshrl.u32 v2, $0x1;
	s18 =	simm.s32 $0xA;
	s0 =	sadd.s32 $0x33600, s0;
	[dreg:$0x5] =	wrdreg s24  }
0x13: {  	v0 =	vand.u32 $0x1, v2;
	v2 =	vmul.u32 $0x2000, v2;
	v1 =	vmul.u32 $0x8, v1;
	s7 =	simm.s32 $0x0;
	[dreg:$0x7] =	wrdreg s0;
	s0 =	simm.s32 $0x4  }
.LBB2_1:
0x14: {  	[dreg:$0xa] =	wrdreg s7  }
0x15: {  	s6 =	rddreg [dreg:$0x4]  }
0x16: {  	[tilespmem:s4], [sflag:$0xA] =	stream.linear.gather [hbm4b:s6+s4], $0xA000, $0x38;
	[tilespmem:$0x1CF80] =	vst v63  }
0x17: {  	_ =	swait.ge [sflag:s18], $0xA000  }
0x18: {  	[sflag:s18] =	ssyncset.done $0x0  }
0x19: {  	s20 =	simm.s32 $0xA000;
	s19 =	rddreg [dreg:$0x5];
	[sflag:s18] =	ssyncadd.s32 $0xFFFF6000  }
0x1a: {  	[tilespmem:s20], [sflag:$0xA] =	stream.linear.gather [hbm4b:s19+s4], $0x280, $0x38;
	[tilespmem:$0x1CF80] =	vst v63  }
0x1b: {  	_ =	swait.ge [sflag:s18], $0x280  }
0x1c: {  	[sflag:s18] =	ssyncset.done $0x0  }
0x1d: {  	[sflag:s18] =	ssyncadd.s32 $0xFFFFFD80  }
0x1e: {  	v3 =	vld.msk [tilespmem:$0x0], $0x3;
	_ =	sdelay $0x4  }
0x1f: {  	v4 =	vshll.u32 v3, $0x6  }
0x20: {  	v3 =	vand.u32 $0x7, v3;
	v4 =	vand.u32 $0xFFFFFE00, v4  }
0x21: {  	v3 =	vor.u32 v3, v4  }
0x22: {  	v3 =	vperm.xlane v3, v0;
	_ =	sdelay $0x1  }
0x23: {  	v3 =	vadd.s32 v1, v3;
	_ =	sdelay $0x3  }
0x24: {  	s23 =	simm.s32 $0xA780  }
0x25: {  	[tilespmem:s23], [sflag:$0x1] =	stream.indirect_vreg.gather [hbm4b:s2+s4], $0x80, v3, vm0, $0xb8;
	[tilespmem:$0x1CF80] =	vst v63  }
0x26: {  	s24 =	simm.s32 $0xAF80  }
0x27: {  	[tilespmem:s24], [sflag:$0x1] =	stream.indirect_vreg.gather [hbm4b:s8+s4], $0x80, v3, vm0, $0xb8;
	[tilespmem:$0x1CF80] =	vst v63  }
0x28: {  	s25 =	simm.s32 $0xB780  }
0x29: {  	[tilespmem:s25], [sflag:$0x1] =	stream.indirect_vreg.gather [hbm4b:s9+s4], $0x80, v3, vm0, $0xb8;
	[tilespmem:$0x1CF80] =	vst v63  }
0x2a: {  	s26 =	simm.s32 $0xBF80  }
0x2b: {  	[tilespmem:s26], [sflag:$0x1] =	stream.indirect_vreg.gather [hbm4b:s10+s4], $0x80, v3, vm0, $0xb8;
	[tilespmem:$0x1CF80] =	vst v63  }
0x2c: {  	s28 =	simm.s32 $0xC780  }
0x2d: {  	[tilespmem:s28], [sflag:$0x1] =	stream.indirect_vreg.gather [hbm4b:s11+s4], $0x80, v3, vm0, $0xb8;
	[tilespmem:$0x1CF80] =	vst v63  }
0x2e: {  	s30 =	simm.s32 $0xCF80  }
0x2f: {  	[tilespmem:s30], [sflag:$0x1] =	stream.indirect_vreg.gather [hbm4b:s12+s4], $0x80, v3, vm0, $0xb8;
	[tilespmem:$0x1CF80] =	vst v63  }
0x30: {  	s7 =	simm.s32 $0xD780  }
0x31: {  	[tilespmem:s7], [sflag:$0x1] =	stream.indirect_vreg.gather [hbm4b:s14+s4], $0x80, v3, vm0, $0xb8;
	[tilespmem:$0x1CF80] =	vst v63  }
0x32: {  	s18 =	simm.s32 $0xDF80  }
0x33: {  	[tilespmem:s18], [sflag:$0x1] =	stream.indirect_vreg.gather [hbm4b:s15+s4], $0x80, v3, vm0, $0xb8;
	[tilespmem:$0x1CF80] =	vst v63  }
0x34: {  	v3 =	vld.msk [tilespmem:$0x80], $0x3;
	_ =	sdelay $0x4  }
0x35: {  	v63 =	vshll.u32 v3, $0x6  }
0x36: {  	v3 =	vand.u32 $0x7, v3;
	v4 =	vand.u32 $0xFFFFFE00, v63  }
0x37: {  	v3 =	vor.u32 v3, v4  }
0x38: {  	v3 =	vperm.xlane v3, v0;
	_ =	sdelay $0x1  }
0x39: {  	v3 =	vadd.s32 v1, v3;
	_ =	sdelay $0x3  }
0x3a: {  	s19 =	simm.s32 $0xE780  }
0x3b: {  	[tilespmem:s19], [sflag:$0x2] =	stream.indirect_vreg.gather [hbm4b:s2+s4], $0x80, v3, vm0, $0xb8;
	[tilespmem:$0x1CF80] =	vst v63  }
0x3c: {  	s20 =	simm.s32 $0xEF80  }
0x3d: {  	[tilespmem:s20], [sflag:$0x2] =	stream.indirect_vreg.gather [hbm4b:s8+s4], $0x80, v3, vm0, $0xb8;
	[tilespmem:$0x1CF80] =	vst v63  }
0x3e: {  	s23 =	simm.s32 $0xF780  }
0x3f: {  	[tilespmem:s23], [sflag:$0x2] =	stream.indirect_vreg.gather [hbm4b:s9+s4], $0x80, v3, vm0, $0xb8;
	[tilespmem:$0x1CF80] =	vst v63  }
0x40: {  	s24 =	simm.s32 $0xFF80  }
0x41: {  	[tilespmem:s24], [sflag:$0x2] =	stream.indirect_vreg.gather [hbm4b:s10+s4], $0x80, v3, vm0, $0xb8;
	[tilespmem:$0x1CF80] =	vst v63  }
0x42: {  	s25 =	simm.s32 $0x10780  }
0x43: {  	[tilespmem:s25], [sflag:$0x2] =	stream.indirect_vreg.gather [hbm4b:s11+s4], $0x80, v3, vm0, $0xb8;
	[tilespmem:$0x1CF80] =	vst v63  }
0x44: {  	s26 =	simm.s32 $0x10F80  }
0x45: {  	[tilespmem:s26], [sflag:$0x2] =	stream.indirect_vreg.gather [hbm4b:s12+s4], $0x80, v3, vm0, $0xb8;
	[tilespmem:$0x1CF80] =	vst v63  }
0x46: {  	s28 =	simm.s32 $0x11780  }
0x47: {  	[tilespmem:s28], [sflag:$0x2] =	stream.indirect_vreg.gather [hbm4b:s14+s4], $0x80, v3, vm0, $0xb8;
	[tilespmem:$0x1CF80] =	vst v63  }
0x48: {  	s30 =	simm.s32 $0x11F80;
	s23 =	simm.s32 $0x0  }
0x49: {  	[tilespmem:s30], [sflag:$0x2] =	stream.indirect_vreg.gather [hbm4b:s15+s4], $0x80, v3, vm0, $0xb8;
	[tilespmem:$0x1CF80] =	vst v63  }
.LBB2_2:
0x4a: {  	p0 =	seq.s32 s23, $0x0  }
0x4b: {  	s6 =	simm.s32 @!p0 $0x7  }
0x4c: {  	_ =	swait.ge @!p0 [sflag:s6], $0x2000  }
0x4d: {  	[sflag:s6] =	ssyncset.done @!p0 $0x0  }
0x4e: {  	s25 =	sshll.u32 s23, $0x2;
	[sflag:s6] =	ssyncadd.s32 @!p0 $0xFFFFE000  }
0x4f: {  	s26 =	sor.u32 $0x2, s25;
	_ =	swait.ge @!p0 [sflag:s6], $0x2000  }
0x50: {  	s7 =	sshll.u32 s26, $0x7;
	[sflag:s6] =	ssyncset.done @!p0 $0x0  }
0x51: {  	s24 =	sand.u32 $0x3FFFFF80, s7;
	[sflag:s6] =	ssyncadd.s32 @!p0 $0xFFFFE000  }
0x52: {  	v3 =	vld.msk [tilespmem:s24+$0x0], $0x3;
	_ =	sdelay $0x4  }
0x53: {  	v4 =	vshll.u32 v3, $0x6  }
0x54: {  	v3 =	vand.u32 $0x7, v3;
	v4 =	vand.u32 $0xFFFFFE00, v4  }
0x55: {  	v3 =	vor.u32 v3, v4  }
0x56: {  	v3 =	vperm.xlane v3, v0;
	_ =	sdelay $0x1  }
0x57: {  	v3 =	vadd.s32 v1, v3;
	_ =	sdelay $0x3  }
0x58: {  	s30 =	simm.s32 $0x12780;
	s6 =	simm.s32 $0x0  }
0x59: {  	[tilespmem:s30], [sflag:$0x3] =	stream.indirect_vreg.gather [hbm4b:s2+s6], $0x80, v3, vm0, $0xb8;
	[tilespmem:$0x1CF80] =	vst v63  }
0x5a: {  	s18 =	simm.s32 $0x12F80  }
0x5b: {  	[tilespmem:s18], [sflag:$0x3] =	stream.indirect_vreg.gather [hbm4b:s8+s6], $0x80, v3, vm0, $0xb8;
	[tilespmem:$0x1CF80] =	vst v63  }
0x5c: {  	s19 =	simm.s32 $0x13780  }
0x5d: {  	[tilespmem:s19], [sflag:$0x3] =	stream.indirect_vreg.gather [hbm4b:s9+s6], $0x80, v3, vm0, $0xb8;
	[tilespmem:$0x1CF80] =	vst v63  }
0x5e: {  	s20 =	simm.s32 $0x13F80  }
0x5f: {  	[tilespmem:s20], [sflag:$0x3] =	stream.indirect_vreg.gather [hbm4b:s10+s6], $0x80, v3, vm0, $0xb8;
	[tilespmem:$0x1CF80] =	vst v63  }
0x60: {  	s24 =	simm.s32 $0x14780  }
0x61: {  	[tilespmem:s24], [sflag:$0x3] =	stream.indirect_vreg.gather [hbm4b:s11+s6], $0x80, v3, vm0, $0xb8;
	[tilespmem:$0x1CF80] =	vst v63  }
0x62: {  	s30 =	simm.s32 $0x14F80  }
0x63: {  	[tilespmem:s30], [sflag:$0x3] =	stream.indirect_vreg.gather [hbm4b:s12+s6], $0x80, v3, vm0, $0xb8;
	[tilespmem:$0x1CF80] =	vst v63  }
0x64: {  	s18 =	simm.s32 $0x15780  }
0x65: {  	[tilespmem:s18], [sflag:$0x3] =	stream.indirect_vreg.gather [hbm4b:s14+s6], $0x80, v3, vm0, $0xb8;
	[tilespmem:$0x1CF80] =	vst v63  }
0x66: {  	s19 =	simm.s32 $0x15F80  }
0x67: {  	[tilespmem:s19], [sflag:$0x3] =	stream.indirect_vreg.gather [hbm4b:s15+s6], $0x80, v3, vm0, $0xb8;
	[tilespmem:$0x1CF80] =	vst v63  }
0x68: {  	_ =	swait.ge [sflag:s29], $0x4000  }
0x69: {  	[sflag:s29] =	ssyncset.done $0x0  }
0x6a: {  	s20 =	simm.s32 $0x0;
	[sflag:s29] =	ssyncadd.s32 $0xFFFFC000  }
0x6b: {  	v3 =	vld [tilespmem:s20+$0xA7B0]  }
0x6c: {  	v4 =	vld [tilespmem:s20+$0xA7F0]  }
0x6d: {  	v5 =	vld [tilespmem:s20+$0xA7A0]  }
0x6e: {  	v6 =	vld [tilespmem:s20+$0xA7E0]  }
0x6f: {  	v7 =	vld [tilespmem:s20+$0xA7C0]  }
0x70: {  	v8 =	vld [tilespmem:s20+$0xA790];
	v3 =	vmul.f32 $1.442695020e+00, v3  }
0x71: {  	v9 =	vld [tilespmem:s20+$0xA780];
	v4 =	vmul.f32 $1.442695020e+00, v4  }
0x72: {  	s24 =	simm.s32 $0x100;
	v10 =	vld [tilespmem:s20+$0xA7D0];
	v5 =	vmul.f32 $1.442695020e+00, v5;
	(erf) = vpow2.f32 v3  }
0x73: {  	v3 =	vmul.f32 $1.442695020e+00, v6;
	(erf) = vpow2.f32 v4;
	v4 =	vld [tilespmem:s24+$0xA7B0]  }
0x74: {  	v7 =	vmul.f32 $1.442695020e+00, v7;
	(erf) = vpow2.f32 v5;
	v5 =	vld [tilespmem:s24+$0xA7F0]  }
0x75: {  	v8 =	vmul.f32 $1.442695020e+00, v8;
	(erf) = vpow2.f32 v3;
	v3 =	vld [tilespmem:s24+$0xA7A0]  }
0x76: {  	v9 =	vmul.f32 $1.442695020e+00, v9;
	v6 =	vld [tilespmem:s24+$0xA7E0];
	(erf) = vpow2.f32 v7  }
0x77: {  	v7 =	vmul.f32 $1.442695020e+00, v10;
	v10 =	vld [tilespmem:s24+$0xA7C0];
	(erf) = vpow2.f32 v8  }
0x78: {  	v11 =	vld [tilespmem:s24+$0xA7D0];
	v4 =	vmul.f32 $1.442695020e+00, v4;
	(erf) = vpow2.f32 v9  }
0x79: {  	s30 =	simm.s32 $0x200;
	v8 =	vld [tilespmem:s24+$0xA790];
	(erf) = vpow2.f32 v7  }
0x7a: {  	v12 =	vld [tilespmem:s30+$0xA7F0];
	v5 =	vmul.f32 $1.442695020e+00, v5;
	v3 =	vmul.f32 $1.442695020e+00, v3  }
0x7b: {  	v6 =	vmul.f32 $1.442695020e+00, v6;
	v9 =	vld [tilespmem:s24+$0xA780];
	(erf) = vpow2.f32 v4  }
0x7c: {  	v17 =	vld [tilespmem:s30+$0xA7B0];
	v4 =	vpop (erf);
	(erf) = vpow2.f32 v5;
	v5 =	vmul.f32 $1.442695020e+00, v10  }
0x7d: {  	v16 =	vpop (erf);
	(erf) = vpow2.f32 v3  }
0x7e: {  	v18 =	vld [tilespmem:s30+$0xA7A0];
	v20 =	vmul.f32 $1.442695020e+00, v11;
	v10 =	vimm.f32 $0.0e+00;
	v8 =	vmul.f32 $1.442695020e+00, v8;
	v3 =	vpop (erf)  }
0x7f: {  	v15 =	vld [tilespmem:s30+$0xA7E0];
	v14 =	vmul.f32 $1.442695020e+00, v12;
	(erf) = vpow2.f32 v6;
	v3 =	vadd.f32 v3, v10;
	v6 =	vpop (erf)  }
0x80: {  	v13 =	vld [tilespmem:s30+$0xA7C0];
	v19 =	vmul.f32 $1.442695020e+00, v9;
	v4 =	vadd.f32 v4, v10;
	(erf) = vpow2.f32 v5;
	v5 =	vpop (erf)  }
0x81: {  	v17 =	vmul.f32 $1.442695020e+00, v17;
	v11 =	vld [tilespmem:s30+$0xA7D0];
	(erf) = vpow2.f32 v8;
	v3 =	vadd.f32 v6, v3;
	v6 =	vpop (erf)  }
0x82: {  	v9 =	vld [tilespmem:s30+$0xA790];
	v4 =	vadd.f32 v16, v4;
	(erf) = vpow2.f32 v19;
	v6 =	vadd.f32 v6, v10;
	v8 =	vpop (erf)  }
0x83: {  	s24 =	simm.s32 $0x300;
	v7 =	vld [tilespmem:s30+$0xA780];
	v16 =	vmul.f32 $1.442695020e+00, v18;
	(erf) = vpow2.f32 v20;
	v18 =	vpop (erf);
	v12 =	vadd.f32 v8, v10  }
0x84: {  	s28 =	simm.s32 $0x1000;
	v8 =	vld [tilespmem:s24+$0xA7E0];
	(erf) = vpow2.f32 v17;
	v10 =	vpop (erf);
	v6 =	vadd.f32 v18, v6  }
.LBB2_3:
0x85: {  	p1 =	sne.s32 s28, $0xFC00;
	v17 =	vld [tilespmem:s24+$0xA7F0];
	v15 =	vmul.f32 $1.442695020e+00, v15;
	(erf) = vpow2.f32 v14;
	v18 =	vpop (erf);
	v12 =	vadd.f32 v5, v12;
	s6 =	smov.u32 s28;
	s28 =	sadd.s32 $0x400, s28  }
0x86: {  	v19 =	vld [tilespmem:s24+$0xA7B0];
	v14 =	vmul.f32 $1.442695020e+00, v13;
	(erf) = vpow2.f32 v16;
	v13 =	vpop (erf)  }
0x87: {  	v20 =	vmul.f32 $1.442695020e+00, v9;
	v4 =	vadd.f32 v10, v4;
	v16 =	vld [tilespmem:s24+$0xA7A0];
	v3 =	vadd.f32 v13, v3  }
0x88: {  	v21 =	vmul.f32 $1.442695020e+00, v7;
	v7 =	vld [tilespmem:s24+$0xA780];
	(erf) = vpow2.f32 v15;
	v13 =	vpop (erf)  }
.Ltmp0:
0x89: {  	v22 =	vmul.f32 $1.442695020e+00, v11;
	v9 =	vld [tilespmem:s24+$0xA790];
	(erf) = vpow2.f32 v14;
	v3 =	vadd.f32 v13, v3;
	v5 =	vpop (erf);
	(pc) =	sbr.rel @p1 .LBB2_3-.Ltmp0, $4  }
0x8a: {  	v4 =	vadd.f32 v18, v4;
	v13 =	vld [tilespmem:s24+$0xA7C0];
	v14 =	vmul.f32 $1.442695020e+00, v17;
	(erf) = vpow2.f32 v20;
	v17 =	vpop (erf)  }
0x8b: {  	v18 =	vmul.f32 $1.442695020e+00, v19;
	v11 =	vld [tilespmem:s24+$0xA7D0];
	(erf) = vpow2.f32 v21;
	v6 =	vadd.f32 v17, v6;
	v10 =	vpop (erf)  }
0x8c: {  	s24 =	sshra.s32 s6, $0x2;
	v16 =	vmul.f32 $1.442695020e+00, v16;
	(erf) = vpow2.f32 v22;
	v12 =	vadd.f32 v10, v12;
	v15 =	vpop (erf)  }
0x8d: {  	(erf) = vpow2.f32 v18;
	v10 =	vpop (erf);
	v6 =	vadd.f32 v15, v6;
	v15 =	vmov v8;
	v8 =	vld [tilespmem:s24+$0xA7E0]  }
0x8e: {  	v15 =	vmul.f32 $1.442695020e+00, v15;
	(erf) = vpow2.f32 v14;
	v14 =	vld [tilespmem:s24+$0xA7B0]  }
0x8f: {  	v17 =	vld [tilespmem:s24+$0xA7F0];
	v13 =	vmul.f32 $1.442695020e+00, v13  }
0x90: {  	v18 =	vpop (erf);
	v19 =	vld [tilespmem:s24+$0xA7A0];
	v9 =	vmul.f32 $1.442695020e+00, v9;
	(erf) = vpow2.f32 v16  }
0x91: {  	v7 =	vmul.f32 $1.442695020e+00, v7;
	v16 =	vpop (erf);
	(erf) = vpow2.f32 v15  }
0x92: {  	v20 =	vld [tilespmem:s24+$0xA7C0];
	v11 =	vmul.f32 $1.442695020e+00, v11;
	v15 =	vpop (erf);
	(erf) = vpow2.f32 v13  }
0x93: {  	v13 =	vpop (erf);
	(erf) = vpow2.f32 v9;
	v9 =	vld [tilespmem:s24+$0xA790];
	v14 =	vmul.f32 $1.442695020e+00, v14  }
0x94: {  	v17 =	vmul.f32 $1.442695020e+00, v17;
	v21 =	vpop (erf);
	(erf) = vpow2.f32 v7  }
0x95: {  	v7 =	vld [tilespmem:s24+$0xA780];
	v22 =	vpop (erf);
	(erf) = vpow2.f32 v11;
	v11 =	vmul.f32 $1.442695020e+00, v19  }
0x96: {  	v8 =	vmul.f32 $1.442695020e+00, v8;
	v19 =	vpop (erf);
	(erf) = vpow2.f32 v14  }
0x97: {  	v20 =	vmul.f32 $1.442695020e+00, v20;
	v14 =	vld [tilespmem:s24+$0xA7D0];
	v23 =	vpop (erf);
	(erf) = vpow2.f32 v17  }
0x98: {  	v17 =	vpop (erf);
	(erf) = vpow2.f32 v11;
	v9 =	vmul.f32 $1.442695020e+00, v9  }
0x99: {  	v11 =	vpop (erf);
	(erf) = vpow2.f32 v8  }
0x9a: {  	v7 =	vmul.f32 $1.442695020e+00, v7;
	v8 =	vpop (erf);
	(erf) = vpow2.f32 v20  }
0x9b: {  	v62 =	vpop (erf);
	(erf) = vpow2.f32 v9  }
0x9c: {  	v9 =	vpop (erf);
	(erf) = vpow2.f32 v7;
	v7 =	vmul.f32 $1.442695020e+00, v14;
	_ =	sdelay $0x1  }
0x9d: {  	v5 =	vadd.f32 v5, v12  }
0x9e: {  	v4 =	vadd.f32 v10, v4;
	v3 =	vadd.f32 v16, v3;
	v10 =	vpop (erf)  }
0x9f: {  	v6 =	vadd.f32 v21, v6;
	v5 =	vadd.f32 v22, v5;
	(erf) = vpow2.f32 v7;
	v7 =	vpop (erf)  }
0xa0: {  	v4 =	vadd.f32 v18, v4;
	v3 =	vadd.f32 v15, v3;
	v12 =	vpop (erf)  }
0xa1: {  	v6 =	vadd.f32 v19, v6;
	v5 =	vadd.f32 v13, v5;
	v13 =	vpop (erf)  }
0xa2: {  	v4 =	vadd.f32 v23, v4;
	v3 =	vadd.f32 v11, v3;
	v11 =	vpop (erf)  }
0xa3: {  	v6 =	vadd.f32 v9, v6;
	v5 =	vadd.f32 v10, v5;
	v9 =	vpop (erf)  }
0xa4: {  	v4 =	vadd.f32 v17, v4;
	v3 =	vadd.f32 v8, v3;
	v8 =	vpop (erf)  }
0xa5: {  	v5 =	vadd.f32 v62, v5;
	v6 =	vadd.f32 v7, v6;
	v7 =	vpop (erf)  }
0xa6: {  	v4 =	vadd.f32 v12, v4;
	v3 =	vadd.f32 v11, v3;
	v10 =	vpop (erf)  }
0xa7: {  	v6 =	vadd.f32 v7, v6;
	v5 =	vadd.f32 v10, v5  }
0xa8: {  	v4 =	vadd.f32 v13, v4;
	v3 =	vadd.f32 v9, v3;
	v7 =	vpop (erf)  }
0xa9: {  	v6 =	vadd.f32 v7, v6;
	v5 =	vadd.f32 v8, v5;
	_ =	sdelay $0x1  }
0xaa: {  	v3 =	vadd.f32 v4, v3;
	v5 =	vadd.f32 v6, v5;
	_ =	sdelay $0x1  }
0xab: {  	s6 =	sshll.u32 s23, $0x7;
	v3 =	vadd.f32 v3, v5  }
0xac: {  	s24 =	sand.u32 $0x3FFFFF80, s6  }
0xad: {  	s18 =	simm.s32 $0x0;
	[tilespmem:s24+$0x1A780] =	vst v3  }
0xae: {  	v3 =	vld [tilespmem:s18+$0xA830]  }
0xaf: {  	v4 =	vld [tilespmem:s18+$0xA870]  }
0xb0: {  	v5 =	vld [tilespmem:s18+$0xA820]  }
0xb1: {  	v6 =	vld [tilespmem:s18+$0xA860]  }
0xb2: {  	v7 =	vld [tilespmem:s18+$0xA840]  }
0xb3: {  	v8 =	vld [tilespmem:s18+$0xA810];
	v3 =	vmul.f32 $1.442695020e+00, v3  }
0xb4: {  	v9 =	vld [tilespmem:s18+$0xA800];
	v4 =	vmul.f32 $1.442695020e+00, v4  }
0xb5: {  	s19 =	simm.s32 $0x100;
	v10 =	vld [tilespmem:s18+$0xA850];
	v5 =	vmul.f32 $1.442695020e+00, v5;
	(erf) = vpow2.f32 v3  }
0xb6: {  	v3 =	vmul.f32 $1.442695020e+00, v6;
	(erf) = vpow2.f32 v4;
	v4 =	vld [tilespmem:s19+$0xA830]  }
0xb7: {  	v7 =	vmul.f32 $1.442695020e+00, v7;
	(erf) = vpow2.f32 v5;
	v5 =	vld [tilespmem:s19+$0xA870]  }
0xb8: {  	v8 =	vmul.f32 $1.442695020e+00, v8;
	(erf) = vpow2.f32 v3;
	v3 =	vld [tilespmem:s19+$0xA820]  }
0xb9: {  	v9 =	vmul.f32 $1.442695020e+00, v9;
	v6 =	vld [tilespmem:s19+$0xA860];
	(erf) = vpow2.f32 v7  }
0xba: {  	v7 =	vmul.f32 $1.442695020e+00, v10;
	v10 =	vld [tilespmem:s19+$0xA840];
	(erf) = vpow2.f32 v8  }
0xbb: {  	v11 =	vld [tilespmem:s19+$0xA850];
	v4 =	vmul.f32 $1.442695020e+00, v4;
	(erf) = vpow2.f32 v9  }
0xbc: {  	s20 =	simm.s32 $0x200;
	v8 =	vld [tilespmem:s19+$0xA810];
	(erf) = vpow2.f32 v7  }
0xbd: {  	v12 =	vld [tilespmem:s20+$0xA870];
	v5 =	vmul.f32 $1.442695020e+00, v5;
	v3 =	vmul.f32 $1.442695020e+00, v3  }
0xbe: {  	v6 =	vmul.f32 $1.442695020e+00, v6;
	v9 =	vld [tilespmem:s19+$0xA800];
	(erf) = vpow2.f32 v4  }
0xbf: {  	v17 =	vld [tilespmem:s20+$0xA830];
	(erf) = vpow2.f32 v5;
	v5 =	vmul.f32 $1.442695020e+00, v10;
	v4 =	vpop (erf)  }
0xc0: {  	(erf) = vpow2.f32 v3;
	v16 =	vpop (erf)  }
0xc1: {  	v18 =	vld [tilespmem:s20+$0xA820];
	v63 =	vmul.f32 $1.442695020e+00, v11;
	v10 =	vimm.f32 $0.0e+00;
	v8 =	vmul.f32 $1.442695020e+00, v8;
	v3 =	vpop (erf)  }
0xc2: {  	v15 =	vld [tilespmem:s20+$0xA860];
	v14 =	vmul.f32 $1.442695020e+00, v12;
	(erf) = vpow2.f32 v6;
	v3 =	vadd.f32 v3, v10;
	v6 =	vpop (erf)  }
0xc3: {  	v13 =	vld [tilespmem:s20+$0xA840];
	v19 =	vmul.f32 $1.442695020e+00, v9;
	v4 =	vadd.f32 v4, v10;
	(erf) = vpow2.f32 v5;
	v5 =	vpop (erf)  }
0xc4: {  	v17 =	vmul.f32 $1.442695020e+00, v17;
	v11 =	vld [tilespmem:s20+$0xA850];
	(erf) = vpow2.f32 v8;
	v3 =	vadd.f32 v6, v3;
	v6 =	vpop (erf)  }
0xc5: {  	v9 =	vld [tilespmem:s20+$0xA810];
	v4 =	vadd.f32 v16, v4;
	(erf) = vpow2.f32 v19;
	v6 =	vadd.f32 v6, v10;
	v8 =	vpop (erf)  }
0xc6: {  	s28 =	simm.s32 $0x300;
	v7 =	vld [tilespmem:s20+$0xA800];
	v16 =	vmul.f32 $1.442695020e+00, v18;
	(erf) = vpow2.f32 v63;
	v18 =	vpop (erf);
	v12 =	vadd.f32 v8, v10  }
0xc7: {  	s30 =	simm.s32 $0x1000;
	v8 =	vld [tilespmem:s28+$0xA860];
	(erf) = vpow2.f32 v17;
	v10 =	vpop (erf);
	v6 =	vadd.f32 v18, v6  }
.LBB2_5:
0xc8: {  	p1 =	sne.s32 s30, $0xFC00;
	v17 =	vld [tilespmem:s28+$0xA870];
	v15 =	vmul.f32 $1.442695020e+00, v15;
	(erf) = vpow2.f32 v14;
	v18 =	vpop (erf);
	v12 =	vadd.f32 v5, v12;
	s6 =	smov.u32 s30;
	s30 =	sadd.s32 $0x400, s30  }
0xc9: {  	v19 =	vld [tilespmem:s28+$0xA830];
	v14 =	vmul.f32 $1.442695020e+00, v13;
	(erf) = vpow2.f32 v16;
	v13 =	vpop (erf)  }
0xca: {  	v20 =	vmul.f32 $1.442695020e+00, v9;
	v4 =	vadd.f32 v10, v4;
	v16 =	vld [tilespmem:s28+$0xA820];
	v3 =	vadd.f32 v13, v3  }
0xcb: {  	v21 =	vmul.f32 $1.442695020e+00, v7;
	v7 =	vld [tilespmem:s28+$0xA800];
	(erf) = vpow2.f32 v15;
	v13 =	vpop (erf)  }
.Ltmp1:
0xcc: {  	v22 =	vmul.f32 $1.442695020e+00, v11;
	v9 =	vld [tilespmem:s28+$0xA810];
	(erf) = vpow2.f32 v14;
	v3 =	vadd.f32 v13, v3;
	v5 =	vpop (erf);
	(pc) =	sbr.rel @p1 .LBB2_5-.Ltmp1, $4  }
0xcd: {  	v4 =	vadd.f32 v18, v4;
	v13 =	vld [tilespmem:s28+$0xA840];
	v14 =	vmul.f32 $1.442695020e+00, v17;
	(erf) = vpow2.f32 v20;
	v17 =	vpop (erf)  }
0xce: {  	v18 =	vmul.f32 $1.442695020e+00, v19;
	v11 =	vld [tilespmem:s28+$0xA850];
	(erf) = vpow2.f32 v21;
	v6 =	vadd.f32 v17, v6;
	v10 =	vpop (erf)  }
0xcf: {  	s28 =	sshra.s32 s6, $0x2;
	v16 =	vmul.f32 $1.442695020e+00, v16;
	(erf) = vpow2.f32 v22;
	v12 =	vadd.f32 v10, v12;
	v15 =	vpop (erf)  }
0xd0: {  	(erf) = vpow2.f32 v18;
	v10 =	vpop (erf);
	v6 =	vadd.f32 v15, v6;
	v15 =	vmov v8;
	v8 =	vld [tilespmem:s28+$0xA860]  }
0xd1: {  	v15 =	vmul.f32 $1.442695020e+00, v15;
	(erf) = vpow2.f32 v14;
	v39 =	vld [tilespmem:s28+$0xA830]  }
0xd2: {  	v17 =	vld [tilespmem:s28+$0xA870];
	v18 =	vpop (erf);
	v13 =	vmul.f32 $1.442695020e+00, v13;
	(erf) = vpow2.f32 v16  }
0xd3: {  	v19 =	vld [tilespmem:s28+$0xA820];
	v9 =	vmul.f32 $1.442695020e+00, v9;
	v40 =	vpop (erf);
	(erf) = vpow2.f32 v15  }
0xd4: {  	v7 =	vmul.f32 $1.442695020e+00, v7;
	v41 =	vpop (erf);
	(erf) = vpow2.f32 v13  }
0xd5: {  	v20 =	vld [tilespmem:s28+$0xA840];
	v11 =	vmul.f32 $1.442695020e+00, v11;
	v42 =	vpop (erf);
	(erf) = vpow2.f32 v9  }
0xd6: {  	v43 =	vld [tilespmem:s28+$0xA810];
	v21 =	vpop (erf);
	v14 =	vmul.f32 $1.442695020e+00, v39;
	(erf) = vpow2.f32 v7  }
0xd7: {  	v44 =	vld [tilespmem:s28+$0xA800];
	v17 =	vmul.f32 $1.442695020e+00, v17;
	v22 =	vpop (erf);
	(erf) = vpow2.f32 v11  }
0xd8: {  	v45 =	vmul.f32 $1.442695020e+00, v19;
	v46 =	vpop (erf);
	(erf) = vpow2.f32 v14  }
0xd9: {  	v47 =	vld [tilespmem:s28+$0xA850];
	v8 =	vmul.f32 $1.442695020e+00, v8;
	v23 =	vpop (erf);
	(erf) = vpow2.f32 v17  }
0xda: {  	v20 =	vmul.f32 $1.442695020e+00, v20;
	v48 =	vpop (erf);
	(erf) = vpow2.f32 v45  }
0xdb: {  	v9 =	vmul.f32 $1.442695020e+00, v43;
	v49 =	vpop (erf);
	(erf) = vpow2.f32 v8  }
0xdc: {  	v7 =	vmul.f32 $1.442695020e+00, v44;
	v50 =	vpop (erf);
	(erf) = vpow2.f32 v20  }
0xdd: {  	v51 =	vpop (erf);
	(erf) = vpow2.f32 v9  }
0xde: {  	v5 =	vadd.f32 v5, v12;
	v53 =	vmul.f32 $1.442695020e+00, v47;
	v52 =	vpop (erf);
	(erf) = vpow2.f32 v7  }
0xdf: {  	v4 =	vadd.f32 v10, v4;
	v3 =	vadd.f32 v40, v3;
	v54 =	vpop (erf)  }
0xe0: {  	v6 =	vadd.f32 v21, v6;
	v5 =	vadd.f32 v22, v5;
	(erf) = vpow2.f32 v53;
	v55 =	vpop (erf)  }
0xe1: {  	v4 =	vadd.f32 v18, v4;
	v3 =	vadd.f32 v41, v3;
	v56 =	vpop (erf)  }
0xe2: {  	v6 =	vadd.f32 v46, v6;
	v5 =	vadd.f32 v42, v5;
	v57 =	vpop (erf)  }
0xe3: {  	v4 =	vadd.f32 v23, v4;
	v3 =	vadd.f32 v49, v3;
	v58 =	vpop (erf)  }
0xe4: {  	v6 =	vadd.f32 v52, v6;
	v5 =	vadd.f32 v54, v5;
	v59 =	vpop (erf)  }
0xe5: {  	v4 =	vadd.f32 v48, v4;
	v3 =	vadd.f32 v50, v3;
	v60 =	vpop (erf)  }
0xe6: {  	v6 =	vadd.f32 v55, v6;
	v5 =	vadd.f32 v51, v5;
	v61 =	vpop (erf)  }
0xe7: {  	v4 =	vadd.f32 v56, v4;
	v3 =	vadd.f32 v58, v3;
	v62 =	vpop (erf)  }
0xe8: {  	v6 =	vadd.f32 v61, v6;
	v5 =	vadd.f32 v62, v5  }
0xe9: {  	v4 =	vadd.f32 v57, v4;
	v3 =	vadd.f32 v59, v3;
	v63 =	vpop (erf)  }
0xea: {  	v6 =	vadd.f32 v63, v6;
	v5 =	vadd.f32 v60, v5;
	_ =	sdelay $0x1  }
0xeb: {  	s28 =	sshll.u32 s23, $0x3;
	v3 =	vadd.f32 v4, v3;
	v5 =	vadd.f32 v6, v5  }
0xec: {  	s6 =	sadd.s32 s5, s28  }
0xed: {  	s6 =	sshll.u32 s6, $0xA;
	v3 =	vadd.f32 v3, v5  }
0xee: {  	s7 =	simm.s32 $0xA780;
	s30 =	sadd.s32 s3, s6  }
0xef: {  	s18 =	simm.s32 $0x10;
	s19 =	simm.s32 $0xA880;
	s20 =	sadd.s32 $0x0, s30;
	[tilespmem:s24+$0x1A790] =	vst v3  }
.LBB2_7:
0xf0: {  	[hbm4b:s20+s4] =	stream.linear.scatter [tilespmem:s7], [sflag:$0x5], $0x80, $0x38;
	[tilespmem:$0x1CF80] =	vst v63  }
0xf1: {  	s20 =	smov.u32 s18;
	s7 =	smov.u32 s19;
	p1 =	sne.s32 s18, $0x3F0  }
.Ltmp2:
0xf2: {  	s18 =	sadd.s32 $0x10, s18;
	(pc) =	sbr.rel @p1 .LBB2_7-.Ltmp2, $2  }
0xf3: {  	_ =	sdelay $0x2  }
0xf4: {  	s19 =	sadd.s32 $0x100, s19;
	s20 =	sadd.s32 s20, s30  }
0xf5: {  	[hbm4b:s20+s4] =	stream.linear.scatter [tilespmem:s7], [sflag:$0x5], $0x80, $0x38;
	[tilespmem:$0x1CF80] =	vst v63  }
0xf6: {  	s6 =	sadd.s32 s6, s16;
	s7 =	simm.s32 $0xA800  }
0xf7: {  	s18 =	simm.s32 $0x10;
	s19 =	simm.s32 $0xA900;
	s20 =	sadd.s32 $0x0, s6  }
.LBB2_9:
0xf8: {  	[hbm4b:s20+s4] =	stream.linear.scatter [tilespmem:s7], [sflag:$0x5], $0x80, $0x38;
	[tilespmem:$0x1CF80] =	vst v63  }
0xf9: {  	s20 =	smov.u32 s18;
	s7 =	smov.u32 s19;
	p1 =	sne.s32 s18, $0x3F0  }
.Ltmp3:
0xfa: {  	s18 =	sadd.s32 $0x10, s18;
	(pc) =	sbr.rel @p1 .LBB2_9-.Ltmp3, $2  }
0xfb: {  	_ =	sdelay $0x2  }
0xfc: {  	s19 =	sadd.s32 $0x100, s19;
	s20 =	sadd.s32 s20, s6  }
0xfd: {  	[hbm4b:s20+s4] =	stream.linear.scatter [tilespmem:s7], [sflag:$0x5], $0x80, $0x38;
	[tilespmem:$0x1CF80] =	vst v63  }
0xfe: {  	s6 =	simm.s32 @!p0 $0x8  }
0xff: {  	_ =	swait.ge @!p0 [sflag:s6], $0x2000  }
0x100: {  	[sflag:s6] =	ssyncset.done @!p0 $0x0  }
0x101: {  	[sflag:s6] =	ssyncadd.s32 @!p0 $0xFFFFE000  }
0x102: {  	s25 =	sor.u32 $0x3, s25;
	_ =	swait.ge @!p0 [sflag:s6], $0x2000  }
0x103: {  	s20 =	sshll.u32 s25, $0x7;
	[sflag:s6] =	ssyncset.done @!p0 $0x0  }
0x104: {  	s7 =	sand.u32 $0x3FFFFF80, s20;
	[sflag:s6] =	ssyncadd.s32 @!p0 $0xFFFFE000  }
0x105: {  	v3 =	vld.msk [tilespmem:s7+$0x0], $0x3;
	_ =	sdelay $0x4  }
0x106: {  	v4 =	vshll.u32 v3, $0x6  }
0x107: {  	v3 =	vand.u32 $0x7, v3;
	v4 =	vand.u32 $0xFFFFFE00, v4  }
0x108: {  	v3 =	vor.u32 v3, v4  }
0x109: {  	v3 =	vperm.xlane v3, v0;
	_ =	sdelay $0x1  }
0x10a: {  	v3 =	vadd.s32 v1, v3;
	_ =	sdelay $0x3  }
0x10b: {  	s18 =	simm.s32 $0x16780;
	s6 =	simm.s32 $0x0  }
0x10c: {  	[tilespmem:s18], [sflag:$0x4] =	stream.indirect_vreg.gather [hbm4b:s2+s6], $0x80, v3, vm0, $0xb8;
	[tilespmem:$0x1CF80] =	vst v63  }
0x10d: {  	s19 =	simm.s32 $0x16F80  }
0x10e: {  	[tilespmem:s19], [sflag:$0x4] =	stream.indirect_vreg.gather [hbm4b:s8+s6], $0x80, v3, vm0, $0xb8;
	[tilespmem:$0x1CF80] =	vst v63  }
0x10f: {  	s20 =	simm.s32 $0x17780  }
0x110: {  	[tilespmem:s20], [sflag:$0x4] =	stream.indirect_vreg.gather [hbm4b:s9+s6], $0x80, v3, vm0, $0xb8;
	[tilespmem:$0x1CF80] =	vst v63  }
0x111: {  	s18 =	simm.s32 $0x17F80  }
0x112: {  	[tilespmem:s18], [sflag:$0x4] =	stream.indirect_vreg.gather [hbm4b:s10+s6], $0x80, v3, vm0, $0xb8;
	[tilespmem:$0x1CF80] =	vst v63  }
0x113: {  	s19 =	simm.s32 $0x18780  }
0x114: {  	[tilespmem:s19], [sflag:$0x4] =	stream.indirect_vreg.gather [hbm4b:s11+s6], $0x80, v3, vm0, $0xb8;
	[tilespmem:$0x1CF80] =	vst v63  }
0x115: {  	s20 =	simm.s32 $0x18F80  }
0x116: {  	[tilespmem:s20], [sflag:$0x4] =	stream.indirect_vreg.gather [hbm4b:s12+s6], $0x80, v3, vm0, $0xb8;
	[tilespmem:$0x1CF80] =	vst v63  }
0x117: {  	_ = 	snop  }
0x118: {  	[tilespmem:s21], [sflag:$0x4] =	stream.indirect_vreg.gather [hbm4b:s14+s6], $0x80, v3, vm0, $0xb8;
	[tilespmem:$0x1CF80] =	vst v63  }
0x119: {  	_ = 	snop  }
0x11a: {  	[tilespmem:s22], [sflag:$0x4] =	stream.indirect_vreg.gather [hbm4b:s15+s6], $0x80, v3, vm0, $0xb8;
	[tilespmem:$0x1CF80] =	vst v63  }
0x11b: {  	_ =	swait.ge [sflag:s31], $0x4000  }
0x11c: {  	[sflag:s31] =	ssyncset.done $0x0  }
0x11d: {  	s18 =	simm.s32 $0x0;
	[sflag:s31] =	ssyncadd.s32 $0xFFFFC000  }
0x11e: {  	v3 =	vld [tilespmem:s18+$0xE7B0]  }
0x11f: {  	v4 =	vld [tilespmem:s18+$0xE7F0]  }
0x120: {  	v5 =	vld [tilespmem:s18+$0xE7A0]  }
0x121: {  	v6 =	vld [tilespmem:s18+$0xE7E0]  }
0x122: {  	v7 =	vld [tilespmem:s18+$0xE7C0]  }
0x123: {  	v8 =	vld [tilespmem:s18+$0xE790];
	v3 =	vmul.f32 $1.442695020e+00, v3  }
0x124: {  	v9 =	vld [tilespmem:s18+$0xE780];
	v4 =	vmul.f32 $1.442695020e+00, v4  }
0x125: {  	s19 =	simm.s32 $0x100;
	v10 =	vld [tilespmem:s18+$0xE7D0];
	v5 =	vmul.f32 $1.442695020e+00, v5;
	(erf) = vpow2.f32 v3  }
0x126: {  	v3 =	vmul.f32 $1.442695020e+00, v6;
	(erf) = vpow2.f32 v4;
	v4 =	vld [tilespmem:s19+$0xE7B0]  }
0x127: {  	v7 =	vmul.f32 $1.442695020e+00, v7;
	(erf) = vpow2.f32 v5;
	v5 =	vld [tilespmem:s19+$0xE7F0]  }
0x128: {  	v8 =	vmul.f32 $1.442695020e+00, v8;
	(erf) = vpow2.f32 v3;
	v3 =	vld [tilespmem:s19+$0xE7A0]  }
0x129: {  	v9 =	vmul.f32 $1.442695020e+00, v9;
	v6 =	vld [tilespmem:s19+$0xE7E0];
	(erf) = vpow2.f32 v7  }
0x12a: {  	v7 =	vmul.f32 $1.442695020e+00, v10;
	v10 =	vld [tilespmem:s19+$0xE7C0];
	(erf) = vpow2.f32 v8  }
0x12b: {  	v11 =	vld [tilespmem:s19+$0xE7D0];
	v4 =	vmul.f32 $1.442695020e+00, v4;
	(erf) = vpow2.f32 v9  }
0x12c: {  	s20 =	simm.s32 $0x200;
	v8 =	vld [tilespmem:s19+$0xE790];
	(erf) = vpow2.f32 v7  }
0x12d: {  	v12 =	vld [tilespmem:s20+$0xE7F0];
	v5 =	vmul.f32 $1.442695020e+00, v5;
	v3 =	vmul.f32 $1.442695020e+00, v3  }
0x12e: {  	v6 =	vmul.f32 $1.442695020e+00, v6;
	v9 =	vld [tilespmem:s19+$0xE780];
	(erf) = vpow2.f32 v4  }
0x12f: {  	v17 =	vld [tilespmem:s20+$0xE7B0];
	v4 =	vpop (erf);
	(erf) = vpow2.f32 v5;
	v5 =	vmul.f32 $1.442695020e+00, v10  }
0x130: {  	v16 =	vpop (erf);
	(erf) = vpow2.f32 v3  }
0x131: {  	v18 =	vld [tilespmem:s20+$0xE7A0];
	v20 =	vmul.f32 $1.442695020e+00, v11;
	v10 =	vimm.f32 $0.0e+00;
	v8 =	vmul.f32 $1.442695020e+00, v8;
	v3 =	vpop (erf)  }
0x132: {  	v15 =	vld [tilespmem:s20+$0xE7E0];
	v14 =	vmul.f32 $1.442695020e+00, v12;
	(erf) = vpow2.f32 v6;
	v3 =	vadd.f32 v3, v10;
	v6 =	vpop (erf)  }
0x133: {  	v13 =	vld [tilespmem:s20+$0xE7C0];
	v19 =	vmul.f32 $1.442695020e+00, v9;
	v4 =	vadd.f32 v4, v10;
	(erf) = vpow2.f32 v5;
	v5 =	vpop (erf)  }
0x134: {  	v17 =	vmul.f32 $1.442695020e+00, v17;
	v11 =	vld [tilespmem:s20+$0xE7D0];
	(erf) = vpow2.f32 v8;
	v3 =	vadd.f32 v6, v3;
	v6 =	vpop (erf)  }
0x135: {  	v9 =	vld [tilespmem:s20+$0xE790];
	v4 =	vadd.f32 v16, v4;
	(erf) = vpow2.f32 v19;
	v6 =	vadd.f32 v6, v10;
	v8 =	vpop (erf)  }
0x136: {  	s30 =	simm.s32 $0x300;
	v7 =	vld [tilespmem:s20+$0xE780];
	v16 =	vmul.f32 $1.442695020e+00, v18;
	(erf) = vpow2.f32 v20;
	v18 =	vpop (erf);
	v12 =	vadd.f32 v8, v10  }
0x137: {  	s6 =	simm.s32 $0x1000;
	v8 =	vld [tilespmem:s30+$0xE7E0];
	(erf) = vpow2.f32 v17;
	v10 =	vpop (erf);
	v6 =	vadd.f32 v18, v6  }
.LBB2_11:
0x138: {  	p0 =	sne.s32 s6, $0xFC00;
	v17 =	vld [tilespmem:s30+$0xE7F0];
	v15 =	vmul.f32 $1.442695020e+00, v15;
	(erf) = vpow2.f32 v14;
	v18 =	vpop (erf);
	v12 =	vadd.f32 v5, v12;
	s7 =	smov.u32 s6;
	s6 =	sadd.s32 $0x400, s6  }
0x139: {  	v19 =	vld [tilespmem:s30+$0xE7B0];
	v14 =	vmul.f32 $1.442695020e+00, v13;
	(erf) = vpow2.f32 v16;
	v13 =	vpop (erf)  }
0x13a: {  	v20 =	vmul.f32 $1.442695020e+00, v9;
	v4 =	vadd.f32 v10, v4;
	v16 =	vld [tilespmem:s30+$0xE7A0];
	v3 =	vadd.f32 v13, v3  }
0x13b: {  	v21 =	vmul.f32 $1.442695020e+00, v7;
	v7 =	vld [tilespmem:s30+$0xE780];
	(erf) = vpow2.f32 v15;
	v13 =	vpop (erf)  }
.Ltmp4:
0x13c: {  	v22 =	vmul.f32 $1.442695020e+00, v11;
	v9 =	vld [tilespmem:s30+$0xE790];
	(erf) = vpow2.f32 v14;
	v3 =	vadd.f32 v13, v3;
	v5 =	vpop (erf);
	(pc) =	sbr.rel @p0 .LBB2_11-.Ltmp4, $4  }
0x13d: {  	v4 =	vadd.f32 v18, v4;
	v13 =	vld [tilespmem:s30+$0xE7C0];
	v14 =	vmul.f32 $1.442695020e+00, v17;
	(erf) = vpow2.f32 v20;
	v17 =	vpop (erf)  }
0x13e: {  	v18 =	vmul.f32 $1.442695020e+00, v19;
	v11 =	vld [tilespmem:s30+$0xE7D0];
	(erf) = vpow2.f32 v21;
	v6 =	vadd.f32 v17, v6;
	v10 =	vpop (erf)  }
0x13f: {  	s30 =	sshra.s32 s7, $0x2;
	v16 =	vmul.f32 $1.442695020e+00, v16;
	(erf) = vpow2.f32 v22;
	v12 =	vadd.f32 v10, v12;
	v15 =	vpop (erf)  }
0x140: {  	(erf) = vpow2.f32 v18;
	v10 =	vpop (erf);
	v6 =	vadd.f32 v15, v6;
	v15 =	vmov v8;
	v8 =	vld [tilespmem:s30+$0xE7E0]  }
0x141: {  	v15 =	vmul.f32 $1.442695020e+00, v15;
	(erf) = vpow2.f32 v14;
	v14 =	vld [tilespmem:s30+$0xE7B0]  }
0x142: {  	v17 =	vld [tilespmem:s30+$0xE7F0];
	v13 =	vmul.f32 $1.442695020e+00, v13  }
0x143: {  	v18 =	vpop (erf);
	v19 =	vld [tilespmem:s30+$0xE7A0];
	v9 =	vmul.f32 $1.442695020e+00, v9;
	(erf) = vpow2.f32 v16  }
0x144: {  	v7 =	vmul.f32 $1.442695020e+00, v7;
	v16 =	vpop (erf);
	(erf) = vpow2.f32 v15  }
0x145: {  	v20 =	vld [tilespmem:s30+$0xE7C0];
	v11 =	vmul.f32 $1.442695020e+00, v11;
	v15 =	vpop (erf);
	(erf) = vpow2.f32 v13  }
0x146: {  	v13 =	vpop (erf);
	(erf) = vpow2.f32 v9;
	v9 =	vld [tilespmem:s30+$0xE790];
	v14 =	vmul.f32 $1.442695020e+00, v14  }
0x147: {  	v17 =	vmul.f32 $1.442695020e+00, v17;
	v21 =	vpop (erf);
	(erf) = vpow2.f32 v7  }
0x148: {  	v7 =	vld [tilespmem:s30+$0xE780];
	v22 =	vpop (erf);
	(erf) = vpow2.f32 v11;
	v11 =	vmul.f32 $1.442695020e+00, v19  }
0x149: {  	v8 =	vmul.f32 $1.442695020e+00, v8;
	v19 =	vpop (erf);
	(erf) = vpow2.f32 v14  }
0x14a: {  	v20 =	vmul.f32 $1.442695020e+00, v20;
	v14 =	vld [tilespmem:s30+$0xE7D0];
	v23 =	vpop (erf);
	(erf) = vpow2.f32 v17  }
0x14b: {  	v17 =	vpop (erf);
	(erf) = vpow2.f32 v11;
	v9 =	vmul.f32 $1.442695020e+00, v9  }
0x14c: {  	v11 =	vpop (erf);
	(erf) = vpow2.f32 v8  }
0x14d: {  	v7 =	vmul.f32 $1.442695020e+00, v7;
	v8 =	vpop (erf);
	(erf) = vpow2.f32 v20  }
0x14e: {  	v62 =	vpop (erf);
	(erf) = vpow2.f32 v9  }
0x14f: {  	v9 =	vpop (erf);
	(erf) = vpow2.f32 v7;
	v7 =	vmul.f32 $1.442695020e+00, v14;
	_ =	sdelay $0x1  }
0x150: {  	v5 =	vadd.f32 v5, v12  }
0x151: {  	v4 =	vadd.f32 v10, v4;
	v3 =	vadd.f32 v16, v3;
	v10 =	vpop (erf)  }
0x152: {  	v6 =	vadd.f32 v21, v6;
	v5 =	vadd.f32 v22, v5;
	(erf) = vpow2.f32 v7;
	v7 =	vpop (erf)  }
0x153: {  	v4 =	vadd.f32 v18, v4;
	v3 =	vadd.f32 v15, v3;
	v12 =	vpop (erf)  }
0x154: {  	v6 =	vadd.f32 v19, v6;
	v5 =	vadd.f32 v13, v5;
	v13 =	vpop (erf)  }
0x155: {  	v4 =	vadd.f32 v23, v4;
	v3 =	vadd.f32 v11, v3;
	v11 =	vpop (erf)  }
0x156: {  	v6 =	vadd.f32 v9, v6;
	v5 =	vadd.f32 v10, v5;
	v9 =	vpop (erf)  }
0x157: {  	v4 =	vadd.f32 v17, v4;
	v3 =	vadd.f32 v8, v3;
	v8 =	vpop (erf)  }
0x158: {  	v5 =	vadd.f32 v62, v5;
	v6 =	vadd.f32 v7, v6;
	v7 =	vpop (erf)  }
0x159: {  	v4 =	vadd.f32 v12, v4;
	v3 =	vadd.f32 v11, v3;
	v10 =	vpop (erf)  }
0x15a: {  	v6 =	vadd.f32 v7, v6;
	v5 =	vadd.f32 v10, v5  }
0x15b: {  	v4 =	vadd.f32 v13, v4;
	v3 =	vadd.f32 v9, v3;
	v7 =	vpop (erf)  }
0x15c: {  	v6 =	vadd.f32 v7, v6;
	v5 =	vadd.f32 v8, v5;
	_ =	sdelay $0x1  }
0x15d: {  	v3 =	vadd.f32 v4, v3;
	v5 =	vadd.f32 v6, v5;
	_ =	sdelay $0x1  }
0x15e: {  	v3 =	vadd.f32 v3, v5;
	_ =	sdelay $0x1  }
0x15f: {  	s6 =	simm.s32 $0x0;
	[tilespmem:s24+$0x1A7A0] =	vst v3  }
0x160: {  	v3 =	vld [tilespmem:s6+$0xE830]  }
0x161: {  	v4 =	vld [tilespmem:s6+$0xE870]  }
0x162: {  	v5 =	vld [tilespmem:s6+$0xE820]  }
0x163: {  	v6 =	vld [tilespmem:s6+$0xE860]  }
0x164: {  	v7 =	vld [tilespmem:s6+$0xE840]  }
0x165: {  	v8 =	vld [tilespmem:s6+$0xE810];
	v3 =	vmul.f32 $1.442695020e+00, v3  }
0x166: {  	v9 =	vld [tilespmem:s6+$0xE800];
	v4 =	vmul.f32 $1.442695020e+00, v4  }
0x167: {  	s19 =	simm.s32 $0x100;
	v10 =	vld [tilespmem:s6+$0xE850];
	v5 =	vmul.f32 $1.442695020e+00, v5;
	(erf) = vpow2.f32 v3  }
0x168: {  	v3 =	vmul.f32 $1.442695020e+00, v6;
	(erf) = vpow2.f32 v4;
	v4 =	vld [tilespmem:s19+$0xE830]  }
0x169: {  	v7 =	vmul.f32 $1.442695020e+00, v7;
	(erf) = vpow2.f32 v5;
	v5 =	vld [tilespmem:s19+$0xE870]  }
0x16a: {  	v8 =	vmul.f32 $1.442695020e+00, v8;
	(erf) = vpow2.f32 v3;
	v3 =	vld [tilespmem:s19+$0xE820]  }
0x16b: {  	v9 =	vmul.f32 $1.442695020e+00, v9;
	v6 =	vld [tilespmem:s19+$0xE860];
	(erf) = vpow2.f32 v7  }
0x16c: {  	v7 =	vmul.f32 $1.442695020e+00, v10;
	v10 =	vld [tilespmem:s19+$0xE840];
	(erf) = vpow2.f32 v8  }
0x16d: {  	v11 =	vld [tilespmem:s19+$0xE850];
	v4 =	vmul.f32 $1.442695020e+00, v4;
	(erf) = vpow2.f32 v9  }
0x16e: {  	s20 =	simm.s32 $0x200;
	v8 =	vld [tilespmem:s19+$0xE810];
	(erf) = vpow2.f32 v7  }
0x16f: {  	v12 =	vld [tilespmem:s20+$0xE870];
	v5 =	vmul.f32 $1.442695020e+00, v5;
	v3 =	vmul.f32 $1.442695020e+00, v3  }
0x170: {  	v6 =	vmul.f32 $1.442695020e+00, v6;
	v9 =	vld [tilespmem:s19+$0xE800];
	(erf) = vpow2.f32 v4  }
0x171: {  	v17 =	vld [tilespmem:s20+$0xE830];
	(erf) = vpow2.f32 v5;
	v5 =	vmul.f32 $1.442695020e+00, v10;
	v4 =	vpop (erf)  }
0x172: {  	(erf) = vpow2.f32 v3;
	v16 =	vpop (erf)  }
0x173: {  	v18 =	vld [tilespmem:s20+$0xE820];
	v63 =	vmul.f32 $1.442695020e+00, v11;
	v10 =	vimm.f32 $0.0e+00;
	v8 =	vmul.f32 $1.442695020e+00, v8;
	v3 =	vpop (erf)  }
0x174: {  	v15 =	vld [tilespmem:s20+$0xE860];
	v14 =	vmul.f32 $1.442695020e+00, v12;
	(erf) = vpow2.f32 v6;
	v3 =	vadd.f32 v3, v10;
	v6 =	vpop (erf)  }
0x175: {  	v13 =	vld [tilespmem:s20+$0xE840];
	v19 =	vmul.f32 $1.442695020e+00, v9;
	v4 =	vadd.f32 v4, v10;
	(erf) = vpow2.f32 v5;
	v5 =	vpop (erf)  }
0x176: {  	v17 =	vmul.f32 $1.442695020e+00, v17;
	v11 =	vld [tilespmem:s20+$0xE850];
	(erf) = vpow2.f32 v8;
	v3 =	vadd.f32 v6, v3;
	v6 =	vpop (erf)  }
0x177: {  	v9 =	vld [tilespmem:s20+$0xE810];
	v4 =	vadd.f32 v16, v4;
	(erf) = vpow2.f32 v19;
	v6 =	vadd.f32 v6, v10;
	v8 =	vpop (erf)  }
0x178: {  	s30 =	simm.s32 $0x300;
	v7 =	vld [tilespmem:s20+$0xE800];
	v16 =	vmul.f32 $1.442695020e+00, v18;
	(erf) = vpow2.f32 v63;
	v18 =	vpop (erf);
	v12 =	vadd.f32 v8, v10  }
0x179: {  	s6 =	simm.s32 $0x1000;
	v8 =	vld [tilespmem:s30+$0xE860];
	(erf) = vpow2.f32 v17;
	v10 =	vpop (erf);
	v6 =	vadd.f32 v18, v6  }
.LBB2_13:
0x17a: {  	p0 =	sne.s32 s6, $0xFC00;
	v17 =	vld [tilespmem:s30+$0xE870];
	v15 =	vmul.f32 $1.442695020e+00, v15;
	(erf) = vpow2.f32 v14;
	v18 =	vpop (erf);
	v12 =	vadd.f32 v5, v12;
	s7 =	smov.u32 s6;
	s6 =	sadd.s32 $0x400, s6  }
0x17b: {  	v19 =	vld [tilespmem:s30+$0xE830];
	v14 =	vmul.f32 $1.442695020e+00, v13;
	(erf) = vpow2.f32 v16;
	v13 =	vpop (erf)  }
0x17c: {  	v20 =	vmul.f32 $1.442695020e+00, v9;
	v4 =	vadd.f32 v10, v4;
	v16 =	vld [tilespmem:s30+$0xE820];
	v3 =	vadd.f32 v13, v3  }
0x17d: {  	v21 =	vmul.f32 $1.442695020e+00, v7;
	v7 =	vld [tilespmem:s30+$0xE800];
	(erf) = vpow2.f32 v15;
	v13 =	vpop (erf)  }
.Ltmp5:
0x17e: {  	v22 =	vmul.f32 $1.442695020e+00, v11;
	v9 =	vld [tilespmem:s30+$0xE810];
	(erf) = vpow2.f32 v14;
	v3 =	vadd.f32 v13, v3;
	v5 =	vpop (erf);
	(pc) =	sbr.rel @p0 .LBB2_13-.Ltmp5, $4  }
0x17f: {  	v4 =	vadd.f32 v18, v4;
	v13 =	vld [tilespmem:s30+$0xE840];
	v14 =	vmul.f32 $1.442695020e+00, v17;
	(erf) = vpow2.f32 v20;
	v17 =	vpop (erf)  }
0x180: {  	v18 =	vmul.f32 $1.442695020e+00, v19;
	v11 =	vld [tilespmem:s30+$0xE850];
	(erf) = vpow2.f32 v21;
	v6 =	vadd.f32 v17, v6;
	v10 =	vpop (erf)  }
0x181: {  	s30 =	sshra.s32 s7, $0x2;
	v16 =	vmul.f32 $1.442695020e+00, v16;
	(erf) = vpow2.f32 v22;
	v12 =	vadd.f32 v10, v12;
	v15 =	vpop (erf)  }
0x182: {  	(erf) = vpow2.f32 v18;
	v10 =	vpop (erf);
	v6 =	vadd.f32 v15, v6;
	v15 =	vmov v8;
	v8 =	vld [tilespmem:s30+$0xE860]  }
0x183: {  	v15 =	vmul.f32 $1.442695020e+00, v15;
	(erf) = vpow2.f32 v14;
	v39 =	vld [tilespmem:s30+$0xE830]  }
0x184: {  	v17 =	vld [tilespmem:s30+$0xE870];
	v18 =	vpop (erf);
	v13 =	vmul.f32 $1.442695020e+00, v13;
	(erf) = vpow2.f32 v16  }
0x185: {  	v19 =	vld [tilespmem:s30+$0xE820];
	v9 =	vmul.f32 $1.442695020e+00, v9;
	v40 =	vpop (erf);
	(erf) = vpow2.f32 v15  }
0x186: {  	v7 =	vmul.f32 $1.442695020e+00, v7;
	v41 =	vpop (erf);
	(erf) = vpow2.f32 v13  }
0x187: {  	v20 =	vld [tilespmem:s30+$0xE840];
	v11 =	vmul.f32 $1.442695020e+00, v11;
	v42 =	vpop (erf);
	(erf) = vpow2.f32 v9  }
0x188: {  	v43 =	vld [tilespmem:s30+$0xE810];
	v21 =	vpop (erf);
	v14 =	vmul.f32 $1.442695020e+00, v39;
	(erf) = vpow2.f32 v7  }
0x189: {  	v44 =	vld [tilespmem:s30+$0xE800];
	v17 =	vmul.f32 $1.442695020e+00, v17;
	v22 =	vpop (erf);
	(erf) = vpow2.f32 v11  }
0x18a: {  	v45 =	vmul.f32 $1.442695020e+00, v19;
	v46 =	vpop (erf);
	(erf) = vpow2.f32 v14  }
0x18b: {  	v47 =	vld [tilespmem:s30+$0xE850];
	v8 =	vmul.f32 $1.442695020e+00, v8;
	v23 =	vpop (erf);
	(erf) = vpow2.f32 v17  }
0x18c: {  	v20 =	vmul.f32 $1.442695020e+00, v20;
	v48 =	vpop (erf);
	(erf) = vpow2.f32 v45  }
0x18d: {  	v9 =	vmul.f32 $1.442695020e+00, v43;
	v49 =	vpop (erf);
	(erf) = vpow2.f32 v8  }
0x18e: {  	v7 =	vmul.f32 $1.442695020e+00, v44;
	v50 =	vpop (erf);
	(erf) = vpow2.f32 v20  }
0x18f: {  	v51 =	vpop (erf);
	(erf) = vpow2.f32 v9  }
0x190: {  	v5 =	vadd.f32 v5, v12;
	v53 =	vmul.f32 $1.442695020e+00, v47;
	v52 =	vpop (erf);
	(erf) = vpow2.f32 v7  }
0x191: {  	v4 =	vadd.f32 v10, v4;
	v3 =	vadd.f32 v40, v3;
	v54 =	vpop (erf)  }
0x192: {  	v6 =	vadd.f32 v21, v6;
	v5 =	vadd.f32 v22, v5;
	(erf) = vpow2.f32 v53;
	v55 =	vpop (erf)  }
0x193: {  	v4 =	vadd.f32 v18, v4;
	v3 =	vadd.f32 v41, v3;
	v56 =	vpop (erf)  }
0x194: {  	v6 =	vadd.f32 v46, v6;
	v5 =	vadd.f32 v42, v5;
	v57 =	vpop (erf)  }
0x195: {  	v4 =	vadd.f32 v23, v4;
	v3 =	vadd.f32 v49, v3;
	v58 =	vpop (erf)  }
0x196: {  	v6 =	vadd.f32 v52, v6;
	v5 =	vadd.f32 v54, v5;
	v59 =	vpop (erf)  }
0x197: {  	v4 =	vadd.f32 v48, v4;
	v3 =	vadd.f32 v50, v3;
	v60 =	vpop (erf)  }
0x198: {  	v6 =	vadd.f32 v55, v6;
	v5 =	vadd.f32 v51, v5;
	v61 =	vpop (erf)  }
0x199: {  	v4 =	vadd.f32 v56, v4;
	v3 =	vadd.f32 v58, v3;
	v62 =	vpop (erf)  }
0x19a: {  	v6 =	vadd.f32 v61, v6;
	v5 =	vadd.f32 v62, v5  }
0x19b: {  	v4 =	vadd.f32 v57, v4;
	v3 =	vadd.f32 v59, v3;
	v63 =	vpop (erf)  }
0x19c: {  	v6 =	vadd.f32 v63, v6;
	v5 =	vadd.f32 v60, v5;
	_ =	sdelay $0x1  }
0x19d: {  	s6 =	sadd.s32 s28, s17;
	v3 =	vadd.f32 v4, v3;
	v5 =	vadd.f32 v6, v5  }
0x19e: {  	s6 =	sshll.u32 s6, $0xA  }
0x19f: {  	s6 =	sand.u32 $0x1FFFE800, s6;
	v3 =	vadd.f32 v3, v5  }
0x1a0: {  	s7 =	simm.s32 $0xE780;
	s28 =	sadd.s32 s3, s6  }
0x1a1: {  	s18 =	simm.s32 $0x10;
	s19 =	simm.s32 $0xE880;
	s20 =	sadd.s32 $0x0, s28;
	[tilespmem:s24+$0x1A7B0] =	vst v3  }
.LBB2_15:
0x1a2: {  	[hbm4b:s20+s4] =	stream.linear.scatter [tilespmem:s7], [sflag:$0x6], $0x80, $0x38;
	[tilespmem:$0x1CF80] =	vst v63  }
0x1a3: {  	s20 =	smov.u32 s18;
	s7 =	smov.u32 s19;
	p0 =	sne.s32 s18, $0x3F0  }
.Ltmp6:
0x1a4: {  	s18 =	sadd.s32 $0x10, s18;
	(pc) =	sbr.rel @p0 .LBB2_15-.Ltmp6, $2  }
0x1a5: {  	_ =	sdelay $0x2  }
0x1a6: {  	s19 =	sadd.s32 $0x100, s19;
	s20 =	sadd.s32 s20, s28  }
0x1a7: {  	[hbm4b:s20+s4] =	stream.linear.scatter [tilespmem:s7], [sflag:$0x6], $0x80, $0x38;
	[tilespmem:$0x1CF80] =	vst v63  }
0x1a8: {  	s6 =	sadd.s32 s6, s16;
	s7 =	simm.s32 $0xE800  }
0x1a9: {  	s18 =	simm.s32 $0x10;
	s19 =	simm.s32 $0xE900;
	s20 =	sadd.s32 $0x0, s6  }
.LBB2_17:
0x1aa: {  	[hbm4b:s20+s4] =	stream.linear.scatter [tilespmem:s7], [sflag:$0x6], $0x80, $0x38;
	[tilespmem:$0x1CF80] =	vst v63  }
0x1ab: {  	s20 =	smov.u32 s18;
	s7 =	smov.u32 s19;
	p0 =	sne.s32 s18, $0x3F0  }
.Ltmp7:
0x1ac: {  	s18 =	sadd.s32 $0x10, s18;
	(pc) =	sbr.rel @p0 .LBB2_17-.Ltmp7, $2  }
0x1ad: {  	_ =	sdelay $0x2  }
0x1ae: {  	s19 =	sadd.s32 $0x100, s19;
	s20 =	sadd.s32 s20, s6  }
0x1af: {  	[hbm4b:s20+s4] =	stream.linear.scatter [tilespmem:s7], [sflag:$0x6], $0x80, $0x38;
	[tilespmem:$0x1CF80] =	vst v63  }
0x1b0: {  	p0 =	seq.s32 s23, $0x4F  }
0x1b1: {  	s6 =	simm.s32 @!p0 $0x5  }
0x1b2: {  	_ =	swait.ge @!p0 [sflag:s6], $0x2000  }
0x1b3: {  	[sflag:s6] =	ssyncset.done @!p0 $0x0  }
0x1b4: {  	[sflag:s6] =	ssyncadd.s32 @!p0 $0xFFFFE000  }
0x1b5: {  	_ =	swait.ge @!p0 [sflag:s6], $0x2000  }
0x1b6: {  	s7 =	sshll.u32 @!p0 s23, $0x9;
	[sflag:s6] =	ssyncset.done @!p0 $0x0  }
0x1b7: {  	s28 =	sand.u32 @!p0 $0x3FFFFE00, s7;
	[sflag:s6] =	ssyncadd.s32 @!p0 $0xFFFFE000  }
0x1b8: {  	v3 =	vld.msk @!p0 [tilespmem:s28+$0x200], $0x3;
	_ =	sdelay $0x4  }
0x1b9: {  	v4 =	vshll.u32 @!p0 v3, $0x6  }
0x1ba: {  	v5 =	vlaneseq.u32 @!p0;
	v3 =	vand.u32 @!p0 $0x7, v3;
	v4 =	vand.u32 @!p0 $0xFFFFFE00, v4  }
0x1bb: {  	v3 =	vor.u32 @!p0 v3, v4;
	v4 =	vand.u32 @!p0 $0x1, v5;
	v5 =	vshrl.u32 @!p0 v5, $0x1  }
0x1bc: {  	v3 =	vperm.xlane @!p0 v3, v4;
	v4 =	vmul.u32 @!p0 $0x8, v5;
	_ =	sdelay $0x1  }
0x1bd: {  	v3 =	vadd.s32 @!p0 v4, v3;
	_ =	sdelay $0x3  }
0x1be: {  	vm1 =	vmmov @!p0 $0xffff;
	s7 =	simm.s32 @!p0 $0xA780;
	s6 =	simm.s32 @!p0 $0x0  }
0x1bf: {  	[tilespmem:s7], [sflag:$0x1] =	stream.indirect_vreg.gather @!p0 [hbm4b:s2+s6], $0x80, v3, vm1, $0xb8;
	[tilespmem:$0x1CF80] =	vst v63  }
0x1c0: {  	s7 =	simm.s32 @!p0 $0xAF80  }
0x1c1: {  	[tilespmem:s7], [sflag:$0x1] =	stream.indirect_vreg.gather @!p0 [hbm4b:s8+s6], $0x80, v3, vm1, $0xb8;
	[tilespmem:$0x1CF80] =	vst v63  }
0x1c2: {  	s7 =	simm.s32 @!p0 $0xB780  }
0x1c3: {  	[tilespmem:s7], [sflag:$0x1] =	stream.indirect_vreg.gather @!p0 [hbm4b:s9+s6], $0x80, v3, vm1, $0xb8;
	[tilespmem:$0x1CF80] =	vst v63  }
0x1c4: {  	s7 =	simm.s32 @!p0 $0xBF80  }
0x1c5: {  	[tilespmem:s7], [sflag:$0x1] =	stream.indirect_vreg.gather @!p0 [hbm4b:s10+s6], $0x80, v3, vm1, $0xb8;
	[tilespmem:$0x1CF80] =	vst v63  }
0x1c6: {  	s7 =	simm.s32 @!p0 $0xC780  }
0x1c7: {  	[tilespmem:s7], [sflag:$0x1] =	stream.indirect_vreg.gather @!p0 [hbm4b:s11+s6], $0x80, v3, vm1, $0xb8;
	[tilespmem:$0x1CF80] =	vst v63  }
0x1c8: {  	s7 =	simm.s32 @!p0 $0xCF80  }
0x1c9: {  	[tilespmem:s7], [sflag:$0x1] =	stream.indirect_vreg.gather @!p0 [hbm4b:s12+s6], $0x80, v3, vm1, $0xb8;
	[tilespmem:$0x1CF80] =	vst v63  }
0x1ca: {  	s7 =	simm.s32 @!p0 $0xD780  }
0x1cb: {  	[tilespmem:s7], [sflag:$0x1] =	stream.indirect_vreg.gather @!p0 [hbm4b:s14+s6], $0x80, v3, vm1, $0xb8;
	[tilespmem:$0x1CF80] =	vst v63  }
0x1cc: {  	s7 =	simm.s32 @!p0 $0xDF80  }
0x1cd: {  	[tilespmem:s7], [sflag:$0x1] =	stream.indirect_vreg.gather @!p0 [hbm4b:s15+s6], $0x80, v3, vm1, $0xb8;
	[tilespmem:$0x1CF80] =	vst v63  }
0x1ce: {  	_ =	swait.ge [sflag:s1], $0x4000  }
0x1cf: {  	[sflag:s1] =	ssyncset.done $0x0  }
0x1d0: {  	s18 =	simm.s32 $0x0;
	[sflag:s1] =	ssyncadd.s32 $0xFFFFC000  }
0x1d1: {  	v3 =	vld [tilespmem:s18+$0x127B0]  }
0x1d2: {  	v4 =	vld [tilespmem:s18+$0x127F0]  }
0x1d3: {  	v5 =	vld [tilespmem:s18+$0x127A0]  }
0x1d4: {  	v6 =	vld [tilespmem:s18+$0x127E0]  }
0x1d5: {  	v7 =	vld [tilespmem:s18+$0x127C0]  }
0x1d6: {  	v8 =	vld [tilespmem:s18+$0x12790];
	v3 =	vmul.f32 $1.442695020e+00, v3  }
0x1d7: {  	v9 =	vld [tilespmem:s18+$0x12780];
	v4 =	vmul.f32 $1.442695020e+00, v4  }
0x1d8: {  	s19 =	simm.s32 $0x100;
	v10 =	vld [tilespmem:s18+$0x127D0];
	v5 =	vmul.f32 $1.442695020e+00, v5;
	(erf) = vpow2.f32 v3  }
0x1d9: {  	v3 =	vmul.f32 $1.442695020e+00, v6;
	(erf) = vpow2.f32 v4;
	v4 =	vld [tilespmem:s19+$0x127B0]  }
0x1da: {  	v7 =	vmul.f32 $1.442695020e+00, v7;
	(erf) = vpow2.f32 v5;
	v5 =	vld [tilespmem:s19+$0x127F0]  }
0x1db: {  	v8 =	vmul.f32 $1.442695020e+00, v8;
	(erf) = vpow2.f32 v3;
	v3 =	vld [tilespmem:s19+$0x127A0]  }
0x1dc: {  	v9 =	vmul.f32 $1.442695020e+00, v9;
	v6 =	vld [tilespmem:s19+$0x127E0];
	(erf) = vpow2.f32 v7  }
0x1dd: {  	v7 =	vmul.f32 $1.442695020e+00, v10;
	v10 =	vld [tilespmem:s19+$0x127C0];
	(erf) = vpow2.f32 v8  }
0x1de: {  	v11 =	vld [tilespmem:s19+$0x127D0];
	v4 =	vmul.f32 $1.442695020e+00, v4;
	(erf) = vpow2.f32 v9  }
0x1df: {  	s20 =	simm.s32 $0x200;
	v8 =	vld [tilespmem:s19+$0x12790];
	(erf) = vpow2.f32 v7  }
0x1e0: {  	v12 =	vld [tilespmem:s20+$0x127F0];
	v5 =	vmul.f32 $1.442695020e+00, v5;
	v3 =	vmul.f32 $1.442695020e+00, v3  }
0x1e1: {  	v6 =	vmul.f32 $1.442695020e+00, v6;
	v9 =	vld [tilespmem:s19+$0x12780];
	(erf) = vpow2.f32 v4  }
0x1e2: {  	v17 =	vld [tilespmem:s20+$0x127B0];
	v4 =	vpop (erf);
	(erf) = vpow2.f32 v5;
	v5 =	vmul.f32 $1.442695020e+00, v10  }
0x1e3: {  	v16 =	vpop (erf);
	(erf) = vpow2.f32 v3  }
0x1e4: {  	v18 =	vld [tilespmem:s20+$0x127A0];
	v20 =	vmul.f32 $1.442695020e+00, v11;
	v10 =	vimm.f32 $0.0e+00;
	v8 =	vmul.f32 $1.442695020e+00, v8;
	v3 =	vpop (erf)  }
0x1e5: {  	v15 =	vld [tilespmem:s20+$0x127E0];
	v14 =	vmul.f32 $1.442695020e+00, v12;
	(erf) = vpow2.f32 v6;
	v3 =	vadd.f32 v3, v10;
	v6 =	vpop (erf)  }
0x1e6: {  	v13 =	vld [tilespmem:s20+$0x127C0];
	v19 =	vmul.f32 $1.442695020e+00, v9;
	v4 =	vadd.f32 v4, v10;
	(erf) = vpow2.f32 v5;
	v5 =	vpop (erf)  }
0x1e7: {  	v17 =	vmul.f32 $1.442695020e+00, v17;
	v11 =	vld [tilespmem:s20+$0x127D0];
	(erf) = vpow2.f32 v8;
	v3 =	vadd.f32 v6, v3;
	v6 =	vpop (erf)  }
0x1e8: {  	v9 =	vld [tilespmem:s20+$0x12790];
	v4 =	vadd.f32 v16, v4;
	(erf) = vpow2.f32 v19;
	v6 =	vadd.f32 v6, v10;
	v8 =	vpop (erf)  }
0x1e9: {  	s30 =	simm.s32 $0x300;
	v7 =	vld [tilespmem:s20+$0x12780];
	v16 =	vmul.f32 $1.442695020e+00, v18;
	(erf) = vpow2.f32 v20;
	v18 =	vpop (erf);
	v12 =	vadd.f32 v8, v10  }
0x1ea: {  	s6 =	simm.s32 $0x1000;
	v8 =	vld [tilespmem:s30+$0x127E0];
	(erf) = vpow2.f32 v17;
	v10 =	vpop (erf);
	v6 =	vadd.f32 v18, v6  }
.LBB2_19:
0x1eb: {  	p1 =	sne.s32 s6, $0xFC00;
	v17 =	vld [tilespmem:s30+$0x127F0];
	v15 =	vmul.f32 $1.442695020e+00, v15;
	(erf) = vpow2.f32 v14;
	v18 =	vpop (erf);
	v12 =	vadd.f32 v5, v12;
	s7 =	smov.u32 s6;
	s6 =	sadd.s32 $0x400, s6  }
0x1ec: {  	v19 =	vld [tilespmem:s30+$0x127B0];
	v14 =	vmul.f32 $1.442695020e+00, v13;
	(erf) = vpow2.f32 v16;
	v13 =	vpop (erf)  }
0x1ed: {  	v20 =	vmul.f32 $1.442695020e+00, v9;
	v4 =	vadd.f32 v10, v4;
	v16 =	vld [tilespmem:s30+$0x127A0];
	v3 =	vadd.f32 v13, v3  }
0x1ee: {  	v21 =	vmul.f32 $1.442695020e+00, v7;
	v7 =	vld [tilespmem:s30+$0x12780];
	(erf) = vpow2.f32 v15;
	v13 =	vpop (erf)  }
.Ltmp8:
0x1ef: {  	v22 =	vmul.f32 $1.442695020e+00, v11;
	v9 =	vld [tilespmem:s30+$0x12790];
	(erf) = vpow2.f32 v14;
	v3 =	vadd.f32 v13, v3;
	v5 =	vpop (erf);
	(pc) =	sbr.rel @p1 .LBB2_19-.Ltmp8, $4  }
0x1f0: {  	v4 =	vadd.f32 v18, v4;
	v13 =	vld [tilespmem:s30+$0x127C0];
	v14 =	vmul.f32 $1.442695020e+00, v17;
	(erf) = vpow2.f32 v20;
	v17 =	vpop (erf)  }
0x1f1: {  	v18 =	vmul.f32 $1.442695020e+00, v19;
	v11 =	vld [tilespmem:s30+$0x127D0];
	(erf) = vpow2.f32 v21;
	v6 =	vadd.f32 v17, v6;
	v10 =	vpop (erf)  }
0x1f2: {  	s30 =	sshra.s32 s7, $0x2;
	v16 =	vmul.f32 $1.442695020e+00, v16;
	(erf) = vpow2.f32 v22;
	v12 =	vadd.f32 v10, v12;
	v15 =	vpop (erf)  }
0x1f3: {  	(erf) = vpow2.f32 v18;
	v10 =	vpop (erf);
	v6 =	vadd.f32 v15, v6;
	v15 =	vmov v8;
	v8 =	vld [tilespmem:s30+$0x127E0]  }
0x1f4: {  	v15 =	vmul.f32 $1.442695020e+00, v15;
	(erf) = vpow2.f32 v14;
	v14 =	vld [tilespmem:s30+$0x127B0]  }
0x1f5: {  	v17 =	vld [tilespmem:s30+$0x127F0];
	v13 =	vmul.f32 $1.442695020e+00, v13  }
0x1f6: {  	v18 =	vpop (erf);
	v19 =	vld [tilespmem:s30+$0x127A0];
	v9 =	vmul.f32 $1.442695020e+00, v9;
	(erf) = vpow2.f32 v16  }
0x1f7: {  	v7 =	vmul.f32 $1.442695020e+00, v7;
	v16 =	vpop (erf);
	(erf) = vpow2.f32 v15  }
0x1f8: {  	v20 =	vld [tilespmem:s30+$0x127C0];
	v11 =	vmul.f32 $1.442695020e+00, v11;
	v15 =	vpop (erf);
	(erf) = vpow2.f32 v13  }
0x1f9: {  	v13 =	vpop (erf);
	(erf) = vpow2.f32 v9;
	v9 =	vld [tilespmem:s30+$0x12790];
	v14 =	vmul.f32 $1.442695020e+00, v14  }
0x1fa: {  	v17 =	vmul.f32 $1.442695020e+00, v17;
	v21 =	vpop (erf);
	(erf) = vpow2.f32 v7  }
0x1fb: {  	v7 =	vld [tilespmem:s30+$0x12780];
	v22 =	vpop (erf);
	(erf) = vpow2.f32 v11;
	v11 =	vmul.f32 $1.442695020e+00, v19  }
0x1fc: {  	v8 =	vmul.f32 $1.442695020e+00, v8;
	v19 =	vpop (erf);
	(erf) = vpow2.f32 v14  }
0x1fd: {  	v20 =	vmul.f32 $1.442695020e+00, v20;
	v14 =	vld [tilespmem:s30+$0x127D0];
	v23 =	vpop (erf);
	(erf) = vpow2.f32 v17  }
0x1fe: {  	v17 =	vpop (erf);
	(erf) = vpow2.f32 v11;
	v9 =	vmul.f32 $1.442695020e+00, v9  }
0x1ff: {  	v11 =	vpop (erf);
	(erf) = vpow2.f32 v8  }
0x200: {  	v7 =	vmul.f32 $1.442695020e+00, v7;
	v8 =	vpop (erf);
	(erf) = vpow2.f32 v20  }
0x201: {  	v62 =	vpop (erf);
	(erf) = vpow2.f32 v9  }
0x202: {  	v9 =	vpop (erf);
	(erf) = vpow2.f32 v7;
	v7 =	vmul.f32 $1.442695020e+00, v14;
	_ =	sdelay $0x1  }
0x203: {  	v5 =	vadd.f32 v5, v12  }
0x204: {  	v4 =	vadd.f32 v10, v4;
	v3 =	vadd.f32 v16, v3;
	v10 =	vpop (erf)  }
0x205: {  	v6 =	vadd.f32 v21, v6;
	v5 =	vadd.f32 v22, v5;
	(erf) = vpow2.f32 v7;
	v7 =	vpop (erf)  }
0x206: {  	v4 =	vadd.f32 v18, v4;
	v3 =	vadd.f32 v15, v3;
	v12 =	vpop (erf)  }
0x207: {  	v6 =	vadd.f32 v19, v6;
	v5 =	vadd.f32 v13, v5;
	v13 =	vpop (erf)  }
0x208: {  	v4 =	vadd.f32 v23, v4;
	v3 =	vadd.f32 v11, v3;
	v11 =	vpop (erf)  }
0x209: {  	v6 =	vadd.f32 v9, v6;
	v5 =	vadd.f32 v10, v5;
	v9 =	vpop (erf)  }
0x20a: {  	v4 =	vadd.f32 v17, v4;
	v3 =	vadd.f32 v8, v3;
	v8 =	vpop (erf)  }
0x20b: {  	v5 =	vadd.f32 v62, v5;
	v6 =	vadd.f32 v7, v6;
	v7 =	vpop (erf)  }
0x20c: {  	v4 =	vadd.f32 v12, v4;
	v3 =	vadd.f32 v11, v3;
	v10 =	vpop (erf)  }
0x20d: {  	v6 =	vadd.f32 v7, v6;
	v5 =	vadd.f32 v10, v5  }
0x20e: {  	v4 =	vadd.f32 v13, v4;
	v3 =	vadd.f32 v9, v3;
	v7 =	vpop (erf)  }
0x20f: {  	v6 =	vadd.f32 v7, v6;
	v5 =	vadd.f32 v8, v5;
	_ =	sdelay $0x1  }
0x210: {  	v3 =	vadd.f32 v4, v3;
	v5 =	vadd.f32 v6, v5;
	_ =	sdelay $0x1  }
0x211: {  	v3 =	vadd.f32 v3, v5;
	_ =	sdelay $0x1  }
0x212: {  	s6 =	simm.s32 $0x0;
	[tilespmem:s24+$0x1A7C0] =	vst v3  }
0x213: {  	v3 =	vld [tilespmem:s6+$0x12830]  }
0x214: {  	v4 =	vld [tilespmem:s6+$0x12870]  }
0x215: {  	v5 =	vld [tilespmem:s6+$0x12820]  }
0x216: {  	v6 =	vld [tilespmem:s6+$0x12860]  }
0x217: {  	v7 =	vld [tilespmem:s6+$0x12840]  }
0x218: {  	v8 =	vld [tilespmem:s6+$0x12810];
	v3 =	vmul.f32 $1.442695020e+00, v3  }
0x219: {  	v9 =	vld [tilespmem:s6+$0x12800];
	v4 =	vmul.f32 $1.442695020e+00, v4  }
0x21a: {  	s19 =	simm.s32 $0x100;
	v10 =	vld [tilespmem:s6+$0x12850];
	v5 =	vmul.f32 $1.442695020e+00, v5;
	(erf) = vpow2.f32 v3  }
0x21b: {  	v3 =	vmul.f32 $1.442695020e+00, v6;
	(erf) = vpow2.f32 v4;
	v4 =	vld [tilespmem:s19+$0x12830]  }
0x21c: {  	v7 =	vmul.f32 $1.442695020e+00, v7;
	(erf) = vpow2.f32 v5;
	v5 =	vld [tilespmem:s19+$0x12870]  }
0x21d: {  	v8 =	vmul.f32 $1.442695020e+00, v8;
	(erf) = vpow2.f32 v3;
	v3 =	vld [tilespmem:s19+$0x12820]  }
0x21e: {  	v9 =	vmul.f32 $1.442695020e+00, v9;
	v6 =	vld [tilespmem:s19+$0x12860];
	(erf) = vpow2.f32 v7  }
0x21f: {  	v7 =	vmul.f32 $1.442695020e+00, v10;
	v10 =	vld [tilespmem:s19+$0x12840];
	(erf) = vpow2.f32 v8  }
0x220: {  	v11 =	vld [tilespmem:s19+$0x12850];
	v4 =	vmul.f32 $1.442695020e+00, v4;
	(erf) = vpow2.f32 v9  }
0x221: {  	s20 =	simm.s32 $0x200;
	v8 =	vld [tilespmem:s19+$0x12810];
	(erf) = vpow2.f32 v7  }
0x222: {  	v12 =	vld [tilespmem:s20+$0x12870];
	v5 =	vmul.f32 $1.442695020e+00, v5;
	v3 =	vmul.f32 $1.442695020e+00, v3  }
0x223: {  	v6 =	vmul.f32 $1.442695020e+00, v6;
	v9 =	vld [tilespmem:s19+$0x12800];
	(erf) = vpow2.f32 v4  }
0x224: {  	v17 =	vld [tilespmem:s20+$0x12830];
	(erf) = vpow2.f32 v5;
	v5 =	vmul.f32 $1.442695020e+00, v10;
	v4 =	vpop (erf)  }
0x225: {  	(erf) = vpow2.f32 v3;
	v16 =	vpop (erf)  }
0x226: {  	v18 =	vld [tilespmem:s20+$0x12820];
	v63 =	vmul.f32 $1.442695020e+00, v11;
	v10 =	vimm.f32 $0.0e+00;
	v8 =	vmul.f32 $1.442695020e+00, v8;
	v3 =	vpop (erf)  }
0x227: {  	v15 =	vld [tilespmem:s20+$0x12860];
	v14 =	vmul.f32 $1.442695020e+00, v12;
	(erf) = vpow2.f32 v6;
	v3 =	vadd.f32 v3, v10;
	v6 =	vpop (erf)  }
0x228: {  	v13 =	vld [tilespmem:s20+$0x12840];
	v19 =	vmul.f32 $1.442695020e+00, v9;
	v4 =	vadd.f32 v4, v10;
	(erf) = vpow2.f32 v5;
	v5 =	vpop (erf)  }
0x229: {  	v17 =	vmul.f32 $1.442695020e+00, v17;
	v11 =	vld [tilespmem:s20+$0x12850];
	(erf) = vpow2.f32 v8;
	v3 =	vadd.f32 v6, v3;
	v6 =	vpop (erf)  }
0x22a: {  	v9 =	vld [tilespmem:s20+$0x12810];
	v4 =	vadd.f32 v16, v4;
	(erf) = vpow2.f32 v19;
	v6 =	vadd.f32 v6, v10;
	v8 =	vpop (erf)  }
0x22b: {  	s30 =	simm.s32 $0x300;
	v7 =	vld [tilespmem:s20+$0x12800];
	v16 =	vmul.f32 $1.442695020e+00, v18;
	(erf) = vpow2.f32 v63;
	v18 =	vpop (erf);
	v12 =	vadd.f32 v8, v10  }
0x22c: {  	s6 =	simm.s32 $0x1000;
	v8 =	vld [tilespmem:s30+$0x12860];
	(erf) = vpow2.f32 v17;
	v10 =	vpop (erf);
	v6 =	vadd.f32 v18, v6  }
.LBB2_21:
0x22d: {  	p1 =	sne.s32 s6, $0xFC00;
	v17 =	vld [tilespmem:s30+$0x12870];
	v15 =	vmul.f32 $1.442695020e+00, v15;
	(erf) = vpow2.f32 v14;
	v18 =	vpop (erf);
	v12 =	vadd.f32 v5, v12;
	s7 =	smov.u32 s6;
	s6 =	sadd.s32 $0x400, s6  }
0x22e: {  	v19 =	vld [tilespmem:s30+$0x12830];
	v14 =	vmul.f32 $1.442695020e+00, v13;
	(erf) = vpow2.f32 v16;
	v13 =	vpop (erf)  }
0x22f: {  	v20 =	vmul.f32 $1.442695020e+00, v9;
	v4 =	vadd.f32 v10, v4;
	v16 =	vld [tilespmem:s30+$0x12820];
	v3 =	vadd.f32 v13, v3  }
0x230: {  	v21 =	vmul.f32 $1.442695020e+00, v7;
	v7 =	vld [tilespmem:s30+$0x12800];
	(erf) = vpow2.f32 v15;
	v13 =	vpop (erf)  }
.Ltmp9:
0x231: {  	v22 =	vmul.f32 $1.442695020e+00, v11;
	v9 =	vld [tilespmem:s30+$0x12810];
	(erf) = vpow2.f32 v14;
	v3 =	vadd.f32 v13, v3;
	v5 =	vpop (erf);
	(pc) =	sbr.rel @p1 .LBB2_21-.Ltmp9, $4  }
0x232: {  	v4 =	vadd.f32 v18, v4;
	v13 =	vld [tilespmem:s30+$0x12840];
	v14 =	vmul.f32 $1.442695020e+00, v17;
	(erf) = vpow2.f32 v20;
	v17 =	vpop (erf)  }
0x233: {  	v18 =	vmul.f32 $1.442695020e+00, v19;
	v11 =	vld [tilespmem:s30+$0x12850];
	(erf) = vpow2.f32 v21;
	v6 =	vadd.f32 v17, v6;
	v10 =	vpop (erf)  }
0x234: {  	s30 =	sshra.s32 s7, $0x2;
	v16 =	vmul.f32 $1.442695020e+00, v16;
	(erf) = vpow2.f32 v22;
	v12 =	vadd.f32 v10, v12;
	v15 =	vpop (erf)  }
0x235: {  	(erf) = vpow2.f32 v18;
	v10 =	vpop (erf);
	v6 =	vadd.f32 v15, v6;
	v15 =	vmov v8;
	v8 =	vld [tilespmem:s30+$0x12860]  }
0x236: {  	v15 =	vmul.f32 $1.442695020e+00, v15;
	(erf) = vpow2.f32 v14;
	v39 =	vld [tilespmem:s30+$0x12830]  }
0x237: {  	v17 =	vld [tilespmem:s30+$0x12870];
	v18 =	vpop (erf);
	v13 =	vmul.f32 $1.442695020e+00, v13;
	(erf) = vpow2.f32 v16  }
0x238: {  	v19 =	vld [tilespmem:s30+$0x12820];
	v9 =	vmul.f32 $1.442695020e+00, v9;
	v40 =	vpop (erf);
	(erf) = vpow2.f32 v15  }
0x239: {  	v7 =	vmul.f32 $1.442695020e+00, v7;
	v41 =	vpop (erf);
	(erf) = vpow2.f32 v13  }
0x23a: {  	v20 =	vld [tilespmem:s30+$0x12840];
	v11 =	vmul.f32 $1.442695020e+00, v11;
	v42 =	vpop (erf);
	(erf) = vpow2.f32 v9  }
0x23b: {  	v43 =	vld [tilespmem:s30+$0x12810];
	v21 =	vpop (erf);
	v14 =	vmul.f32 $1.442695020e+00, v39;
	(erf) = vpow2.f32 v7  }
0x23c: {  	v44 =	vld [tilespmem:s30+$0x12800];
	v17 =	vmul.f32 $1.442695020e+00, v17;
	v22 =	vpop (erf);
	(erf) = vpow2.f32 v11  }
0x23d: {  	v45 =	vmul.f32 $1.442695020e+00, v19;
	v46 =	vpop (erf);
	(erf) = vpow2.f32 v14  }
0x23e: {  	v47 =	vld [tilespmem:s30+$0x12850];
	v8 =	vmul.f32 $1.442695020e+00, v8;
	v23 =	vpop (erf);
	(erf) = vpow2.f32 v17  }
0x23f: {  	v20 =	vmul.f32 $1.442695020e+00, v20;
	v48 =	vpop (erf);
	(erf) = vpow2.f32 v45  }
0x240: {  	v9 =	vmul.f32 $1.442695020e+00, v43;
	v49 =	vpop (erf);
	(erf) = vpow2.f32 v8  }
0x241: {  	v7 =	vmul.f32 $1.442695020e+00, v44;
	v50 =	vpop (erf);
	(erf) = vpow2.f32 v20  }
0x242: {  	v51 =	vpop (erf);
	(erf) = vpow2.f32 v9  }
0x243: {  	v5 =	vadd.f32 v5, v12;
	v53 =	vmul.f32 $1.442695020e+00, v47;
	v52 =	vpop (erf);
	(erf) = vpow2.f32 v7  }
0x244: {  	v4 =	vadd.f32 v10, v4;
	v3 =	vadd.f32 v40, v3;
	v54 =	vpop (erf)  }
0x245: {  	v6 =	vadd.f32 v21, v6;
	v5 =	vadd.f32 v22, v5;
	(erf) = vpow2.f32 v53;
	v55 =	vpop (erf)  }
0x246: {  	v4 =	vadd.f32 v18, v4;
	v3 =	vadd.f32 v41, v3;
	v56 =	vpop (erf)  }
0x247: {  	v6 =	vadd.f32 v46, v6;
	v5 =	vadd.f32 v42, v5;
	v57 =	vpop (erf)  }
0x248: {  	v4 =	vadd.f32 v23, v4;
	v3 =	vadd.f32 v49, v3;
	v58 =	vpop (erf)  }
0x249: {  	v6 =	vadd.f32 v52, v6;
	v5 =	vadd.f32 v54, v5;
	v59 =	vpop (erf)  }
0x24a: {  	v4 =	vadd.f32 v48, v4;
	v3 =	vadd.f32 v50, v3;
	v60 =	vpop (erf)  }
0x24b: {  	v6 =	vadd.f32 v55, v6;
	v5 =	vadd.f32 v51, v5;
	v61 =	vpop (erf)  }
0x24c: {  	v4 =	vadd.f32 v56, v4;
	v3 =	vadd.f32 v58, v3;
	v62 =	vpop (erf)  }
0x24d: {  	v6 =	vadd.f32 v61, v6;
	v5 =	vadd.f32 v62, v5  }
0x24e: {  	v4 =	vadd.f32 v57, v4;
	v3 =	vadd.f32 v59, v3;
	v63 =	vpop (erf)  }
0x24f: {  	v6 =	vadd.f32 v63, v6;
	v5 =	vadd.f32 v60, v5;
	_ =	sdelay $0x1  }
0x250: {  	v3 =	vadd.f32 v4, v3;
	v5 =	vadd.f32 v6, v5  }
0x251: {  	s6 =	sshll.u32 s26, $0xB  }
0x252: {  	s6 =	sadd.s32 s13, s6;
	v3 =	vadd.f32 v3, v5  }
0x253: {  	s7 =	simm.s32 $0x12780;
	s26 =	sadd.s32 s3, s6  }
0x254: {  	s18 =	simm.s32 $0x10;
	s19 =	simm.s32 $0x12880;
	s20 =	sadd.s32 $0x0, s26;
	[tilespmem:s24+$0x1A7D0] =	vst v3  }
.LBB2_23:
0x255: {  	[hbm4b:s20+s4] =	stream.linear.scatter [tilespmem:s7], [sflag:$0x7], $0x80, $0x38;
	[tilespmem:$0x1CF80] =	vst v63  }
0x256: {  	s20 =	smov.u32 s18;
	s7 =	smov.u32 s19;
	p1 =	sne.s32 s18, $0x3F0  }
.Ltmp10:
0x257: {  	s18 =	sadd.s32 $0x10, s18;
	(pc) =	sbr.rel @p1 .LBB2_23-.Ltmp10, $2  }
0x258: {  	_ =	sdelay $0x2  }
0x259: {  	s19 =	sadd.s32 $0x100, s19;
	s20 =	sadd.s32 s20, s26  }
0x25a: {  	[hbm4b:s20+s4] =	stream.linear.scatter [tilespmem:s7], [sflag:$0x7], $0x80, $0x38;
	[tilespmem:$0x1CF80] =	vst v63  }
0x25b: {  	s6 =	sadd.s32 s6, s16;
	s7 =	simm.s32 $0x12800  }
0x25c: {  	s18 =	simm.s32 $0x10;
	s19 =	simm.s32 $0x12900;
	s20 =	sadd.s32 $0x0, s6  }
.LBB2_25:
0x25d: {  	[hbm4b:s20+s4] =	stream.linear.scatter [tilespmem:s7], [sflag:$0x7], $0x80, $0x38;
	[tilespmem:$0x1CF80] =	vst v63  }
0x25e: {  	s20 =	smov.u32 s18;
	s7 =	smov.u32 s19;
	p1 =	sne.s32 s18, $0x3F0  }
.Ltmp11:
0x25f: {  	s18 =	sadd.s32 $0x10, s18;
	(pc) =	sbr.rel @p1 .LBB2_25-.Ltmp11, $2  }
0x260: {  	_ =	sdelay $0x2  }
0x261: {  	s19 =	sadd.s32 $0x100, s19;
	s20 =	sadd.s32 s20, s6  }
0x262: {  	[hbm4b:s20+s4] =	stream.linear.scatter [tilespmem:s7], [sflag:$0x7], $0x80, $0x38;
	[tilespmem:$0x1CF80] =	vst v63  }
0x263: {  	s6 =	simm.s32 @!p0 $0x6  }
0x264: {  	_ =	swait.ge @!p0 [sflag:s6], $0x2000  }
0x265: {  	[sflag:s6] =	ssyncset.done @!p0 $0x0  }
0x266: {  	[sflag:s6] =	ssyncadd.s32 @!p0 $0xFFFFE000  }
0x267: {  	_ =	swait.ge @!p0 [sflag:s6], $0x2000  }
0x268: {  	[sflag:s6] =	ssyncset.done @!p0 $0x0  }
0x269: {  	[sflag:s6] =	ssyncadd.s32 @!p0 $0xFFFFE000  }
0x26a: {  	v3 =	vld.msk @!p0 [tilespmem:s28+$0x280], $0x3;
	_ =	sdelay $0x4  }
0x26b: {  	v4 =	vshll.u32 @!p0 v3, $0x6  }
0x26c: {  	v5 =	vlaneseq.u32 @!p0;
	v3 =	vand.u32 @!p0 $0x7, v3;
	v4 =	vand.u32 @!p0 $0xFFFFFE00, v4  }
0x26d: {  	v3 =	vor.u32 @!p0 v3, v4;
	v4 =	vand.u32 @!p0 $0x1, v5;
	v5 =	vshrl.u32 @!p0 v5, $0x1  }
0x26e: {  	v3 =	vperm.xlane @!p0 v3, v4;
	v4 =	vmul.u32 @!p0 $0x8, v5;
	_ =	sdelay $0x1  }
0x26f: {  	v3 =	vadd.s32 @!p0 v4, v3;
	_ =	sdelay $0x3  }
0x270: {  	s7 =	simm.s32 @!p0 $0xE780;
	s6 =	simm.s32 @!p0 $0x0  }
0x271: {  	[tilespmem:s7], [sflag:$0x2] =	stream.indirect_vreg.gather @!p0 [hbm4b:s2+s6], $0x80, v3, vm1, $0xb8;
	[tilespmem:$0x1CF80] =	vst v63  }
0x272: {  	s7 =	simm.s32 @!p0 $0xEF80  }
0x273: {  	[tilespmem:s7], [sflag:$0x2] =	stream.indirect_vreg.gather @!p0 [hbm4b:s8+s6], $0x80, v3, vm1, $0xb8;
	[tilespmem:$0x1CF80] =	vst v63  }
0x274: {  	s7 =	simm.s32 @!p0 $0xF780  }
0x275: {  	[tilespmem:s7], [sflag:$0x2] =	stream.indirect_vreg.gather @!p0 [hbm4b:s9+s6], $0x80, v3, vm1, $0xb8;
	[tilespmem:$0x1CF80] =	vst v63  }
0x276: {  	s7 =	simm.s32 @!p0 $0xFF80  }
0x277: {  	[tilespmem:s7], [sflag:$0x2] =	stream.indirect_vreg.gather @!p0 [hbm4b:s10+s6], $0x80, v3, vm1, $0xb8;
	[tilespmem:$0x1CF80] =	vst v63  }
0x278: {  	s7 =	simm.s32 @!p0 $0x10780  }
0x279: {  	[tilespmem:s7], [sflag:$0x2] =	stream.indirect_vreg.gather @!p0 [hbm4b:s11+s6], $0x80, v3, vm1, $0xb8;
	[tilespmem:$0x1CF80] =	vst v63  }
0x27a: {  	s7 =	simm.s32 @!p0 $0x10F80  }
0x27b: {  	[tilespmem:s7], [sflag:$0x2] =	stream.indirect_vreg.gather @!p0 [hbm4b:s12+s6], $0x80, v3, vm1, $0xb8;
	[tilespmem:$0x1CF80] =	vst v63  }
0x27c: {  	s7 =	simm.s32 @!p0 $0x11780  }
0x27d: {  	[tilespmem:s7], [sflag:$0x2] =	stream.indirect_vreg.gather @!p0 [hbm4b:s14+s6], $0x80, v3, vm1, $0xb8;
	[tilespmem:$0x1CF80] =	vst v63  }
0x27e: {  	s7 =	simm.s32 @!p0 $0x11F80  }
0x27f: {  	[tilespmem:s7], [sflag:$0x2] =	stream.indirect_vreg.gather @!p0 [hbm4b:s15+s6], $0x80, v3, vm1, $0xb8;
	[tilespmem:$0x1CF80] =	vst v63  }
0x280: {  	_ =	swait.ge [sflag:s0], $0x4000  }
0x281: {  	[sflag:s0] =	ssyncset.done $0x0  }
0x282: {  	s26 =	simm.s32 $0x0;
	[sflag:s0] =	ssyncadd.s32 $0xFFFFC000  }
0x283: {  	v3 =	vld [tilespmem:s26+$0x167B0]  }
0x284: {  	v4 =	vld [tilespmem:s26+$0x167F0]  }
0x285: {  	v5 =	vld [tilespmem:s26+$0x167A0]  }
0x286: {  	v6 =	vld [tilespmem:s26+$0x167E0]  }
0x287: {  	v7 =	vld [tilespmem:s26+$0x167C0]  }
0x288: {  	v8 =	vld [tilespmem:s26+$0x16790];
	v3 =	vmul.f32 $1.442695020e+00, v3  }
0x289: {  	v9 =	vld [tilespmem:s26+$0x16780];
	v4 =	vmul.f32 $1.442695020e+00, v4  }
0x28a: {  	s28 =	simm.s32 $0x100;
	v10 =	vld [tilespmem:s26+$0x167D0];
	v5 =	vmul.f32 $1.442695020e+00, v5;
	(erf) = vpow2.f32 v3  }
0x28b: {  	v3 =	vmul.f32 $1.442695020e+00, v6;
	(erf) = vpow2.f32 v4;
	v4 =	vld [tilespmem:s28+$0x167B0]  }
0x28c: {  	v7 =	vmul.f32 $1.442695020e+00, v7;
	(erf) = vpow2.f32 v5;
	v5 =	vld [tilespmem:s28+$0x167F0]  }
0x28d: {  	v8 =	vmul.f32 $1.442695020e+00, v8;
	(erf) = vpow2.f32 v3;
	v3 =	vld [tilespmem:s28+$0x167A0]  }
0x28e: {  	v9 =	vmul.f32 $1.442695020e+00, v9;
	v6 =	vld [tilespmem:s28+$0x167E0];
	(erf) = vpow2.f32 v7  }
0x28f: {  	v7 =	vmul.f32 $1.442695020e+00, v10;
	v10 =	vld [tilespmem:s28+$0x167C0];
	(erf) = vpow2.f32 v8  }
0x290: {  	v11 =	vld [tilespmem:s28+$0x167D0];
	v4 =	vmul.f32 $1.442695020e+00, v4;
	(erf) = vpow2.f32 v9  }
0x291: {  	s30 =	simm.s32 $0x200;
	v8 =	vld [tilespmem:s28+$0x16790];
	(erf) = vpow2.f32 v7  }
0x292: {  	v12 =	vld [tilespmem:s30+$0x167F0];
	v5 =	vmul.f32 $1.442695020e+00, v5;
	v3 =	vmul.f32 $1.442695020e+00, v3  }
0x293: {  	v6 =	vmul.f32 $1.442695020e+00, v6;
	v9 =	vld [tilespmem:s28+$0x16780];
	(erf) = vpow2.f32 v4  }
0x294: {  	v17 =	vld [tilespmem:s30+$0x167B0];
	v4 =	vpop (erf);
	(erf) = vpow2.f32 v5;
	v5 =	vmul.f32 $1.442695020e+00, v10  }
0x295: {  	v16 =	vpop (erf);
	(erf) = vpow2.f32 v3  }
0x296: {  	v18 =	vld [tilespmem:s30+$0x167A0];
	v20 =	vmul.f32 $1.442695020e+00, v11;
	v10 =	vimm.f32 $0.0e+00;
	v8 =	vmul.f32 $1.442695020e+00, v8;
	v3 =	vpop (erf)  }
0x297: {  	v15 =	vld [tilespmem:s30+$0x167E0];
	v14 =	vmul.f32 $1.442695020e+00, v12;
	(erf) = vpow2.f32 v6;
	v3 =	vadd.f32 v3, v10;
	v6 =	vpop (erf)  }
0x298: {  	v13 =	vld [tilespmem:s30+$0x167C0];
	v19 =	vmul.f32 $1.442695020e+00, v9;
	v4 =	vadd.f32 v4, v10;
	(erf) = vpow2.f32 v5;
	v5 =	vpop (erf)  }
0x299: {  	v17 =	vmul.f32 $1.442695020e+00, v17;
	v11 =	vld [tilespmem:s30+$0x167D0];
	(erf) = vpow2.f32 v8;
	v3 =	vadd.f32 v6, v3;
	v6 =	vpop (erf)  }
0x29a: {  	v9 =	vld [tilespmem:s30+$0x16790];
	v4 =	vadd.f32 v16, v4;
	(erf) = vpow2.f32 v19;
	v6 =	vadd.f32 v6, v10;
	v8 =	vpop (erf)  }
0x29b: {  	s26 =	simm.s32 $0x300;
	v7 =	vld [tilespmem:s30+$0x16780];
	v16 =	vmul.f32 $1.442695020e+00, v18;
	(erf) = vpow2.f32 v20;
	v18 =	vpop (erf);
	v12 =	vadd.f32 v8, v10  }
0x29c: {  	s6 =	simm.s32 $0x1000;
	v8 =	vld [tilespmem:s26+$0x167E0];
	(erf) = vpow2.f32 v17;
	v10 =	vpop (erf);
	v6 =	vadd.f32 v18, v6  }
.LBB2_27:
0x29d: {  	p0 =	sne.s32 s6, $0xFC00;
	v17 =	vld [tilespmem:s26+$0x167F0];
	v15 =	vmul.f32 $1.442695020e+00, v15;
	(erf) = vpow2.f32 v14;
	v18 =	vpop (erf);
	v12 =	vadd.f32 v5, v12;
	s7 =	smov.u32 s6;
	s6 =	sadd.s32 $0x400, s6  }
0x29e: {  	v19 =	vld [tilespmem:s26+$0x167B0];
	v14 =	vmul.f32 $1.442695020e+00, v13;
	(erf) = vpow2.f32 v16;
	v13 =	vpop (erf)  }
0x29f: {  	v20 =	vmul.f32 $1.442695020e+00, v9;
	v4 =	vadd.f32 v10, v4;
	v16 =	vld [tilespmem:s26+$0x167A0];
	v3 =	vadd.f32 v13, v3  }
0x2a0: {  	v21 =	vmul.f32 $1.442695020e+00, v7;
	v7 =	vld [tilespmem:s26+$0x16780];
	(erf) = vpow2.f32 v15;
	v13 =	vpop (erf)  }
.Ltmp12:
0x2a1: {  	v22 =	vmul.f32 $1.442695020e+00, v11;
	v9 =	vld [tilespmem:s26+$0x16790];
	(erf) = vpow2.f32 v14;
	v3 =	vadd.f32 v13, v3;
	v5 =	vpop (erf);
	(pc) =	sbr.rel @p0 .LBB2_27-.Ltmp12, $4  }
0x2a2: {  	v4 =	vadd.f32 v18, v4;
	v13 =	vld [tilespmem:s26+$0x167C0];
	v14 =	vmul.f32 $1.442695020e+00, v17;
	(erf) = vpow2.f32 v20;
	v17 =	vpop (erf)  }
0x2a3: {  	v18 =	vmul.f32 $1.442695020e+00, v19;
	v11 =	vld [tilespmem:s26+$0x167D0];
	(erf) = vpow2.f32 v21;
	v6 =	vadd.f32 v17, v6;
	v10 =	vpop (erf)  }
0x2a4: {  	s26 =	sshra.s32 s7, $0x2;
	v16 =	vmul.f32 $1.442695020e+00, v16;
	(erf) = vpow2.f32 v22;
	v12 =	vadd.f32 v10, v12;
	v15 =	vpop (erf)  }
0x2a5: {  	(erf) = vpow2.f32 v18;
	v10 =	vpop (erf);
	v6 =	vadd.f32 v15, v6;
	v15 =	vmov v8;
	v8 =	vld [tilespmem:s26+$0x167E0]  }
0x2a6: {  	v15 =	vmul.f32 $1.442695020e+00, v15;
	(erf) = vpow2.f32 v14;
	v14 =	vld [tilespmem:s26+$0x167B0]  }
0x2a7: {  	v17 =	vld [tilespmem:s26+$0x167F0];
	v13 =	vmul.f32 $1.442695020e+00, v13  }
0x2a8: {  	v18 =	vpop (erf);
	v19 =	vld [tilespmem:s26+$0x167A0];
	v9 =	vmul.f32 $1.442695020e+00, v9;
	(erf) = vpow2.f32 v16  }
0x2a9: {  	v7 =	vmul.f32 $1.442695020e+00, v7;
	v16 =	vpop (erf);
	(erf) = vpow2.f32 v15  }
0x2aa: {  	v20 =	vld [tilespmem:s26+$0x167C0];
	v11 =	vmul.f32 $1.442695020e+00, v11;
	v15 =	vpop (erf);
	(erf) = vpow2.f32 v13  }
0x2ab: {  	v13 =	vpop (erf);
	(erf) = vpow2.f32 v9;
	v9 =	vld [tilespmem:s26+$0x16790];
	v14 =	vmul.f32 $1.442695020e+00, v14  }
0x2ac: {  	v17 =	vmul.f32 $1.442695020e+00, v17;
	v21 =	vpop (erf);
	(erf) = vpow2.f32 v7  }
0x2ad: {  	v7 =	vld [tilespmem:s26+$0x16780];
	v22 =	vpop (erf);
	(erf) = vpow2.f32 v11;
	v11 =	vmul.f32 $1.442695020e+00, v19  }
0x2ae: {  	v8 =	vmul.f32 $1.442695020e+00, v8;
	v19 =	vpop (erf);
	(erf) = vpow2.f32 v14  }
0x2af: {  	v20 =	vmul.f32 $1.442695020e+00, v20;
	v14 =	vld [tilespmem:s26+$0x167D0];
	v23 =	vpop (erf);
	(erf) = vpow2.f32 v17  }
0x2b0: {  	v17 =	vpop (erf);
	(erf) = vpow2.f32 v11;
	v9 =	vmul.f32 $1.442695020e+00, v9  }
0x2b1: {  	v11 =	vpop (erf);
	(erf) = vpow2.f32 v8  }
0x2b2: {  	v7 =	vmul.f32 $1.442695020e+00, v7;
	v8 =	vpop (erf);
	(erf) = vpow2.f32 v20  }
0x2b3: {  	v62 =	vpop (erf);
	(erf) = vpow2.f32 v9  }
0x2b4: {  	v9 =	vpop (erf);
	(erf) = vpow2.f32 v7;
	v7 =	vmul.f32 $1.442695020e+00, v14;
	_ =	sdelay $0x1  }
0x2b5: {  	v5 =	vadd.f32 v5, v12  }
0x2b6: {  	v4 =	vadd.f32 v10, v4;
	v3 =	vadd.f32 v16, v3;
	v10 =	vpop (erf)  }
0x2b7: {  	v6 =	vadd.f32 v21, v6;
	v5 =	vadd.f32 v22, v5;
	(erf) = vpow2.f32 v7;
	v7 =	vpop (erf)  }
0x2b8: {  	v4 =	vadd.f32 v18, v4;
	v3 =	vadd.f32 v15, v3;
	v12 =	vpop (erf)  }
0x2b9: {  	v6 =	vadd.f32 v19, v6;
	v5 =	vadd.f32 v13, v5;
	v13 =	vpop (erf)  }
0x2ba: {  	v4 =	vadd.f32 v23, v4;
	v3 =	vadd.f32 v11, v3;
	v11 =	vpop (erf)  }
0x2bb: {  	v6 =	vadd.f32 v9, v6;
	v5 =	vadd.f32 v10, v5;
	v9 =	vpop (erf)  }
0x2bc: {  	v4 =	vadd.f32 v17, v4;
	v3 =	vadd.f32 v8, v3;
	v8 =	vpop (erf)  }
0x2bd: {  	v5 =	vadd.f32 v62, v5;
	v6 =	vadd.f32 v7, v6;
	v7 =	vpop (erf)  }
0x2be: {  	v4 =	vadd.f32 v12, v4;
	v3 =	vadd.f32 v11, v3;
	v10 =	vpop (erf)  }
0x2bf: {  	v6 =	vadd.f32 v7, v6;
	v5 =	vadd.f32 v10, v5  }
0x2c0: {  	v4 =	vadd.f32 v13, v4;
	v3 =	vadd.f32 v9, v3;
	v7 =	vpop (erf)  }
0x2c1: {  	v6 =	vadd.f32 v7, v6;
	v5 =	vadd.f32 v8, v5;
	_ =	sdelay $0x1  }
0x2c2: {  	v3 =	vadd.f32 v4, v3;
	v5 =	vadd.f32 v6, v5;
	_ =	sdelay $0x1  }
0x2c3: {  	v3 =	vadd.f32 v3, v5;
	_ =	sdelay $0x1  }
0x2c4: {  	s6 =	simm.s32 $0x0;
	[tilespmem:s24+$0x1A7E0] =	vst v3  }
0x2c5: {  	v3 =	vld [tilespmem:s6+$0x16830]  }
0x2c6: {  	v4 =	vld [tilespmem:s6+$0x16870]  }
0x2c7: {  	v5 =	vld [tilespmem:s6+$0x16820]  }
0x2c8: {  	v6 =	vld [tilespmem:s6+$0x16860]  }
0x2c9: {  	v7 =	vld [tilespmem:s6+$0x16840]  }
0x2ca: {  	v8 =	vld [tilespmem:s6+$0x16810];
	v3 =	vmul.f32 $1.442695020e+00, v3  }
0x2cb: {  	v9 =	vld [tilespmem:s6+$0x16800];
	v4 =	vmul.f32 $1.442695020e+00, v4  }
0x2cc: {  	s28 =	simm.s32 $0x100;
	v10 =	vld [tilespmem:s6+$0x16850];
	v5 =	vmul.f32 $1.442695020e+00, v5;
	(erf) = vpow2.f32 v3  }
0x2cd: {  	v3 =	vmul.f32 $1.442695020e+00, v6;
	(erf) = vpow2.f32 v4;
	v4 =	vld [tilespmem:s28+$0x16830]  }
0x2ce: {  	v7 =	vmul.f32 $1.442695020e+00, v7;
	(erf) = vpow2.f32 v5;
	v5 =	vld [tilespmem:s28+$0x16870]  }
0x2cf: {  	v8 =	vmul.f32 $1.442695020e+00, v8;
	(erf) = vpow2.f32 v3;
	v3 =	vld [tilespmem:s28+$0x16820]  }
0x2d0: {  	v9 =	vmul.f32 $1.442695020e+00, v9;
	v6 =	vld [tilespmem:s28+$0x16860];
	(erf) = vpow2.f32 v7  }
0x2d1: {  	v7 =	vmul.f32 $1.442695020e+00, v10;
	v10 =	vld [tilespmem:s28+$0x16840];
	(erf) = vpow2.f32 v8  }
0x2d2: {  	v11 =	vld [tilespmem:s28+$0x16850];
	v4 =	vmul.f32 $1.442695020e+00, v4;
	(erf) = vpow2.f32 v9  }
0x2d3: {  	s30 =	simm.s32 $0x200;
	v8 =	vld [tilespmem:s28+$0x16810];
	(erf) = vpow2.f32 v7  }
0x2d4: {  	v12 =	vld [tilespmem:s30+$0x16870];
	v5 =	vmul.f32 $1.442695020e+00, v5;
	v3 =	vmul.f32 $1.442695020e+00, v3  }
0x2d5: {  	v6 =	vmul.f32 $1.442695020e+00, v6;
	v9 =	vld [tilespmem:s28+$0x16800];
	(erf) = vpow2.f32 v4  }
0x2d6: {  	v17 =	vld [tilespmem:s30+$0x16830];
	(erf) = vpow2.f32 v5;
	v5 =	vmul.f32 $1.442695020e+00, v10;
	v4 =	vpop (erf)  }
0x2d7: {  	(erf) = vpow2.f32 v3;
	v16 =	vpop (erf)  }
0x2d8: {  	v18 =	vld [tilespmem:s30+$0x16820];
	v63 =	vmul.f32 $1.442695020e+00, v11;
	v10 =	vimm.f32 $0.0e+00;
	v8 =	vmul.f32 $1.442695020e+00, v8;
	v3 =	vpop (erf)  }
0x2d9: {  	v15 =	vld [tilespmem:s30+$0x16860];
	v14 =	vmul.f32 $1.442695020e+00, v12;
	(erf) = vpow2.f32 v6;
	v3 =	vadd.f32 v3, v10;
	v6 =	vpop (erf)  }
0x2da: {  	v13 =	vld [tilespmem:s30+$0x16840];
	v19 =	vmul.f32 $1.442695020e+00, v9;
	v4 =	vadd.f32 v4, v10;
	(erf) = vpow2.f32 v5;
	v5 =	vpop (erf)  }
0x2db: {  	v17 =	vmul.f32 $1.442695020e+00, v17;
	v11 =	vld [tilespmem:s30+$0x16850];
	(erf) = vpow2.f32 v8;
	v3 =	vadd.f32 v6, v3;
	v6 =	vpop (erf)  }
0x2dc: {  	v9 =	vld [tilespmem:s30+$0x16810];
	v4 =	vadd.f32 v16, v4;
	(erf) = vpow2.f32 v19;
	v6 =	vadd.f32 v6, v10;
	v8 =	vpop (erf)  }
0x2dd: {  	s26 =	simm.s32 $0x300;
	v7 =	vld [tilespmem:s30+$0x16800];
	v16 =	vmul.f32 $1.442695020e+00, v18;
	(erf) = vpow2.f32 v63;
	v18 =	vpop (erf);
	v12 =	vadd.f32 v8, v10  }
0x2de: {  	s6 =	simm.s32 $0x1000;
	v8 =	vld [tilespmem:s26+$0x16860];
	(erf) = vpow2.f32 v17;
	v10 =	vpop (erf);
	v6 =	vadd.f32 v18, v6  }
.LBB2_29:
0x2df: {  	p0 =	sne.s32 s6, $0xFC00;
	v17 =	vld [tilespmem:s26+$0x16870];
	v15 =	vmul.f32 $1.442695020e+00, v15;
	(erf) = vpow2.f32 v14;
	v18 =	vpop (erf);
	v12 =	vadd.f32 v5, v12;
	s7 =	smov.u32 s6;
	s6 =	sadd.s32 $0x400, s6  }
0x2e0: {  	v19 =	vld [tilespmem:s26+$0x16830];
	v14 =	vmul.f32 $1.442695020e+00, v13;
	(erf) = vpow2.f32 v16;
	v13 =	vpop (erf)  }
0x2e1: {  	v20 =	vmul.f32 $1.442695020e+00, v9;
	v4 =	vadd.f32 v10, v4;
	v16 =	vld [tilespmem:s26+$0x16820];
	v3 =	vadd.f32 v13, v3  }
0x2e2: {  	v21 =	vmul.f32 $1.442695020e+00, v7;
	v7 =	vld [tilespmem:s26+$0x16800];
	(erf) = vpow2.f32 v15;
	v13 =	vpop (erf)  }
.Ltmp13:
0x2e3: {  	v22 =	vmul.f32 $1.442695020e+00, v11;
	v9 =	vld [tilespmem:s26+$0x16810];
	(erf) = vpow2.f32 v14;
	v3 =	vadd.f32 v13, v3;
	v5 =	vpop (erf);
	(pc) =	sbr.rel @p0 .LBB2_29-.Ltmp13, $4  }
0x2e4: {  	v4 =	vadd.f32 v18, v4;
	v13 =	vld [tilespmem:s26+$0x16840];
	v14 =	vmul.f32 $1.442695020e+00, v17;
	(erf) = vpow2.f32 v20;
	v17 =	vpop (erf)  }
0x2e5: {  	v18 =	vmul.f32 $1.442695020e+00, v19;
	v11 =	vld [tilespmem:s26+$0x16850];
	(erf) = vpow2.f32 v21;
	v6 =	vadd.f32 v17, v6;
	v10 =	vpop (erf)  }
0x2e6: {  	s26 =	sshra.s32 s7, $0x2;
	v16 =	vmul.f32 $1.442695020e+00, v16;
	(erf) = vpow2.f32 v22;
	v12 =	vadd.f32 v10, v12;
	v15 =	vpop (erf)  }
0x2e7: {  	(erf) = vpow2.f32 v18;
	v10 =	vpop (erf);
	v6 =	vadd.f32 v15, v6;
	v15 =	vmov v8;
	v8 =	vld [tilespmem:s26+$0x16860]  }
0x2e8: {  	v15 =	vmul.f32 $1.442695020e+00, v15;
	(erf) = vpow2.f32 v14;
	v39 =	vld [tilespmem:s26+$0x16830]  }
0x2e9: {  	v17 =	vld [tilespmem:s26+$0x16870];
	v18 =	vpop (erf);
	v13 =	vmul.f32 $1.442695020e+00, v13;
	(erf) = vpow2.f32 v16  }
0x2ea: {  	v19 =	vld [tilespmem:s26+$0x16820];
	v9 =	vmul.f32 $1.442695020e+00, v9;
	v40 =	vpop (erf);
	(erf) = vpow2.f32 v15  }
0x2eb: {  	v7 =	vmul.f32 $1.442695020e+00, v7;
	v41 =	vpop (erf);
	(erf) = vpow2.f32 v13  }
0x2ec: {  	v20 =	vld [tilespmem:s26+$0x16840];
	v11 =	vmul.f32 $1.442695020e+00, v11;
	v42 =	vpop (erf);
	(erf) = vpow2.f32 v9  }
0x2ed: {  	v43 =	vld [tilespmem:s26+$0x16810];
	v21 =	vpop (erf);
	v14 =	vmul.f32 $1.442695020e+00, v39;
	(erf) = vpow2.f32 v7  }
0x2ee: {  	v44 =	vld [tilespmem:s26+$0x16800];
	v17 =	vmul.f32 $1.442695020e+00, v17;
	v22 =	vpop (erf);
	(erf) = vpow2.f32 v11  }
0x2ef: {  	v45 =	vmul.f32 $1.442695020e+00, v19;
	v46 =	vpop (erf);
	(erf) = vpow2.f32 v14  }
0x2f0: {  	v47 =	vld [tilespmem:s26+$0x16850];
	v8 =	vmul.f32 $1.442695020e+00, v8;
	v23 =	vpop (erf);
	(erf) = vpow2.f32 v17  }
0x2f1: {  	v20 =	vmul.f32 $1.442695020e+00, v20;
	v48 =	vpop (erf);
	(erf) = vpow2.f32 v45  }
0x2f2: {  	v9 =	vmul.f32 $1.442695020e+00, v43;
	v49 =	vpop (erf);
	(erf) = vpow2.f32 v8  }
0x2f3: {  	v7 =	vmul.f32 $1.442695020e+00, v44;
	v50 =	vpop (erf);
	(erf) = vpow2.f32 v20  }
0x2f4: {  	v51 =	vpop (erf);
	(erf) = vpow2.f32 v9  }
0x2f5: {  	v5 =	vadd.f32 v5, v12;
	v53 =	vmul.f32 $1.442695020e+00, v47;
	v52 =	vpop (erf);
	(erf) = vpow2.f32 v7  }
0x2f6: {  	v4 =	vadd.f32 v10, v4;
	v3 =	vadd.f32 v40, v3;
	v54 =	vpop (erf)  }
0x2f7: {  	v6 =	vadd.f32 v21, v6;
	v5 =	vadd.f32 v22, v5;
	(erf) = vpow2.f32 v53;
	v55 =	vpop (erf)  }
0x2f8: {  	v4 =	vadd.f32 v18, v4;
	v3 =	vadd.f32 v41, v3;
	v56 =	vpop (erf)  }
0x2f9: {  	v6 =	vadd.f32 v46, v6;
	v5 =	vadd.f32 v42, v5;
	v57 =	vpop (erf)  }
0x2fa: {  	v4 =	vadd.f32 v23, v4;
	v3 =	vadd.f32 v49, v3;
	v58 =	vpop (erf)  }
0x2fb: {  	v6 =	vadd.f32 v52, v6;
	v5 =	vadd.f32 v54, v5;
	v59 =	vpop (erf)  }
0x2fc: {  	v4 =	vadd.f32 v48, v4;
	v3 =	vadd.f32 v50, v3;
	v60 =	vpop (erf)  }
0x2fd: {  	v6 =	vadd.f32 v55, v6;
	v5 =	vadd.f32 v51, v5;
	v61 =	vpop (erf)  }
0x2fe: {  	v4 =	vadd.f32 v56, v4;
	v3 =	vadd.f32 v58, v3;
	v62 =	vpop (erf)  }
0x2ff: {  	v6 =	vadd.f32 v61, v6;
	v5 =	vadd.f32 v62, v5  }
0x300: {  	v4 =	vadd.f32 v57, v4;
	v3 =	vadd.f32 v59, v3;
	v63 =	vpop (erf)  }
0x301: {  	v6 =	vadd.f32 v63, v6;
	v5 =	vadd.f32 v60, v5;
	_ =	sdelay $0x1  }
0x302: {  	v3 =	vadd.f32 v4, v3;
	v5 =	vadd.f32 v6, v5  }
0x303: {  	s6 =	sshll.u32 s25, $0xB  }
0x304: {  	s6 =	sadd.s32 s13, s6;
	v3 =	vadd.f32 v3, v5  }
0x305: {  	s7 =	simm.s32 $0x16780;
	s25 =	sadd.s32 s3, s6  }
0x306: {  	s18 =	simm.s32 $0x10;
	s19 =	simm.s32 $0x16880;
	s20 =	sadd.s32 $0x0, s25;
	[tilespmem:s24+$0x1A7F0] =	vst v3  }
.LBB2_31:
0x307: {  	[hbm4b:s20+s4] =	stream.linear.scatter [tilespmem:s7], [sflag:$0x8], $0x80, $0x38;
	[tilespmem:$0x1CF80] =	vst v63  }
0x308: {  	s20 =	smov.u32 s18;
	s7 =	smov.u32 s19;
	p0 =	sne.s32 s18, $0x3F0  }
.Ltmp14:
0x309: {  	s18 =	sadd.s32 $0x10, s18;
	(pc) =	sbr.rel @p0 .LBB2_31-.Ltmp14, $2  }
0x30a: {  	_ =	sdelay $0x2  }
0x30b: {  	s19 =	sadd.s32 $0x100, s19;
	s20 =	sadd.s32 s20, s25  }
0x30c: {  	[hbm4b:s20+s4] =	stream.linear.scatter [tilespmem:s7], [sflag:$0x8], $0x80, $0x38;
	[tilespmem:$0x1CF80] =	vst v63  }
0x30d: {  	s6 =	sadd.s32 s6, s16;
	s7 =	simm.s32 $0x16800  }
0x30e: {  	s18 =	simm.s32 $0x10;
	s19 =	simm.s32 $0x16900;
	s20 =	sadd.s32 $0x0, s6  }
.LBB2_33:
0x30f: {  	[hbm4b:s20+s4] =	stream.linear.scatter [tilespmem:s7], [sflag:$0x8], $0x80, $0x38;
	[tilespmem:$0x1CF80] =	vst v63  }
0x310: {  	s20 =	smov.u32 s18;
	s7 =	smov.u32 s19;
	p0 =	sne.s32 s18, $0x3F0  }
.Ltmp15:
0x311: {  	s18 =	sadd.s32 $0x10, s18;
	(pc) =	sbr.rel @p0 .LBB2_33-.Ltmp15, $2  }
0x312: {  	_ =	sdelay $0x2  }
0x313: {  	s19 =	sadd.s32 $0x100, s19;
	s20 =	sadd.s32 s20, s6  }
0x314: {  	s23 =	sadd.s32 $0x1, s23  }
0x315: {  	p0 =	sne.s32 s23, $0x50  }
.Ltmp16:
0x316: {  	_ = 	snop;
	(pc) =	sbr.rel @p0 .LBB2_2-.Ltmp16, $2  }
0x317: {  	_ =	sdelay $0x2  }
0x318: {  	[hbm4b:s20+s4] =	stream.linear.scatter [tilespmem:s7], [sflag:$0x8], $0x80, $0x38;
	[tilespmem:$0x1CF80] =	vst v63  }
0x319: {  	s6 =	simm.s32 $0x5  }
0x31a: {  	_ =	swait.ge [sflag:s6], $0x2000  }
0x31b: {  	[sflag:s6] =	ssyncset.done $0x0  }
0x31c: {  	[sflag:s6] =	ssyncadd.s32 $0xFFFFE000  }
0x31d: {  	_ =	swait.ge [sflag:s6], $0x2000  }
0x31e: {  	[sflag:s6] =	ssyncset.done $0x0  }
0x31f: {  	s25 =	simm.s32 $0x6;
	[sflag:s6] =	ssyncadd.s32 $0xFFFFE000  }
0x320: {  	_ =	swait.ge [sflag:s25], $0x2000  }
0x321: {  	[sflag:s25] =	ssyncset.done $0x0  }
0x322: {  	[sflag:s25] =	ssyncadd.s32 $0xFFFFE000  }
0x323: {  	_ =	swait.ge [sflag:s25], $0x2000  }
0x324: {  	[sflag:s25] =	ssyncset.done $0x0  }
0x325: {  	s26 =	simm.s32 $0x7;
	[sflag:s25] =	ssyncadd.s32 $0xFFFFE000  }
0x326: {  	_ =	swait.ge [sflag:s26], $0x2000  }
0x327: {  	[sflag:s26] =	ssyncset.done $0x0  }
0x328: {  	[sflag:s26] =	ssyncadd.s32 $0xFFFFE000  }
0x329: {  	_ =	swait.ge [sflag:s26], $0x2000  }
0x32a: {  	[sflag:s26] =	ssyncset.done $0x0  }
0x32b: {  	s28 =	simm.s32 $0x8;
	[sflag:s26] =	ssyncadd.s32 $0xFFFFE000  }
0x32c: {  	_ =	swait.ge [sflag:s28], $0x2000  }
0x32d: {  	[sflag:s28] =	ssyncset.done $0x0  }
0x32e: {  	[sflag:s28] =	ssyncadd.s32 $0xFFFFE000  }
0x32f: {  	_ =	swait.ge [sflag:s28], $0x2000  }
0x330: {  	s30 =	simm.s32 $0x0;
	[sflag:s28] =	ssyncset.done $0x0  }
0x331: {  	s18 =	simm.s32 $0x1A780;
	s7 =	rddreg [dreg:$0x6];
	[sflag:s28] =	ssyncadd.s32 $0xFFFFE000  }
0x332: {  	[hbm4b:s7+s30] =	stream.linear.scatter [tilespmem:s18], [sflag:$0xA], $0x2800, $0x38;
	[tilespmem:$0x1CF80] =	vst v63  }
0x333: {  	s18 =	simm.s32 $0xA  }
0x334: {  	_ =	swait.ge [sflag:s18], $0x2800  }
0x335: {  	[sflag:s18] =	ssyncset.done $0x0;
	s24 =	rddreg [dreg:$0x9]  }
0x336: {  	s6 =	simm.s32 $0x0;
	v3 =	vmov s24;
	[sflag:s18] =	ssyncadd.s32 $0xFFFFD800  }
0x337: {  	v4 =	vshll.u32 v3, $0xD;
	v3 =	vld [tilespmem:s6+$0xA000];
	_ =	sdelay $0x3  }
0x338: {  	s23 =	simm.s32 $0x40;
	v4 =	vor.u32 v2, v4  }
.LBB2_36:
0x339: {  	s7 =	sshra.s32 s23, $0x2;
	p0 =	sne.s32 s23, $0x9C0;
	s23 =	sadd.s32 $0x40, s23;
	v4 =	vadd.s32 v4, v3  }
.Ltmp17:
0x33a: {  	v3 =	vld [tilespmem:s7+$0xA000];
	[tilespmem:s6+$0xA280] =	vst v4;
	s6 =	smov.u32 s7;
	(pc) =	sbr.rel @p0 .LBB2_36-.Ltmp17, $4  }
0x33b: {  	s24 =	sadd.s32 $0x10, s24  }
0x33c: {  	v4 =	vmov s24  }
0x33d: {  	v4 =	vshll.u32 v4, $0xD  }
0x33e: {  	v4 =	vor.u32 v2, v4  }
0x33f: {  	v3 =	vadd.s32 v4, v3  }
0x340: {  	s7 =	simm.s32 $0xA280;
	s19 =	simm.s32 $0xA500;
	[tilespmem:s6+$0xA280] =	vst v3;
	s6 =	simm.s32 $0x80  }
0x341: {  	[tilespmem:s19], [sflag:$0x9] =	stream.indirect.gather [hbm4b:s3+s6], $0x1, s7, s6, $0xb8;
	[tilespmem:$0x1CF80] =	vst v63  }
0x342: {  	s24 =	simm.s32 $0xA300;
	s20 =	simm.s32 $0xA580  }
0x343: {  	[tilespmem:s20], [sflag:$0x9] =	stream.indirect.gather [hbm4b:s3+s6], $0x1, s24, s6, $0xb8;
	[tilespmem:$0x1CF80] =	vst v63  }
0x344: {  	s25 =	simm.s32 $0xA380;
	s26 =	simm.s32 $0xA600  }
0x345: {  	[tilespmem:s26], [sflag:$0x9] =	stream.indirect.gather [hbm4b:s3+s6], $0x1, s25, s6, $0xb8;
	[tilespmem:$0x1CF80] =	vst v63  }
0x346: {  	s28 =	simm.s32 $0xA400;
	s30 =	simm.s32 $0xA680  }
0x347: {  	[tilespmem:s30], [sflag:$0x9] =	stream.indirect.gather [hbm4b:s3+s6], $0x1, s28, s6, $0xb8;
	[tilespmem:$0x1CF80] =	vst v63  }
0x348: {  	s23 =	simm.s32 $0xA480;
	s24 =	simm.s32 $0xA700;
	s25 =	simm.s32 $0x9  }
0x349: {  	[tilespmem:s24], [sflag:$0x9] =	stream.indirect.gather [hbm4b:s3+s6], $0x1, s23, s6, $0xb8;
	[tilespmem:$0x1CF80] =	vst v63  }
0x34a: {  	_ =	swait.ge [sflag:s25], $0x80  }
0x34b: {  	[sflag:s25] =	ssyncset.done $0x0  }
0x34c: {  	[sflag:s25] =	ssyncadd.s32 $0xFFFFFF80  }
0x34d: {  	_ =	swait.ge [sflag:s25], $0x80  }
0x34e: {  	[sflag:s25] =	ssyncset.done $0x0  }
0x34f: {  	[sflag:s25] =	ssyncadd.s32 $0xFFFFFF80  }
0x350: {  	_ =	swait.ge [sflag:s25], $0x80  }
0x351: {  	[sflag:s25] =	ssyncset.done $0x0  }
0x352: {  	[sflag:s25] =	ssyncadd.s32 $0xFFFFFF80  }
0x353: {  	_ =	swait.ge [sflag:s25], $0x80  }
0x354: {  	[sflag:s25] =	ssyncset.done $0x0  }
0x355: {  	[sflag:s25] =	ssyncadd.s32 $0xFFFFFF80  }
0x356: {  	_ =	swait.ge [sflag:s25], $0x80  }
0x357: {  	[sflag:s25] =	ssyncset.done $0x0  }
0x358: {  	s26 =	rddreg [dreg:$0x7];
	[sflag:s25] =	ssyncadd.s32 $0xFFFFFF80  }
0x359: {  	[hbm4b:s26+s4] =	stream.linear.scatter [tilespmem:s19], [sflag:$0xA], $0x280, $0x38;
	[tilespmem:$0x1CF80] =	vst v63  }
0x35a: {  	_ =	swait.ge [sflag:s18], $0x280  }
0x35b: {  	s28 =	rddreg [dreg:$0xa]  }
0x35c: {  	s30 =	rddreg [dreg:$0x8];
	s7 =	sadd.s32 $0x1, s28  }
0x35d: {  	p0 =	sne.s32 s7, s30  }
.Ltmp18:
0x35e: {  	_ = 	snop;
	(pc) =	sbr.rel @p0 .LBB2_1-.Ltmp18, $3  }
0x35f: {  	_ =	sdelay $0x1  }
0x360: {  	[sflag:s18] =	ssyncset.done $0x0  }
0x361: {  	[sflag:s18] =	ssyncadd.s32 $0xFFFFFD80  }
0x362: {  	_ =	sfence.sel $0x180000  }
0x363: {  	[bflag:$0x0] =	sbarrier.arrive $0xFFFF  }
0x364: {  	_ =	strace $0x90000047  }
0x365: {  	s0 =	stileid.u32;
	[bflag:$0x2] =	sbarrier.arrive $0xFFFF  }
0x366: {  	p0 =	sne.s32 s0, $0x0;
	s0 =	rddreg [dreg:$0x3]  }
0x367: {  	s0 =	sadd.s32 @!p0 $0x100000, s0  }
0x368: {  	[sflag:s0] =	ssyncadd.tile.s32 @!p0 $0x1;
	_ =	shalt  }
.Lfunc_end2:
_tile_overlayer_lowered:
.L_overlay_start_2:
0x369: {  	(tag) =	ssettag $0x2  }
0x36a: {  	s0 =	rddreg [dreg:$0x0];
	s2 =	stileid.u32  }
0x36b: {  	s1 =	rddreg [dreg:$0x1];
	p0 =	sne.s32 s2, $0x0  }
0x36c: {  	s3 =	rddreg [dreg:$0x2];
	[bflag:$0x3] =	sbarrier.arrive $0xFFFF;
	s2 =	simm.s32 @!p0 $0x1C0A  }
0x36d: {  	[timem:s3], [sflag:s2] =	dma.local @!p0 [hbm:s0], s1  }
0x36e: {  	s0 =	simm.s32 @!p0 $0xA  }
0x36f: {  	_ =	swait.ge @!p0 [sflag:s0], s1  }
0x370: {  	s1 =	ssub.s32 @!p0 $0x0, s1;
	[sflag:s0] =	ssyncset.done @!p0 $0x0  }
0x371: {  	[sflag:s0] =	ssyncadd.s32 @!p0 s1  }
0x372: {  	[bflag:$0x3] =	sbarrier.arrive $0xFFFF  }
0x373: {  	_ =	shalt  }

</sc_bundles>
